<compile_context>
chip_gen: v7x
topology: tpu7x:2x2x1
jax: 0.10.2.dev20260603
libtpu: 0.0.44.dev20260713+nightly
codegen_flags: <defaults>
</compile_context>

<pallas_src>
import jax
import jax.numpy as jnp
from jax import lax
from jax.experimental import pallas as pl
from jax.experimental.pallas import tpu as pltpu
from jax.experimental.pallas import tpu_sc as plsc

_B, _FIN, _N, _T = 8, 32, 64, 128
_HID, _OUT = 64, 128
_E = 512
_EPS = 1e-5
_G = _B * _T
_GC = 128
_L = 2 * _N


def _gelu(v):
    return 0.5 * v * (1.0 + jax.lax.erf(v * (2.0 ** -0.5)))


def _leaky(v):
    return jnp.maximum(v, 0.2 * v)


def _adj_sc_kernel(ei_hbm, out_hbm, ei_v, idx_v, ones_v, stage_v, acc_sh):
    wid = lax.axis_index("s") * 2 + lax.axis_index("c")

    @pl.when(wid == 0)
    def _():
        pltpu.sync_copy(ei_hbm, ei_v)
        zero16 = jnp.zeros((16,), jnp.float32)
        one16 = jnp.ones((16,), jnp.float32)
        for i in range(_N * _N // 16):
            stage_v[pl.ds(i * 16, 16)] = zero16
        pltpu.sync_copy(stage_v, acc_sh)
        for i in range(_E // 16):
            s = ei_v[0, pl.ds(i * 16, 16)]
            d = ei_v[1, pl.ds(i * 16, 16)]
            idx_v[pl.ds(i * 16, 16)] = d * _N + s
            ones_v[pl.ds(i * 16, 16)] = one16
        pltpu.sync_copy(ones_v, acc_sh.at[idx_v], add=True)
        pltpu.sync_copy(acc_sh, stage_v)
        pltpu.sync_copy(stage_v, out_hbm)


def _adj_counts(edge_index):
    run = pl.kernel(
        _adj_sc_kernel,
        mesh=plsc.VectorSubcoreMesh(core_axis_name="c", subcore_axis_name="s"),
        out_type=jax.ShapeDtypeStruct((_N * _N,), jnp.float32),
        scratch_types=[
            pltpu.VMEM((2, _E), jnp.int32),
            pltpu.VMEM((_E,), jnp.int32),
            pltpu.VMEM((_E,), jnp.float32),
            pltpu.VMEM((_N * _N,), jnp.float32),
            pltpu.VMEM_SHARED((_N * _N,), jnp.float32),
        ],
    )
    return run(edge_index).reshape(_N, _N)


def _bdot(a, b):
    return jax.lax.dot_general(
        a, b, (((2,), (1,)), ((0,), (0,))),
        preferred_element_type=jnp.float32)


def _graph_bound(aux):
    h2 = aux.shape[2]
    auxt = jnp.swapaxes(aux, 1, 2)
    m = jnp.max(auxt, axis=2, keepdims=True)
    mi = jnp.max(m[:, :h2 // 2], axis=1, keepdims=True)
    mj = jnp.max(m[:, h2 // 2:], axis=1, keepdims=True)
    return _leaky(mi + mj)


def _softmax_num(adj2, ind, amat, aicat, bound):
    bmat = jnp.concatenate([aicat, ind], axis=2)
    logit = jax.lax.dot_general(
        amat, bmat, (((2,), (2,)), ((0,), (0,))),
        preferred_element_type=jnp.float32)
    ex = adj2 * jnp.exp(_leaky(logit) - bound)
    den = _bdot(ex, ind)
    return ex, den


def _main_kernel(x_ref, adj_ref, ew_ref, eb_ref,
                 w1_ref, s1_ref, b1_ref,
                 w2_ref, s2_ref, b2_ref,
                 w3_ref, s3_ref, b3_ref, out_ref):
    eye = (jax.lax.broadcasted_iota(jnp.int32, (_N, _N), 0)
           == jax.lax.broadcasted_iota(jnp.int32, (_N, _N), 1)
           ).astype(jnp.float32)
    a = adj_ref[...] + eye
    adj2 = jnp.concatenate([a, a], axis=1)
    lane = jax.lax.broadcasted_iota(jnp.int32, (_L, 2), 0)
    col = jax.lax.broadcasted_iota(jnp.int32, (_L, 2), 1)
    ind = ((lane < _N) == (col == 0)).astype(jnp.float32)
    indc = jax.lax.broadcasted_iota(jnp.int32, (2, _HID), 1)
    indh = jnp.where((indc < _HID // 2)
                     == (jax.lax.broadcasted_iota(jnp.int32, (2, _HID), 0) == 0),
                     1.0, 0.0)
    indw = jnp.where((jax.lax.broadcasted_iota(jnp.int32, (2, _L), 1) < _N)
                     == (jax.lax.broadcasted_iota(jnp.int32, (2, _L), 0) == 0),
                     1.0, 0.0)
    indg = jnp.broadcast_to(ind[None], (_GC, _L, 2))
    indg2 = jnp.broadcast_to(ind[None], (_GC // 2, _L, 2))
    indhg = jnp.broadcast_to(indh[None], (_GC, 2, _HID))
    indwg = jnp.broadcast_to(indw[None], (_GC // 2, 2, _L))

    h = x_ref[...].reshape(_GC * _N, _FIN)
    h = jnp.dot(h, ew_ref[...], preferred_element_type=jnp.float32)
    h = _gelu(h + eb_ref[...])

    def layer2h(h, w_ref, s_ref, b_ref):
        z = jnp.dot(h, w_ref[...], preferred_element_type=jnp.float32)
        zz = z.reshape(_GC, _N, 2 * _HID + 4)
        stack = jnp.concatenate(
            [zz[:, :, :_HID], zz[:, :, _HID:2 * _HID]], axis=1)
        aux = zz[:, :, 2 * _HID:]
        bound = _graph_bound(aux)
        amat = jnp.concatenate(
            [jnp.ones((_GC, _N, 1), jnp.float32),
             aux[:, :, 2:4]], axis=2)
        aicat = jnp.concatenate(
            [aux[:, :, 0:1], aux[:, :, 1:2]], axis=1)
        ex, den = _softmax_num(adj2, indg, amat, aicat, bound)
        out = _bdot(ex, stack)
        dwide = _bdot(den, indhg)
        out = (out / dwide).reshape(_GC * _N, _HID)
        return _gelu(out * s_ref[...] + b_ref[...])

    h = layer2h(h, w1_ref, s1_ref, b1_ref)
    h = layer2h(h, w2_ref, s2_ref, b2_ref)

    z = jnp.dot(h, w3_ref[...], preferred_element_type=jnp.float32)
    zz = z.reshape(_GC, _N, _OUT + 2)
    xw = zz[:, :, :_OUT]
    hgc = _GC // 2
    ai = zz[:, :, _OUT:_OUT + 1]
    aj = zz[:, :, _OUT + 1:_OUT + 2]
    aux3 = jnp.concatenate(
        [ai[:hgc], ai[hgc:], aj[:hgc], aj[hgc:]], axis=2)
    bound = _graph_bound(aux3)
    amat = jnp.concatenate(
        [jnp.ones((hgc, _N, 1), jnp.float32), aux3[:, :, 2:4]], axis=2)
    aicat = jnp.concatenate([ai[:hgc], ai[hgc:]], axis=1)
    ex, den = _softmax_num(adj2, indg2, amat, aicat, bound)
    attn = ex / _bdot(den, indwg)
    out = jnp.concatenate(
        [_bdot(attn[:, :, :_N], xw[:hgc]),
         _bdot(attn[:, :, _N:], xw[hgc:])], axis=0)
    out = _gelu(out * s3_ref[...][:, None, :] + b3_ref[...][:, None, :])
    out_ref[...] = jnp.mean(out, axis=1)


def _augment2(W, a_s, a_d):
    H, C = a_s.shape
    zero = jnp.zeros_like(W[:, :C])
    wlo = jnp.concatenate([W[:, :C], zero], axis=1)
    whi = jnp.concatenate([zero, W[:, C:]], axis=1)
    ps = jnp.stack([W[:, h * C:(h + 1) * C] @ a_s[h] for h in range(H)], axis=1)
    pd = jnp.stack([W[:, h * C:(h + 1) * C] @ a_d[h] for h in range(H)], axis=1)
    return jnp.concatenate([wlo, whi, ps, pd], axis=1)


def _augment1(W, a_s, a_d):
    ps = (W @ a_s[0])[:, None]
    pd = (W @ a_d[0])[:, None]
    return jnp.concatenate([W, ps, pd], axis=1)


def kernel(x, edge_index, enc_W, enc_b, bn0_g, bn0_b,
           W1, as1, ad1, b1, g1, be1,
           W2, as2, ad2, b2, g2, be2,
           W3, as3, ad3, b3, g3, be3):
    inv = 1.0 / jnp.sqrt(1.0 + _EPS)
    s0 = bn0_g * inv
    ew = enc_W.T * s0[None, :]
    eb = (enc_b * s0 + bn0_b)[None, :]
    s1 = (g1 * inv)[None, :]
    bf1 = (b1 * s1[0] + be1)[None, :]
    s2 = (g2 * inv)[None, :]
    bf2 = (b2 * s2[0] + be2)[None, :]
    s3 = (g3 * inv)[None, :]
    bf3 = (b3 * s3[0] + be3)[None, :]
    w1 = _augment2(W1, as1, ad1)
    w2 = _augment2(W2, as2, ad2)
    w3 = _augment1(W3, as3, ad3)

    adj = _adj_counts(edge_index)

    xt = jnp.transpose(x, (0, 3, 2, 1)).reshape(_G, _N, _FIN)

    full = lambda shape: pl.BlockSpec(shape, lambda i: (0,) * len(shape))
    out = pl.pallas_call(
        _main_kernel,
        grid=(_G // _GC,),
        in_specs=[
            pl.BlockSpec((_GC, _N, _FIN), lambda i: (i, 0, 0)),
            full((_N, _N)),
            full((_FIN, _HID)), full((1, _HID)),
            full((_HID, 2 * _HID + 4)), full((1, _HID)), full((1, _HID)),
            full((_HID, 2 * _HID + 4)), full((1, _HID)), full((1, _HID)),
            full((_HID, _OUT + 2)), full((1, _OUT)), full((1, _OUT)),
        ],
        out_specs=pl.BlockSpec((_GC, _OUT), lambda i: (i, 0)),
        out_shape=jax.ShapeDtypeStruct((_G, _OUT), jnp.float32),
    )(xt, adj, ew, eb, w1, s1, bf1, w2, s2, bf2, w3, s3, bf3)

    return out.reshape(_B, _T, _OUT)

# --- scband reference (transcript-rebuilt; emitter-appended) ---
"""Pipeline reference for scband-eeggatencoder-67104569033139 (READ-ONLY COPY).

The authoritative reference and input builder live on the scoring server;
editing this copy changes nothing except your own understanding.
"""

import jax, jax.numpy as jnp
import numpy as np

B, FIN, N, T = 8, 32, 64, 128
HID, OUT = 64, 128
E = 512
EPS = 1e-5


def setup_inputs(seed: int = 0):
    key = jax.random.key(seed)
    ks = jax.random.split(key, 30)
    def nrm(k, shape, s=0.1):
        return jax.random.normal(k, shape, dtype=jnp.float32) * s
    inp = {}
    inp['x'] = jax.random.normal(ks[0], (B, FIN, N, T), dtype=jnp.float32)
    inp['edge_index'] = jax.random.randint(ks[1], (2, E), 0, N, dtype=jnp.int32)
    inp['enc_W'] = nrm(ks[2], (HID, FIN))
    inp['enc_b'] = nrm(ks[3], (HID,), 0.05)
    inp['bn0_g'] = 1.0 + nrm(ks[4], (HID,), 0.05)
    inp['bn0_b'] = nrm(ks[5], (HID,), 0.05)
    inp['W1'] = nrm(ks[6], (HID, HID))
    inp['as1'] = nrm(ks[7], (2, HID // 2))
    inp['ad1'] = nrm(ks[8], (2, HID // 2))
    inp['b1'] = nrm(ks[9], (HID,), 0.05)
    inp['g1'] = 1.0 + nrm(ks[10], (HID,), 0.05)
    inp['be1'] = nrm(ks[11], (HID,), 0.05)
    inp['W2'] = nrm(ks[12], (HID, HID))
    inp['as2'] = nrm(ks[13], (2, HID // 2))
    inp['ad2'] = nrm(ks[14], (2, HID // 2))
    inp['b2'] = nrm(ks[15], (HID,), 0.05)
    inp['g2'] = 1.0 + nrm(ks[16], (HID,), 0.05)
    inp['be2'] = nrm(ks[17], (HID,), 0.05)
    inp['W3'] = nrm(ks[18], (HID, OUT))
    inp['as3'] = nrm(ks[19], (1, OUT))
    inp['ad3'] = nrm(ks[20], (1, OUT))
    inp['b3'] = nrm(ks[21], (OUT,), 0.05)
    inp['g3'] = 1.0 + nrm(ks[22], (OUT,), 0.05)
    inp['be3'] = nrm(ks[23], (OUT,), 0.05)
    return inp


def _batch_edge_index(edge_index, G, num_nodes):
    offs = (jnp.arange(G, dtype=edge_index.dtype) * num_nodes)[:, None, None]
    ei = edge_index[None, :, :] + offs
    return jnp.transpose(ei, (1, 0, 2)).reshape(2, -1)


def _gat(xf, ei, W, a_s, a_d, bias, num_nodes):
    # Faithful PyG GATConv: lin -> per-head attention logits -> LeakyReLU(0.2)
    # -> softmax over incoming edges per dst -> weighted scatter-add; self-loops added.
    H, C = a_s.shape
    loops = jnp.arange(num_nodes, dtype=ei.dtype)
    src = jnp.concatenate([ei[0], loops])
    dst = jnp.concatenate([ei[1], loops])
    xw = (xf @ W).reshape(num_nodes, H, C)
    a_i = jnp.sum(xw * a_s[None, :, :], axis=-1)
    a_j = jnp.sum(xw * a_d[None, :, :], axis=-1)
    alpha = jax.nn.leaky_relu(a_i[src] + a_j[dst], 0.2)
    amax = jax.ops.segment_max(alpha, dst, num_segments=num_nodes)
    ex = jnp.exp(alpha - amax[dst])
    den = jax.ops.segment_sum(ex, dst, num_segments=num_nodes)
    attn = ex / den[dst]
    msg = xw[src] * attn[:, :, None]
    out = jax.ops.segment_sum(msg, dst, num_segments=num_nodes)
    return out.reshape(num_nodes, H * C) + bias[None, :]


def _bn(x, g, b):
    # eval-mode BatchNorm1d with running_mean=0, running_var=1
    return x / jnp.sqrt(1.0 + EPS) * g + b


def _forward(x, edge_index, enc_W, enc_b, bn0_g, bn0_b, W1, as1, ad1, b1, g1, be1, W2, as2, ad2, b2, g2, be2, W3, as3, ad3, b3, g3, be3):
    Bq, Fin, Nn, Tt = x.shape
    h = jnp.einsum('bint,oi->bont', x, enc_W) + enc_b[None, :, None, None]
    h = h / jnp.sqrt(1.0 + EPS) * bn0_g[None, :, None, None] + bn0_b[None, :, None, None]
    h = jax.nn.gelu(h, approximate=False)
    h = jnp.transpose(h, (0, 3, 2, 1)).reshape(Bq * Tt, Nn, -1)

    def block(hh, W, a_s, a_d, bias, g, b):
        Gd, Nd, Fd = hh.shape
        ei = _batch_edge_index(edge_index, Gd, Nd)
        out = _gat(hh.reshape(Gd * Nd, Fd), ei, W, a_s, a_d, bias, Gd * Nd)
        out = jax.nn.gelu(_bn(out, g, b), approximate=False)
        return out.reshape(Gd, Nd, -1)

    h = block(h, W1, as1, ad1, b1, g1, be1)
    h = block(h, W2, as2, ad2, b2, g2, be2)
    h = block(h, W3, as3, ad3, b3, g3, be3)
    h = h.mean(axis=1)
    return h.reshape(Bq, Tt, -1)


def reference(x, edge_index, enc_W, enc_b, bn0_g, bn0_b, W1, as1, ad1, b1, g1, be1, W2, as2, ad2, b2, g2, be2, W3, as3, ad3, b3, g3, be3):
    return _forward(x, edge_index, enc_W, enc_b, bn0_g, bn0_b, W1, as1, ad1, b1, g1, be1, W2, as2, ad2, b2, g2, be2, W3, as3, ad3, b3, g3, be3)

if __name__ == "__main__":
    import jax
    _d = setup_inputs()
    print(jax.jit(kernel)(*tuple(_d.values())))

</pallas_src>

<mosaic_0001>
#map = affine_map<(d0, d1) -> (0, 0)>
#map1 = affine_map<(d0, d1) -> (0)>
module attributes {stable_mosaic.version = 14 : i64} {
  func.func @_adj_sc_kernel(%arg0: i32, %arg1: i32, %arg2: memref<2x512xi32, #tpu.memory_space<hbm>>, %arg3: memref<4096xf32, #tpu.memory_space<hbm>>, %arg4: memref<2x512xi32, #tpu.memory_space<vmem>>, %arg5: memref<512xi32, #tpu.memory_space<vmem>>, %arg6: memref<512xf32, #tpu.memory_space<vmem>>, %arg7: memref<4096xf32, #tpu.memory_space<vmem>>, %arg8: memref<4096xf32, #tpu.memory_space<vmem_shared>>) attributes {dimension_semantics = [#tpu.dimension_semantics<core_parallel>, #tpu.dimension_semantics<subcore_parallel>], iteration_bounds = array<i64: 2, 16>, scalar_prefetch = 0 : i64, scratch_operands = 5 : i64, tpu.core_type = #tpu.core_type<sc_vector_subcore>, window_params = [{transform_indices = #map}, {transform_indices = #map1}]} {
    %mul3A = arith.constant 2 : i32
    %mul3A_0 = arith.muli %arg1, %mul3A : i32
    %add3A = arith.addi %mul3A_0, %arg0 : i32
    %eq3A = arith.constant 0 : i32
    %eq3A_1 = arith.cmpi eq, %add3A, %eq3A : i32
    %convert_element_type3A = arith.extui %eq3A_1 : i1 to i32
    %cond3A = arith.constant 0 : i32
    %cond3A_2 = arith.cmpi ne, %convert_element_type3A, %cond3A : i32
    scf.if %cond3A_2 {
      "tpu.region"() ({
        %run_scoped3A = tpu.sem_alloc : memref<!tpu.dma_semaphore, #tpu.memory_space<semaphore_mem>>
        tpu.enqueue_dma source(%arg2 : memref<2x512xi32, #tpu.memory_space<hbm>>) target(%arg4 : memref<2x512xi32, #tpu.memory_space<vmem>>) target_semaphore(%run_scoped3A : memref<!tpu.dma_semaphore, #tpu.memory_space<semaphore_mem>>)
        tpu.wait_dma2 semaphore(%run_scoped3A : memref<!tpu.dma_semaphore, #tpu.memory_space<semaphore_mem>>) src(%arg2 : memref<2x512xi32, #tpu.memory_space<hbm>>) dst(%arg4 : memref<2x512xi32, #tpu.memory_space<vmem>>)
        tpu.yield
      }) : () -> ()
      %broadcast_in_dim3A = arith.constant 0.000000e+00 : f32
      %broadcast_in_dim3A_3 = vector.broadcast %broadcast_in_dim3A : f32 to vector<16xf32>
      %broadcast_in_dim3A_4 = arith.constant 1.000000e+00 : f32
      %broadcast_in_dim3A_5 = vector.broadcast %broadcast_in_dim3A_4 : f32 to vector<16xf32>
      %swap3A = arith.constant 0 : index
      %swap3A_6 = tpu.vector_load %arg7[%swap3A] {strides = array<i32>} : memref<4096xf32, #tpu.memory_space<vmem>>, vector<16xf32>,
      %swap3A_7 = vector.shape_cast %swap3A_6 : vector<16xf32> to vector<16xf32>
      %swap3A_8 = vector.shape_cast %broadcast_in_dim3A_3 : vector<16xf32> to vector<16xf32>
      tpu.vector_store %arg7[%swap3A], %swap3A_8 {strides = array<i32>} : memref<4096xf32, #tpu.memory_space<vmem>>, vector<16xf32>,
      %swap3A_9 = arith.constant 16 : index
      %swap3A_10 = tpu.vector_load %arg7[%swap3A_9] {strides = array<i32>} : memref<4096xf32, #tpu.memory_space<vmem>>, vector<16xf32>,
      %swap3A_11 = vector.shape_cast %swap3A_10 : vector<16xf32> to vector<16xf32>
      %swap3A_12 = vector.shape_cast %broadcast_in_dim3A_3 : vector<16xf32> to vector<16xf32>
      tpu.vector_store %arg7[%swap3A_9], %swap3A_12 {strides = array<i32>} : memref<4096xf32, #tpu.memory_space<vmem>>, vector<16xf32>,
      %swap3A_13 = arith.constant 32 : index
      %swap3A_14 = tpu.vector_load %arg7[%swap3A_13] {strides = array<i32>} : memref<4096xf32, #tpu.memory_space<vmem>>, vector<16xf32>,
      %swap3A_15 = vector.shape_cast %swap3A_14 : vector<16xf32> to vector<16xf32>
      %swap3A_16 = vector.shape_cast %broadcast_in_dim3A_3 : vector<16xf32> to vector<16xf32>
      tpu.vector_store %arg7[%swap3A_13], %swap3A_16 {strides = array<i32>} : memref<4096xf32, #tpu.memory_space<vmem>>, vector<16xf32>,
      %swap3A_17 = arith.constant 48 : index
      %swap3A_18 = tpu.vector_load %arg7[%swap3A_17] {strides = array<i32>} : memref<4096xf32, #tpu.memory_space<vmem>>, vector<16xf32>,
      %swap3A_19 = vector.shape_cast %swap3A_18 : vector<16xf32> to vector<16xf32>
      %swap3A_20 = vector.shape_cast %broadcast_in_dim3A_3 : vector<16xf32> to vector<16xf32>
      tpu.vector_store %arg7[%swap3A_17], %swap3A_20 {strides = array<i32>} : memref<4096xf32, #tpu.memory_space<vmem>>, vector<16xf32>,
      %swap3A_21 = arith.constant 64 : index
      %swap3A_22 = tpu.vector_load %arg7[%swap3A_21] {strides = array<i32>} : memref<4096xf32, #tpu.memory_space<vmem>>, vector<16xf32>,
      %swap3A_23 = vector.shape_cast %swap3A_22 : vector<16xf32> to vector<16xf32>
      %swap3A_24 = vector.shape_cast %broadcast_in_dim3A_3 : vector<16xf32> to vector<16xf32>
      tpu.vector_store %arg7[%swap3A_21], %swap3A_24 {strides = array<i32>} : memref<4096xf32, #tpu.memory_space<vmem>>, vector<16xf32>,
      %swap3A_25 = arith.constant 80 : index
      %swap3A_26 = tpu.vector_load %arg7[%swap3A_25] {strides = array<i32>} : memref<4096xf32, #tpu.memory_space<vmem>>, vector<16xf32>,
      %swap3A_27 = vector.shape_cast %swap3A_26 : vector<16xf32> to vector<16xf32>
      %swap3A_28 = vector.shape_cast %broadcast_in_dim3A_3 : vector<16xf32> to vector<16xf32>
      tpu.vector_store %arg7[%swap3A_25], %swap3A_28 {strides = array<i32>} : memref<4096xf32, #tpu.memory_space<vmem>>, vector<16xf32>,
      %swap3A_29 = arith.constant 96 : index
      %swap3A_30 = tpu.vector_load %arg7[%swap3A_29] {strides = array<i32>} : memref<4096xf32, #tpu.memory_space<vmem>>, vector<16xf32>,
      %swap3A_31 = vector.shape_cast %swap3A_30 : vector<16xf32> to vector<16xf32>
      %swap3A_32 = vector.shape_cast %broadcast_in_dim3A_3 : vector<16xf32> to vector<16xf32>
      tpu.vector_store %arg7[%swap3A_29], %swap3A_32 {strides = array<i32>} : memref<4096xf32, #tpu.memory_space<vmem>>, vector<16xf32>,
      %swap3A_33 = arith.constant 112 : index
      %swap3A_34 = tpu.vector_load %arg7[%swap3A_33] {strides = array<i32>} : memref<4096xf32, #tpu.memory_space<vmem>>, vector<16xf32>,
      %swap3A_35 = vector.shape_cast %swap3A_34 : vector<16xf32> to vector<16xf32>
      %swap3A_36 = vector.shape_cast %broadcast_in_dim3A_3 : vector<16xf32> to vector<16xf32>
      tpu.vector_store %arg7[%swap3A_33], %swap3A_36 {strides = array<i32>} : memref<4096xf32, #tpu.memory_space<vmem>>, vector<16xf32>,
      %swap3A_37 = arith.constant 128 : index
      %swap3A_38 = tpu.vector_load %arg7[%swap3A_37] {strides = array<i32>} : memref<4096xf32, #tpu.memory_space<vmem>>, vector<16xf32>,
      %swap3A_39 = vector.shape_cast %swap3A_38 : vector<16xf32> to vector<16xf32>
      %swap3A_40 = vector.shape_cast %broadcast_in_dim3A_3 : vector<16xf32> to vector<16xf32>
      tpu.vector_store %arg7[%swap3A_37], %swap3A_40 {strides = array<i32>} : memref<4096xf32, #tpu.memory_space<vmem>>, vector<16xf32>,
      %swap3A_41 = arith.constant 144 : index
      %swap3A_42 = tpu.vector_load %arg7[%swap3A_41] {strides = array<i32>} : memref<4096xf32, #tpu.memory_space<vmem>>, vector<16xf32>,
      %swap3A_43 = vector.shape_cast %swap3A_42 : vector<16xf32> to vector<16xf32>
      %swap3A_44 = vector.shape_cast %broadcast_in_dim3A_3 : vector<16xf32> to vector<16xf32>
      tpu.vector_store %arg7[%swap3A_41], %swap3A_44 {strides = array<i32>} : memref<4096xf32, #tpu.memory_space<vmem>>, vector<16xf32>,
      %swap3A_45 = arith.constant 160 : index
      %swap3A_46 = tpu.vector_load %arg7[%swap3A_45] {strides = array<i32>} : memref<4096xf32, #tpu.memory_space<vmem>>, vector<16xf32>,
      %swap3A_47 = vector.shape_cast %swap3A_46 : vector<16xf32> to vector<16xf32>
      %swap3A_48 = vector.shape_cast %broadcast_in_dim3A_3 : vector<16xf32> to vector<16xf32>
      tpu.vector_store %arg7[%swap3A_45], %swap3A_48 {strides = array<i32>} : memref<4096xf32, #tpu.memory_space<vmem>>, vector<16xf32>,
      %swap3A_49 = arith.constant 176 : index
      %swap3A_50 = tpu.vector_load %arg7[%swap3A_49] {strides = array<i32>} : memref<4096xf32, #tpu.memory_space<vmem>>, vector<16xf32>,
      %swap3A_51 = vector.shape_cast %swap3A_50 : vector<16xf32> to vector<16xf32>
      %swap3A_52 = vector.shape_cast %broadcast_in_dim3A_3 : vector<16xf32> to vector<16xf32>
      tpu.vector_store %arg7[%swap3A_49], %swap3A_52 {strides = array<i32>} : memref<4096xf32, #tpu.memory_space<vmem>>, vector<16xf32>,
      %swap3A_53 = arith.constant 192 : index
      %swap3A_54 = tpu.vector_load %arg7[%swap3A_53] {strides = array<i32>} : memref<4096xf32, #tpu.memory_space<vmem>>, vector<16xf32>,
      %swap3A_55 = vector.shape_cast %swap3A_54 : vector<16xf32> to vector<16xf32>
      %swap3A_56 = vector.shape_cast %broadcast_in_dim3A_3 : vector<16xf32> to vector<16xf32>
      tpu.vector_store %arg7[%swap3A_53], %swap3A_56 {strides = array<i32>} : memref<4096xf32, #tpu.memory_space<vmem>>, vector<16xf32>,
      %swap3A_57 = arith.constant 208 : index
      %swap3A_58 = tpu.vector_load %arg7[%swap3A_57] {strides = array<i32>} : memref<4096xf32, #tpu.memory_space<vmem>>, vector<16xf32>,
      %swap3A_59 = vector.shape_cast %swap3A_58 : vector<16xf32> to vector<16xf32>
      %swap3A_60 = vector.shape_cast %broadcast_in_dim3A_3 : vector<16xf32> to vector<16xf32>
      tpu.vector_store %arg7[%swap3A_57], %swap3A_60 {strides = array<i32>} : memref<4096xf32, #tpu.memory_space<vmem>>, vector<16xf32>,
      %swap3A_61 = arith.constant 224 : index
      %swap3A_62 = tpu.vector_load %arg7[%swap3A_61] {strides = array<i32>} : memref<4096xf32, #tpu.memory_space<vmem>>, vector<16xf32>,
      %swap3A_63 = vector.shape_cast %swap3A_62 : vector<16xf32> to vector<16xf32>
      %swap3A_64 = vector.shape_cast %broadcast_in_dim3A_3 : vector<16xf32> to vector<16xf32>
      tpu.vector_store %arg7[%swap3A_61], %swap3A_64 {strides = array<i32>} : memref<4096xf32, #tpu.memory_space<vmem>>, vector<16xf32>,
      %swap3A_65 = arith.constant 240 : index
      %swap3A_66 = tpu.vector_load %arg7[%swap3A_65] {strides = array<i32>} : memref<4096xf32, #tpu.memory_space<vmem>>, vector<16xf32>,
      %swap3A_67 = vector.shape_cast %swap3A_66 : vector<16xf32> to vector<16xf32>
      %swap3A_68 = vector.shape_cast %broadcast_in_dim3A_3 : vector<16xf32> to vector<16xf32>
      tpu.vector_store %arg7[%swap3A_65], %swap3A_68 {strides = array<i32>} : memref<4096xf32, #tpu.memory_space<vmem>>, vector<16xf32>,
      %swap3A_69 = arith.constant 256 : index
      %swap3A_70 = tpu.vector_load %arg7[%swap3A_69] {strides = array<i32>} : memref<4096xf32, #tpu.memory_space<vmem>>, vector<16xf32>,
      %swap3A_71 = vector.shape_cast %swap3A_70 : vector<16xf32> to vector<16xf32>
      %swap3A_72 = vector.shape_cast %broadcast_in_dim3A_3 : vector<16xf32> to vector<16xf32>
      tpu.vector_store %arg7[%swap3A_69], %swap3A_72 {strides = array<i32>} : memref<4096xf32, #tpu.memory_space<vmem>>, vector<16xf32>,
      %swap3A_73 = arith.constant 272 : index
      %swap3A_74 = tpu.vector_load %arg7[%swap3A_73] {strides = array<i32>} : memref<4096xf32, #tpu.memory_space<vmem>>, vector<16xf32>,
      %swap3A_75 = vector.shape_cast %swap3A_74 : vector<16xf32> to vector<16xf32>
      %swap3A_76 = vector.shape_cast %broadcast_in_dim3A_3 : vector<16xf32> to vector<16xf32>
      tpu.vector_store %arg7[%swap3A_73], %swap3A_76 {strides = array<i32>} : memref<4096xf32, #tpu.memory_space<vmem>>, vector<16xf32>,
      %swap3A_77 = arith.constant 288 : index
      %swap3A_78 = tpu.vector_load %arg7[%swap3A_77] {strides = array<i32>} : memref<4096xf32, #tpu.memory_space<vmem>>, vector<16xf32>,
      %swap3A_79 = vector.shape_cast %swap3A_78 : vector<16xf32> to vector<16xf32>
      %swap3A_80 = vector.shape_cast %broadcast_in_dim3A_3 : vector<16xf32> to vector<16xf32>
      tpu.vector_store %arg7[%swap3A_77], %swap3A_80 {strides = array<i32>} : memref<4096xf32, #tpu.memory_space<vmem>>, vector<16xf32>,
      %swap3A_81 = arith.constant 304 : index
      %swap3A_82 = tpu.vector_load %arg7[%swap3A_81] {strides = array<i32>} : memref<4096xf32, #tpu.memory_space<vmem>>, vector<16xf32>,
      %swap3A_83 = vector.shape_cast %swap3A_82 : vector<16xf32> to vector<16xf32>
      %swap3A_84 = vector.shape_cast %broadcast_in_dim3A_3 : vector<16xf32> to vector<16xf32>
      tpu.vector_store %arg7[%swap3A_81], %swap3A_84 {strides = array<i32>} : memref<4096xf32, #tpu.memory_space<vmem>>, vector<16xf32>,
      %swap3A_85 = arith.constant 320 : index
      %swap3A_86 = tpu.vector_load %arg7[%swap3A_85] {strides = array<i32>} : memref<4096xf32, #tpu.memory_space<vmem>>, vector<16xf32>,
      %swap3A_87 = vector.shape_cast %swap3A_86 : vector<16xf32> to vector<16xf32>
      %swap3A_88 = vector.shape_cast %broadcast_in_dim3A_3 : vector<16xf32> to vector<16xf32>
      tpu.vector_store %arg7[%swap3A_85], %swap3A_88 {strides = array<i32>} : memref<4096xf32, #tpu.memory_space<vmem>>, vector<16xf32>,
      %swap3A_89 = arith.constant 336 : index
      %swap3A_90 = tpu.vector_load %arg7[%swap3A_89] {strides = array<i32>} : memref<4096xf32, #tpu.memory_space<vmem>>, vector<16xf32>,
      %swap3A_91 = vector.shape_cast %swap3A_90 : vector<16xf32> to vector<16xf32>
      %swap3A_92 = vector.shape_cast %broadcast_in_dim3A_3 : vector<16xf32> to vector<16xf32>
      tpu.vector_store %arg7[%swap3A_89], %swap3A_92 {strides = array<i32>} : memref<4096xf32, #tpu.memory_space<vmem>>, vector<16xf32>,
      %swap3A_93 = arith.constant 352 : index
      %swap3A_94 = tpu.vector_load %arg7[%swap3A_93] {strides = array<i32>} : memref<4096xf32, #tpu.memory_space<vmem>>, vector<16xf32>,
      %swap3A_95 = vector.shape_cast %swap3A_94 : vector<16xf32> to vector<16xf32>
      %swap3A_96 = vector.shape_cast %broadcast_in_dim3A_3 : vector<16xf32> to vector<16xf32>
      tpu.vector_store %arg7[%swap3A_93], %swap3A_96 {strides = array<i32>} : memref<4096xf32, #tpu.memory_space<vmem>>, vector<16xf32>,
      %swap3A_97 = arith.constant 368 : index
      %swap3A_98 = tpu.vector_load %arg7[%swap3A_97] {strides = array<i32>} : memref<4096xf32, #tpu.memory_space<vmem>>, vector<16xf32>,
      %swap3A_99 = vector.shape_cast %swap3A_98 : vector<16xf32> to vector<16xf32>
      %swap3A_100 = vector.shape_cast %broadcast_in_dim3A_3 : vector<16xf32> to vector<16xf32>
      tpu.vector_store %arg7[%swap3A_97], %swap3A_100 {strides = array<i32>} : memref<4096xf32, #tpu.memory_space<vmem>>, vector<16xf32>,
      %swap3A_101 = arith.constant 384 : index
      %swap3A_102 = tpu.vector_load %arg7[%swap3A_101] {strides = array<i32>} : memref<4096xf32, #tpu.memory_space<vmem>>, vector<16xf32>,
      %swap3A_103 = vector.shape_cast %swap3A_102 : vector<16xf32> to vector<16xf32>
      %swap3A_104 = vector.shape_cast %broadcast_in_dim3A_3 : vector<16xf32> to vector<16xf32>
      tpu.vector_store %arg7[%swap3A_101], %swap3A_104 {strides = array<i32>} : memref<4096xf32, #tpu.memory_space<vmem>>, vector<16xf32>,
      %swap3A_105 = arith.constant 400 : index
      %swap3A_106 = tpu.vector_load %arg7[%swap3A_105] {strides = array<i32>} : memref<4096xf32, #tpu.memory_space<vmem>>, vector<16xf32>,
      %swap3A_107 = vector.shape_cast %swap3A_106 : vector<16xf32> to vector<16xf32>
      %swap3A_108 = vector.shape_cast %broadcast_in_dim3A_3 : vector<16xf32> to vector<16xf32>
      tpu.vector_store %arg7[%swap3A_105], %swap3A_108 {strides = array<i32>} : memref<4096xf32, #tpu.memory_space<vmem>>, vector<16xf32>,
      %swap3A_109 = arith.constant 416 : index
      %swap3A_110 = tpu.vector_load %arg7[%swap3A_109] {strides = array<i32>} : memref<4096xf32, #tpu.memory_space<vmem>>, vector<16xf32>,
      %swap3A_111 = vector.shape_cast %swap3A_110 : vector<16xf32> to vector<16xf32>
      %swap3A_112 = vector.shape_cast %broadcast_in_dim3A_3 : vector<16xf32> to vector<16xf32>
      tpu.vector_store %arg7[%swap3A_109], %swap3A_112 {strides = array<i32>} : memref<4096xf32, #tpu.memory_space<vmem>>, vector<16xf32>,
      %swap3A_113 = arith.constant 432 : index
      %swap3A_114 = tpu.vector_load %arg7[%swap3A_113] {strides = array<i32>} : memref<4096xf32, #tpu.memory_space<vmem>>, vector<16xf32>,
      %swap3A_115 = vector.shape_cast %swap3A_114 : vector<16xf32> to vector<16xf32>
      %swap3A_116 = vector.shape_cast %broadcast_in_dim3A_3 : vector<16xf32> to vector<16xf32>
      tpu.vector_store %arg7[%swap3A_113], %swap3A_116 {strides = array<i32>} : memref<4096xf32, #tpu.memory_space<vmem>>, vector<16xf32>,
      %swap3A_117 = arith.constant 448 : index
      %swap3A_118 = tpu.vector_load %arg7[%swap3A_117] {strides = array<i32>} : memref<4096xf32, #tpu.memory_space<vmem>>, vector<16xf32>,
      %swap3A_119 = vector.shape_cast %swap3A_118 : vector<16xf32> to vector<16xf32>
      %swap3A_120 = vector.shape_cast %broadcast_in_dim3A_3 : vector<16xf32> to vector<16xf32>
      tpu.vector_store %arg7[%swap3A_117], %swap3A_120 {strides = array<i32>} : memref<4096xf32, #tpu.memory_space<vmem>>, vector<16xf32>,
      %swap3A_121 = arith.constant 464 : index
      %swap3A_122 = tpu.vector_load %arg7[%swap3A_121] {strides = array<i32>} : memref<4096xf32, #tpu.memory_space<vmem>>, vector<16xf32>,
      %swap3A_123 = vector.shape_cast %swap3A_122 : vector<16xf32> to vector<16xf32>
      %swap3A_124 = vector.shape_cast %broadcast_in_dim3A_3 : vector<16xf32> to vector<16xf32>
      tpu.vector_store %arg7[%swap3A_121], %swap3A_124 {strides = array<i32>} : memref<4096xf32, #tpu.memory_space<vmem>>, vector<16xf32>,
      %swap3A_125 = arith.constant 480 : index
      %swap3A_126 = tpu.vector_load %arg7[%swap3A_125] {strides = array<i32>} : memref<4096xf32, #tpu.memory_space<vmem>>, vector<16xf32>,
      %swap3A_127 = vector.shape_cast %swap3A_126 : vector<16xf32> to vector<16xf32>
      %swap3A_128 = vector.shape_cast %broadcast_in_dim3A_3 : vector<16xf32> to vector<16xf32>
      tpu.vector_store %arg7[%swap3A_125], %swap3A_128 {strides = array<i32>} : memref<4096xf32, #tpu.memory_space<vmem>>, vector<16xf32>,
      %swap3A_129 = arith.constant 496 : index
      %swap3A_130 = tpu.vector_load %arg7[%swap3A_129] {strides = array<i32>} : memref<4096xf32, #tpu.memory_space<vmem>>, vector<16xf32>,
      %swap3A_131 = vector.shape_cast %swap3A_130 : vector<16xf32> to vector<16xf32>
      %swap3A_132 = vector.shape_cast %broadcast_in_dim3A_3 : vector<16xf32> to vector<16xf32>
      tpu.vector_store %arg7[%swap3A_129], %swap3A_132 {strides = array<i32>} : memref<4096xf32, #tpu.memory_space<vmem>>, vector<16xf32>,
      %swap3A_133 = arith.constant 512 : index
      %swap3A_134 = tpu.vector_load %arg7[%swap3A_133] {strides = array<i32>} : memref<4096xf32, #tpu.memory_space<vmem>>, vector<16xf32>,
      %swap3A_135 = vector.shape_cast %swap3A_134 : vector<16xf32> to vector<16xf32>
      %swap3A_136 = vector.shape_cast %broadcast_in_dim3A_3 : vector<16xf32> to vector<16xf32>
      tpu.vector_store %arg7[%swap3A_133], %swap3A_136 {strides = array<i32>} : memref<4096xf32, #tpu.memory_space<vmem>>, vector<16xf32>,
      %swap3A_137 = arith.constant 528 : index
      %swap3A_138 = tpu.vector_load %arg7[%swap3A_137] {strides = array<i32>} : memref<4096xf32, #tpu.memory_space<vmem>>, vector<16xf32>,
      %swap3A_139 = vector.shape_cast %swap3A_138 : vector<16xf32> to vector<16xf32>
      %swap3A_140 = vector.shape_cast %broadcast_in_dim3A_3 : vector<16xf32> to vector<16xf32>
      tpu.vector_store %arg7[%swap3A_137], %swap3A_140 {strides = array<i32>} : memref<4096xf32, #tpu.memory_space<vmem>>, vector<16xf32>,
      %swap3A_141 = arith.constant 544 : index
      %swap3A_142 = tpu.vector_load %arg7[%swap3A_141] {strides = array<i32>} : memref<4096xf32, #tpu.memory_space<vmem>>, vector<16xf32>,
      %swap3A_143 = vector.shape_cast %swap3A_142 : vector<16xf32> to vector<16xf32>
      %swap3A_144 = vector.shape_cast %broadcast_in_dim3A_3 : vector<16xf32> to vector<16xf32>
      tpu.vector_store %arg7[%swap3A_141], %swap3A_144 {strides = array<i32>} : memref<4096xf32, #tpu.memory_space<vmem>>, vector<16xf32>,
      %swap3A_145 = arith.constant 560 : index
      %swap3A_146 = tpu.vector_load %arg7[%swap3A_145] {strides = array<i32>} : memref<4096xf32, #tpu.memory_space<vmem>>, vector<16xf32>,
      %swap3A_147 = vector.shape_cast %swap3A_146 : vector<16xf32> to vector<16xf32>
      %swap3A_148 = vector.shape_cast %broadcast_in_dim3A_3 : vector<16xf32> to vector<16xf32>
      tpu.vector_store %arg7[%swap3A_145], %swap3A_148 {strides = array<i32>} : memref<4096xf32, #tpu.memory_space<vmem>>, vector<16xf32>,
      %swap3A_149 = arith.constant 576 : index
      %swap3A_150 = tpu.vector_load %arg7[%swap3A_149] {strides = array<i32>} : memref<4096xf32, #tpu.memory_space<vmem>>, vector<16xf32>,
      %swap3A_151 = vector.shape_cast %swap3A_150 : vector<16xf32> to vector<16xf32>
      %swap3A_152 = vector.shape_cast %broadcast_in_dim3A_3 : vector<16xf32> to vector<16xf32>
      tpu.vector_store %arg7[%swap3A_149], %swap3A_152 {strides = array<i32>} : memref<4096xf32, #tpu.memory_space<vmem>>, vector<16xf32>,
      %swap3A_153 = arith.constant 592 : index
      %swap3A_154 = tpu.vector_load %arg7[%swap3A_153] {strides = array<i32>} : memref<4096xf32, #tpu.memory_space<vmem>>, vector<16xf32>,
      %swap3A_155 = vector.shape_cast %swap3A_154 : vector<16xf32> to vector<16xf32>
      %swap3A_156 = vector.shape_cast %broadcast_in_dim3A_3 : vector<16xf32> to vector<16xf32>
      tpu.vector_store %arg7[%swap3A_153], %swap3A_156 {strides = array<i32>} : memref<4096xf32, #tpu.memory_space<vmem>>, vector<16xf32>,
      %swap3A_157 = arith.constant 608 : index
      %swap3A_158 = tpu.vector_load %arg7[%swap3A_157] {strides = array<i32>} : memref<4096xf32, #tpu.memory_space<vmem>>, vector<16xf32>,
      %swap3A_159 = vector.shape_cast %swap3A_158 : vector<16xf32> to vector<16xf32>
      %swap3A_160 = vector.shape_cast %broadcast_in_dim3A_3 : vector<16xf32> to vector<16xf32>
      tpu.vector_store %arg7[%swap3A_157], %swap3A_160 {strides = array<i32>} : memref<4096xf32, #tpu.memory_space<vmem>>, vector<16xf32>,
      %swap3A_161 = arith.constant 624 : index
      %swap3A_162 = tpu.vector_load %arg7[%swap3A_161] {strides = array<i32>} : memref<4096xf32, #tpu.memory_space<vmem>>, vector<16xf32>,
      %swap3A_163 = vector.shape_cast %swap3A_162 : vector<16xf32> to vector<16xf32>
      %swap3A_164 = vector.shape_cast %broadcast_in_dim3A_3 : vector<16xf32> to vector<16xf32>
      tpu.vector_store %arg7[%swap3A_161], %swap3A_164 {strides = array<i32>} : memref<4096xf32, #tpu.memory_space<vmem>>, vector<16xf32>,
      %swap3A_165 = arith.constant 640 : index
      %swap3A_166 = tpu.vector_load %arg7[%swap3A_165] {strides = array<i32>} : memref<4096xf32, #tpu.memory_space<vmem>>, vector<16xf32>,
      %swap3A_167 = vector.shape_cast %swap3A_166 : vector<16xf32> to vector<16xf32>
      %swap3A_168 = vector.shape_cast %broadcast_in_dim3A_3 : vector<16xf32> to vector<16xf32>
      tpu.vector_store %arg7[%swap3A_165], %swap3A_168 {strides = array<i32>} : memref<4096xf32, #tpu.memory_space<vmem>>, vector<16xf32>,
      %swap3A_169 = arith.constant 656 : index
      %swap3A_170 = tpu.vector_load %arg7[%swap3A_169] {strides = array<i32>} : memref<4096xf32, #tpu.memory_space<vmem>>, vector<16xf32>,
      %swap3A_171 = vector.shape_cast %swap3A_170 : vector<16xf32> to vector<16xf32>
      %swap3A_172 = vector.shape_cast %broadcast_in_dim3A_3 : vector<16xf32> to vector<16xf32>
      tpu.vector_store %arg7[%swap3A_169], %swap3A_172 {strides = array<i32>} : memref<4096xf32, #tpu.memory_space<vmem>>, vector<16xf32>,
      %swap3A_173 = arith.constant 672 : index
      %swap3A_174 = tpu.vector_load %arg7[%swap3A_173] {strides = array<i32>} : memref<4096xf32, #tpu.memory_space<vmem>>, vector<16xf32>,
      %swap3A_175 = vector.shape_cast %swap3A_174 : vector<16xf32> to vector<16xf32>
      %swap3A_176 = vector.shape_cast %broadcast_in_dim3A_3 : vector<16xf32> to vector<16xf32>
      tpu.vector_store %arg7[%swap3A_173], %swap3A_176 {strides = array<i32>} : memref<4096xf32, #tpu.memory_space<vmem>>, vector<16xf32>,
      %swap3A_177 = arith.constant 688 : index
      %swap3A_178 = tpu.vector_load %arg7[%swap3A_177] {strides = array<i32>} : memref<4096xf32, #tpu.memory_space<vmem>>, vector<16xf32>,
      %swap3A_179 = vector.shape_cast %swap3A_178 : vector<16xf32> to vector<16xf32>
      %swap3A_180 = vector.shape_cast %broadcast_in_dim3A_3 : vector<16xf32> to vector<16xf32>
      tpu.vector_store %arg7[%swap3A_177], %swap3A_180 {strides = array<i32>} : memref<4096xf32, #tpu.memory_space<vmem>>, vector<16xf32>,
      %swap3A_181 = arith.constant 704 : index
      %swap3A_182 = tpu.vector_load %arg7[%swap3A_181] {strides = array<i32>} : memref<4096xf32, #tpu.memory_space<vmem>>, vector<16xf32>,
      %swap3A_183 = vector.shape_cast %swap3A_182 : vector<16xf32> to vector<16xf32>
      %swap3A_184 = vector.shape_cast %broadcast_in_dim3A_3 : vector<16xf32> to vector<16xf32>
      tpu.vector_store %arg7[%swap3A_181], %swap3A_184 {strides = array<i32>} : memref<4096xf32, #tpu.memory_space<vmem>>, vector<16xf32>,
      %swap3A_185 = arith.constant 720 : index
      %swap3A_186 = tpu.vector_load %arg7[%swap3A_185] {strides = array<i32>} : memref<4096xf32, #tpu.memory_space<vmem>>, vector<16xf32>,
      %swap3A_187 = vector.shape_cast %swap3A_186 : vector<16xf32> to vector<16xf32>
      %swap3A_188 = vector.shape_cast %broadcast_in_dim3A_3 : vector<16xf32> to vector<16xf32>
      tpu.vector_store %arg7[%swap3A_185], %swap3A_188 {strides = array<i32>} : memref<4096xf32, #tpu.memory_space<vmem>>, vector<16xf32>,
      %swap3A_189 = arith.constant 736 : index
      %swap3A_190 = tpu.vector_load %arg7[%swap3A_189] {strides = array<i32>} : memref<4096xf32, #tpu.memory_space<vmem>>, vector<16xf32>,
      %swap3A_191 = vector.shape_cast %swap3A_190 : vector<16xf32> to vector<16xf32>
      %swap3A_192 = vector.shape_cast %broadcast_in_dim3A_3 : vector<16xf32> to vector<16xf32>
      tpu.vector_store %arg7[%swap3A_189], %swap3A_192 {strides = array<i32>} : memref<4096xf32, #tpu.memory_space<vmem>>, vector<16xf32>,
      %swap3A_193 = arith.constant 752 : index
      %swap3A_194 = tpu.vector_load %arg7[%swap3A_193] {strides = array<i32>} : memref<4096xf32, #tpu.memory_space<vmem>>, vector<16xf32>,
      %swap3A_195 = vector.shape_cast %swap3A_194 : vector<16xf32> to vector<16xf32>
      %swap3A_196 = vector.shape_cast %broadcast_in_dim3A_3 : vector<16xf32> to vector<16xf32>
      tpu.vector_store %arg7[%swap3A_193], %swap3A_196 {strides = array<i32>} : memref<4096xf32, #tpu.memory_space<vmem>>, vector<16xf32>,
      %swap3A_197 = arith.constant 768 : index
      %swap3A_198 = tpu.vector_load %arg7[%swap3A_197] {strides = array<i32>} : memref<4096xf32, #tpu.memory_space<vmem>>, vector<16xf32>,
      %swap3A_199 = vector.shape_cast %swap3A_198 : vector<16xf32> to vector<16xf32>
      %swap3A_200 = vector.shape_cast %broadcast_in_dim3A_3 : vector<16xf32> to vector<16xf32>
      tpu.vector_store %arg7[%swap3A_197], %swap3A_200 {strides = array<i32>} : memref<4096xf32, #tpu.memory_space<vmem>>, vector<16xf32>,
      %swap3A_201 = arith.constant 784 : index
      %swap3A_202 = tpu.vector_load %arg7[%swap3A_201] {strides = array<i32>} : memref<4096xf32, #tpu.memory_space<vmem>>, vector<16xf32>,
      %swap3A_203 = vector.shape_cast %swap3A_202 : vector<16xf32> to vector<16xf32>
      %swap3A_204 = vector.shape_cast %broadcast_in_dim3A_3 : vector<16xf32> to vector<16xf32>
      tpu.vector_store %arg7[%swap3A_201], %swap3A_204 {strides = array<i32>} : memref<4096xf32, #tpu.memory_space<vmem>>, vector<16xf32>,
      %swap3A_205 = arith.constant 800 : index
      %swap3A_206 = tpu.vector_load %arg7[%swap3A_205] {strides = array<i32>} : memref<4096xf32, #tpu.memory_space<vmem>>, vector<16xf32>,
      %swap3A_207 = vector.shape_cast %swap3A_206 : vector<16xf32> to vector<16xf32>
      %swap3A_208 = vector.shape_cast %broadcast_in_dim3A_3 : vector<16xf32> to vector<16xf32>
      tpu.vector_store %arg7[%swap3A_205], %swap3A_208 {strides = array<i32>} : memref<4096xf32, #tpu.memory_space<vmem>>, vector<16xf32>,
      %swap3A_209 = arith.constant 816 : index
      %swap3A_210 = tpu.vector_load %arg7[%swap3A_209] {strides = array<i32>} : memref<4096xf32, #tpu.memory_space<vmem>>, vector<16xf32>,
      %swap3A_211 = vector.shape_cast %swap3A_210 : vector<16xf32> to vector<16xf32>
      %swap3A_212 = vector.shape_cast %broadcast_in_dim3A_3 : vector<16xf32> to vector<16xf32>
      tpu.vector_store %arg7[%swap3A_209], %swap3A_212 {strides = array<i32>} : memref<4096xf32, #tpu.memory_space<vmem>>, vector<16xf32>,
      %swap3A_213 = arith.constant 832 : index
      %swap3A_214 = tpu.vector_load %arg7[%swap3A_213] {strides = array<i32>} : memref<4096xf32, #tpu.memory_space<vmem>>, vector<16xf32>,
      %swap3A_215 = vector.shape_cast %swap3A_214 : vector<16xf32> to vector<16xf32>
      %swap3A_216 = vector.shape_cast %broadcast_in_dim3A_3 : vector<16xf32> to vector<16xf32>
      tpu.vector_store %arg7[%swap3A_213], %swap3A_216 {strides = array<i32>} : memref<4096xf32, #tpu.memory_space<vmem>>, vector<16xf32>,
      %swap3A_217 = arith.constant 848 : index
      %swap3A_218 = tpu.vector_load %arg7[%swap3A_217] {strides = array<i32>} : memref<4096xf32, #tpu.memory_space<vmem>>, vector<16xf32>,
      %swap3A_219 = vector.shape_cast %swap3A_218 : vector<16xf32> to vector<16xf32>
      %swap3A_220 = vector.shape_cast %broadcast_in_dim3A_3 : vector<16xf32> to vector<16xf32>
      tpu.vector_store %arg7[%swap3A_217], %swap3A_220 {strides = array<i32>} : memref<4096xf32, #tpu.memory_space<vmem>>, vector<16xf32>,
      %swap3A_221 = arith.constant 864 : index
      %swap3A_222 = tpu.vector_load %arg7[%swap3A_221] {strides = array<i32>} : memref<4096xf32, #tpu.memory_space<vmem>>, vector<16xf32>,
      %swap3A_223 = vector.shape_cast %swap3A_222 : vector<16xf32> to vector<16xf32>
      %swap3A_224 = vector.shape_cast %broadcast_in_dim3A_3 : vector<16xf32> to vector<16xf32>
      tpu.vector_store %arg7[%swap3A_221], %swap3A_224 {strides = array<i32>} : memref<4096xf32, #tpu.memory_space<vmem>>, vector<16xf32>,
      %swap3A_225 = arith.constant 880 : index
      %swap3A_226 = tpu.vector_load %arg7[%swap3A_225] {strides = array<i32>} : memref<4096xf32, #tpu.memory_space<vmem>>, vector<16xf32>,
      %swap3A_227 = vector.shape_cast %swap3A_226 : vector<16xf32> to vector<16xf32>
      %swap3A_228 = vector.shape_cast %broadcast_in_dim3A_3 : vector<16xf32> to vector<16xf32>
      tpu.vector_store %arg7[%swap3A_225], %swap3A_228 {strides = array<i32>} : memref<4096xf32, #tpu.memory_space<vmem>>, vector<16xf32>,
      %swap3A_229 = arith.constant 896 : index
      %swap3A_230 = tpu.vector_load %arg7[%swap3A_229] {strides = array<i32>} : memref<4096xf32, #tpu.memory_space<vmem>>, vector<16xf32>,
      %swap3A_231 = vector.shape_cast %swap3A_230 : vector<16xf32> to vector<16xf32>
      %swap3A_232 = vector.shape_cast %broadcast_in_dim3A_3 : vector<16xf32> to vector<16xf32>
      tpu.vector_store %arg7[%swap3A_229], %swap3A_232 {strides = array<i32>} : memref<4096xf32, #tpu.memory_space<vmem>>, vector<16xf32>,
      %swap3A_233 = arith.constant 912 : index
      %swap3A_234 = tpu.vector_load %arg7[%swap3A_233] {strides = array<i32>} : memref<4096xf32, #tpu.memory_space<vmem>>, vector<16xf32>,
      %swap3A_235 = vector.shape_cast %swap3A_234 : vector<16xf32> to vector<16xf32>
      %swap3A_236 = vector.shape_cast %broadcast_in_dim3A_3 : vector<16xf32> to vector<16xf32>
      tpu.vector_store %arg7[%swap3A_233], %swap3A_236 {strides = array<i32>} : memref<4096xf32, #tpu.memory_space<vmem>>, vector<16xf32>,
      %swap3A_237 = arith.constant 928 : index
      %swap3A_238 = tpu.vector_load %arg7[%swap3A_237] {strides = array<i32>} : memref<4096xf32, #tpu.memory_space<vmem>>, vector<16xf32>,
      %swap3A_239 = vector.shape_cast %swap3A_238 : vector<16xf32> to vector<16xf32>
      %swap3A_240 = vector.shape_cast %broadcast_in_dim3A_3 : vector<16xf32> to vector<16xf32>
      tpu.vector_store %arg7[%swap3A_237], %swap3A_240 {strides = array<i32>} : memref<4096xf32, #tpu.memory_space<vmem>>, vector<16xf32>,
      %swap3A_241 = arith.constant 944 : index
      %swap3A_242 = tpu.vector_load %arg7[%swap3A_241] {strides = array<i32>} : memref<4096xf32, #tpu.memory_space<vmem>>, vector<16xf32>,
      %swap3A_243 = vector.shape_cast %swap3A_242 : vector<16xf32> to vector<16xf32>
      %swap3A_244 = vector.shape_cast %broadcast_in_dim3A_3 : vector<16xf32> to vector<16xf32>
      tpu.vector_store %arg7[%swap3A_241], %swap3A_244 {strides = array<i32>} : memref<4096xf32, #tpu.memory_space<vmem>>, vector<16xf32>,
      %swap3A_245 = arith.constant 960 : index
      %swap3A_246 = tpu.vector_load %arg7[%swap3A_245] {strides = array<i32>} : memref<4096xf32, #tpu.memory_space<vmem>>, vector<16xf32>,
      %swap3A_247 = vector.shape_cast %swap3A_246 : vector<16xf32> to vector<16xf32>
      %swap3A_248 = vector.shape_cast %broadcast_in_dim3A_3 : vector<16xf32> to vector<16xf32>
      tpu.vector_store %arg7[%swap3A_245], %swap3A_248 {strides = array<i32>} : memref<4096xf32, #tpu.memory_space<vmem>>, vector<16xf32>,
      %swap3A_249 = arith.constant 976 : index
      %swap3A_250 = tpu.vector_load %arg7[%swap3A_249] {strides = array<i32>} : memref<4096xf32, #tpu.memory_space<vmem>>, vector<16xf32>,
      %swap3A_251 = vector.shape_cast %swap3A_250 : vector<16xf32> to vector<16xf32>
      %swap3A_252 = vector.shape_cast %broadcast_in_dim3A_3 : vector<16xf32> to vector<16xf32>
      tpu.vector_store %arg7[%swap3A_249], %swap3A_252 {strides = array<i32>} : memref<4096xf32, #tpu.memory_space<vmem>>, vector<16xf32>,
      %swap3A_253 = arith.constant 992 : index
      %swap3A_254 = tpu.vector_load %arg7[%swap3A_253] {strides = array<i32>} : memref<4096xf32, #tpu.memory_space<vmem>>, vector<16xf32>,
      %swap3A_255 = vector.shape_cast %swap3A_254 : vector<16xf32> to vector<16xf32>
      %swap3A_256 = vector.shape_cast %broadcast_in_dim3A_3 : vector<16xf32> to vector<16xf32>
      tpu.vector_store %arg7[%swap3A_253], %swap3A_256 {strides = array<i32>} : memref<4096xf32, #tpu.memory_space<vmem>>, vector<16xf32>,
      %swap3A_257 = arith.constant 1008 : index
      %swap3A_258 = tpu.vector_load %arg7[%swap3A_257] {strides = array<i32>} : memref<4096xf32, #tpu.memory_space<vmem>>, vector<16xf32>,
      %swap3A_259 = vector.shape_cast %swap3A_258 : vector<16xf32> to vector<16xf32>
      %swap3A_260 = vector.shape_cast %broadcast_in_dim3A_3 : vector<16xf32> to vector<16xf32>
      tpu.vector_store %arg7[%swap3A_257], %swap3A_260 {strides = array<i32>} : memref<4096xf32, #tpu.memory_space<vmem>>, vector<16xf32>,
      %swap3A_261 = arith.constant 1024 : index
      %swap3A_262 = tpu.vector_load %arg7[%swap3A_261] {strides = array<i32>} : memref<4096xf32, #tpu.memory_space<vmem>>, vector<16xf32>,
      %swap3A_263 = vector.shape_cast %swap3A_262 : vector<16xf32> to vector<16xf32>
      %swap3A_264 = vector.shape_cast %broadcast_in_dim3A_3 : vector<16xf32> to vector<16xf32>
      tpu.vector_store %arg7[%swap3A_261], %swap3A_264 {strides = array<i32>} : memref<4096xf32, #tpu.memory_space<vmem>>, vector<16xf32>,
      %swap3A_265 = arith.constant 1040 : index
      %swap3A_266 = tpu.vector_load %arg7[%swap3A_265] {strides = array<i32>} : memref<4096xf32, #tpu.memory_space<vmem>>, vector<16xf32>,
      %swap3A_267 = vector.shape_cast %swap3A_266 : vector<16xf32> to vector<16xf32>
      %swap3A_268 = vector.shape_cast %broadcast_in_dim3A_3 : vector<16xf32> to vector<16xf32>
      tpu.vector_store %arg7[%swap3A_265], %swap3A_268 {strides = array<i32>} : memref<4096xf32, #tpu.memory_space<vmem>>, vector<16xf32>,
      %swap3A_269 = arith.constant 1056 : index
      %swap3A_270 = tpu.vector_load %arg7[%swap3A_269] {strides = array<i32>} : memref<4096xf32, #tpu.memory_space<vmem>>, vector<16xf32>,
      %swap3A_271 = vector.shape_cast %swap3A_270 : vector<16xf32> to vector<16xf32>
      %swap3A_272 = vector.shape_cast %broadcast_in_dim3A_3 : vector<16xf32> to vector<16xf32>
      tpu.vector_store %arg7[%swap3A_269], %swap3A_272 {strides = array<i32>} : memref<4096xf32, #tpu.memory_space<vmem>>, vector<16xf32>,
      %swap3A_273 = arith.constant 1072 : index
      %swap3A_274 = tpu.vector_load %arg7[%swap3A_273] {strides = array<i32>} : memref<4096xf32, #tpu.memory_space<vmem>>, vector<16xf32>,
      %swap3A_275 = vector.shape_cast %swap3A_274 : vector<16xf32> to vector<16xf32>
      %swap3A_276 = vector.shape_cast %broadcast_in_dim3A_3 : vector<16xf32> to vector<16xf32>
      tpu.vector_store %arg7[%swap3A_273], %swap3A_276 {strides = array<i32>} : memref<4096xf32, #tpu.memory_space<vmem>>, vector<16xf32>,
      %swap3A_277 = arith.constant 1088 : index
      %swap3A_278 = tpu.vector_load %arg7[%swap3A_277] {strides = array<i32>} : memref<4096xf32, #tpu.memory_space<vmem>>, vector<16xf32>,
      %swap3A_279 = vector.shape_cast %swap3A_278 : vector<16xf32> to vector<16xf32>
      %swap3A_280 = vector.shape_cast %broadcast_in_dim3A_3 : vector<16xf32> to vector<16xf32>
      tpu.vector_store %arg7[%swap3A_277], %swap3A_280 {strides = array<i32>} : memref<4096xf32, #tpu.memory_space<vmem>>, vector<16xf32>,
      %swap3A_281 = arith.constant 1104 : index
      %swap3A_282 = tpu.vector_load %arg7[%swap3A_281] {strides = array<i32>} : memref<4096xf32, #tpu.memory_space<vmem>>, vector<16xf32>,
      %swap3A_283 = vector.shape_cast %swap3A_282 : vector<16xf32> to vector<16xf32>
      %swap3A_284 = vector.shape_cast %broadcast_in_dim3A_3 : vector<16xf32> to vector<16xf32>
      tpu.vector_store %arg7[%swap3A_281], %swap3A_284 {strides = array<i32>} : memref<4096xf32, #tpu.memory_space<vmem>>, vector<16xf32>,
      %swap3A_285 = arith.constant 1120 : index
      %swap3A_286 = tpu.vector_load %arg7[%swap3A_285] {strides = array<i32>} : memref<4096xf32, #tpu.memory_space<vmem>>, vector<16xf32>,
      %swap3A_287 = vector.shape_cast %swap3A_286 : vector<16xf32> to vector<16xf32>
      %swap3A_288 = vector.shape_cast %broadcast_in_dim3A_3 : vector<16xf32> to vector<16xf32>
      tpu.vector_store %arg7[%swap3A_285], %swap3A_288 {strides = array<i32>} : memref<4096xf32, #tpu.memory_space<vmem>>, vector<16xf32>,
      %swap3A_289 = arith.constant 1136 : index
      %swap3A_290 = tpu.vector_load %arg7[%swap3A_289] {strides = array<i32>} : memref<4096xf32, #tpu.memory_space<vmem>>, vector<16xf32>,
      %swap3A_291 = vector.shape_cast %swap3A_290 : vector<16xf32> to vector<16xf32>
      %swap3A_292 = vector.shape_cast %broadcast_in_dim3A_3 : vector<16xf32> to vector<16xf32>
      tpu.vector_store %arg7[%swap3A_289], %swap3A_292 {strides = array<i32>} : memref<4096xf32, #tpu.memory_space<vmem>>, vector<16xf32>,
      %swap3A_293 = arith.constant 1152 : index
      %swap3A_294 = tpu.vector_load %arg7[%swap3A_293] {strides = array<i32>} : memref<4096xf32, #tpu.memory_space<vmem>>, vector<16xf32>,
      %swap3A_295 = vector.shape_cast %swap3A_294 : vector<16xf32> to vector<16xf32>
      %swap3A_296 = vector.shape_cast %broadcast_in_dim3A_3 : vector<16xf32> to vector<16xf32>
      tpu.vector_store %arg7[%swap3A_293], %swap3A_296 {strides = array<i32>} : memref<4096xf32, #tpu.memory_space<vmem>>, vector<16xf32>,
      %swap3A_297 = arith.constant 1168 : index
      %swap3A_298 = tpu.vector_load %arg7[%swap3A_297] {strides = array<i32>} : memref<4096xf32, #tpu.memory_space<vmem>>, vector<16xf32>,
      %swap3A_299 = vector.shape_cast %swap3A_298 : vector<16xf32> to vector<16xf32>
      %swap3A_300 = vector.shape_cast %broadcast_in_dim3A_3 : vector<16xf32> to vector<16xf32>
      tpu.vector_store %arg7[%swap3A_297], %swap3A_300 {strides = array<i32>} : memref<4096xf32, #tpu.memory_space<vmem>>, vector<16xf32>,
      %swap3A_301 = arith.constant 1184 : index
      %swap3A_302 = tpu.vector_load %arg7[%swap3A_301] {strides = array<i32>} : memref<4096xf32, #tpu.memory_space<vmem>>, vector<16xf32>,
      %swap3A_303 = vector.shape_cast %swap3A_302 : vector<16xf32> to vector<16xf32>
      %swap3A_304 = vector.shape_cast %broadcast_in_dim3A_3 : vector<16xf32> to vector<16xf32>
      tpu.vector_store %arg7[%swap3A_301], %swap3A_304 {strides = array<i32>} : memref<4096xf32, #tpu.memory_space<vmem>>, vector<16xf32>,
      %swap3A_305 = arith.constant 1200 : index
      %swap3A_306 = tpu.vector_load %arg7[%swap3A_305] {strides = array<i32>} : memref<4096xf32, #tpu.memory_space<vmem>>, vector<16xf32>,
      %swap3A_307 = vector.shape_cast %swap3A_306 : vector<16xf32> to vector<16xf32>
      %swap3A_308 = vector.shape_cast %broadcast_in_dim3A_3 : vector<16xf32> to vector<16xf32>
      tpu.vector_store %arg7[%swap3A_305], %swap3A_308 {strides = array<i32>} : memref<4096xf32, #tpu.memory_space<vmem>>, vector<16xf32>,
      %swap3A_309 = arith.constant 1216 : index
      %swap3A_310 = tpu.vector_load %arg7[%swap3A_309] {strides = array<i32>} : memref<4096xf32, #tpu.memory_space<vmem>>, vector<16xf32>,
      %swap3A_311 = vector.shape_cast %swap3A_310 : vector<16xf32> to vector<16xf32>
      %swap3A_312 = vector.shape_cast %broadcast_in_dim3A_3 : vector<16xf32> to vector<16xf32>
      tpu.vector_store %arg7[%swap3A_309], %swap3A_312 {strides = array<i32>} : memref<4096xf32, #tpu.memory_space<vmem>>, vector<16xf32>,
      %swap3A_313 = arith.constant 1232 : index
      %swap3A_314 = tpu.vector_load %arg7[%swap3A_313] {strides = array<i32>} : memref<4096xf32, #tpu.memory_space<vmem>>, vector<16xf32>,
      %swap3A_315 = vector.shape_cast %swap3A_314 : vector<16xf32> to vector<16xf32>
      %swap3A_316 = vector.shape_cast %broadcast_in_dim3A_3 : vector<16xf32> to vector<16xf32>
      tpu.vector_store %arg7[%swap3A_313], %swap3A_316 {strides = array<i32>} : memref<4096xf32, #tpu.memory_space<vmem>>, vector<16xf32>,
      %swap3A_317 = arith.constant 1248 : index
      %swap3A_318 = tpu.vector_load %arg7[%swap3A_317] {strides = array<i32>} : memref<4096xf32, #tpu.memory_space<vmem>>, vector<16xf32>,
      %swap3A_319 = vector.shape_cast %swap3A_318 : vector<16xf32> to vector<16xf32>
      %swap3A_320 = vector.shape_cast %broadcast_in_dim3A_3 : vector<16xf32> to vector<16xf32>
      tpu.vector_store %arg7[%swap3A_317], %swap3A_320 {strides = array<i32>} : memref<4096xf32, #tpu.memory_space<vmem>>, vector<16xf32>,
      %swap3A_321 = arith.constant 1264 : index
      %swap3A_322 = tpu.vector_load %arg7[%swap3A_321] {strides = array<i32>} : memref<4096xf32, #tpu.memory_space<vmem>>, vector<16xf32>,
      %swap3A_323 = vector.shape_cast %swap3A_322 : vector<16xf32> to vector<16xf32>
      %swap3A_324 = vector.shape_cast %broadcast_in_dim3A_3 : vector<16xf32> to vector<16xf32>
      tpu.vector_store %arg7[%swap3A_321], %swap3A_324 {strides = array<i32>} : memref<4096xf32, #tpu.memory_space<vmem>>, vector<16xf32>,
      %swap3A_325 = arith.constant 1280 : index
      %swap3A_326 = tpu.vector_load %arg7[%swap3A_325] {strides = array<i32>} : memref<4096xf32, #tpu.memory_space<vmem>>, vector<16xf32>,
      %swap3A_327 = vector.shape_cast %swap3A_326 : vector<16xf32> to vector<16xf32>
      %swap3A_328 = vector.shape_cast %broadcast_in_dim3A_3 : vector<16xf32> to vector<16xf32>
      tpu.vector_store %arg7[%swap3A_325], %swap3A_328 {strides = array<i32>} : memref<4096xf32, #tpu.memory_space<vmem>>, vector<16xf32>,
      %swap3A_329 = arith.constant 1296 : index
      %swap3A_330 = tpu.vector_load %arg7[%swap3A_329] {strides = array<i32>} : memref<4096xf32, #tpu.memory_space<vmem>>, vector<16xf32>,
      %swap3A_331 = vector.shape_cast %swap3A_330 : vector<16xf32> to vector<16xf32>
      %swap3A_332 = vector.shape_cast %broadcast_in_dim3A_3 : vector<16xf32> to vector<16xf32>
      tpu.vector_store %arg7[%swap3A_329], %swap3A_332 {strides = array<i32>} : memref<4096xf32, #tpu.memory_space<vmem>>, vector<16xf32>,
      %swap3A_333 = arith.constant 1312 : index
      %swap3A_334 = tpu.vector_load %arg7[%swap3A_333] {strides = array<i32>} : memref<4096xf32, #tpu.memory_space<vmem>>, vector<16xf32>,
      %swap3A_335 = vector.shape_cast %swap3A_334 : vector<16xf32> to vector<16xf32>
      %swap3A_336 = vector.shape_cast %broadcast_in_dim3A_3 : vector<16xf32> to vector<16xf32>
      tpu.vector_store %arg7[%swap3A_333], %swap3A_336 {strides = array<i32>} : memref<4096xf32, #tpu.memory_space<vmem>>, vector<16xf32>,
      %swap3A_337 = arith.constant 1328 : index
      %swap3A_338 = tpu.vector_load %arg7[%swap3A_337] {strides = array<i32>} : memref<4096xf32, #tpu.memory_space<vmem>>, vector<16xf32>,
      %swap3A_339 = vector.shape_cast %swap3A_338 : vector<16xf32> to vector<16xf32>
      %swap3A_340 = vector.shape_cast %broadcast_in_dim3A_3 : vector<16xf32> to vector<16xf32>
      tpu.vector_store %arg7[%swap3A_337], %swap3A_340 {strides = array<i32>} : memref<4096xf32, #tpu.memory_space<vmem>>, vector<16xf32>,
      %swap3A_341 = arith.constant 1344 : index
      %swap3A_342 = tpu.vector_load %arg7[%swap3A_341] {strides = array<i32>} : memref<4096xf32, #tpu.memory_space<vmem>>, vector<16xf32>,
      %swap3A_343 = vector.shape_cast %swap3A_342 : vector<16xf32> to vector<16xf32>
      %swap3A_344 = vector.shape_cast %broadcast_in_dim3A_3 : vector<16xf32> to vector<16xf32>
      tpu.vector_store %arg7[%swap3A_341], %swap3A_344 {strides = array<i32>} : memref<4096xf32, #tpu.memory_space<vmem>>, vector<16xf32>,
      %swap3A_345 = arith.constant 1360 : index
      %swap3A_346 = tpu.vector_load %arg7[%swap3A_345] {strides = array<i32>} : memref<4096xf32, #tpu.memory_space<vmem>>, vector<16xf32>,
      %swap3A_347 = vector.shape_cast %swap3A_346 : vector<16xf32> to vector<16xf32>
      %swap3A_348 = vector.shape_cast %broadcast_in_dim3A_3 : vector<16xf32> to vector<16xf32>
      tpu.vector_store %arg7[%swap3A_345], %swap3A_348 {strides = array<i32>} : memref<4096xf32, #tpu.memory_space<vmem>>, vector<16xf32>,
      %swap3A_349 = arith.constant 1376 : index
      %swap3A_350 = tpu.vector_load %arg7[%swap3A_349] {strides = array<i32>} : memref<4096xf32, #tpu.memory_space<vmem>>, vector<16xf32>,
      %swap3A_351 = vector.shape_cast %swap3A_350 : vector<16xf32> to vector<16xf32>
      %swap3A_352 = vector.shape_cast %broadcast_in_dim3A_3 : vector<16xf32> to vector<16xf32>
      tpu.vector_store %arg7[%swap3A_349], %swap3A_352 {strides = array<i32>} : memref<4096xf32, #tpu.memory_space<vmem>>, vector<16xf32>,
      %swap3A_353 = arith.constant 1392 : index
      %swap3A_354 = tpu.vector_load %arg7[%swap3A_353] {strides = array<i32>} : memref<4096xf32, #tpu.memory_space<vmem>>, vector<16xf32>,
      %swap3A_355 = vector.shape_cast %swap3A_354 : vector<16xf32> to vector<16xf32>
      %swap3A_356 = vector.shape_cast %broadcast_in_dim3A_3 : vector<16xf32> to vector<16xf32>
      tpu.vector_store %arg7[%swap3A_353], %swap3A_356 {strides = array<i32>} : memref<4096xf32, #tpu.memory_space<vmem>>, vector<16xf32>,
      %swap3A_357 = arith.constant 1408 : index
      %swap3A_358 = tpu.vector_load %arg7[%swap3A_357] {strides = array<i32>} : memref<4096xf32, #tpu.memory_space<vmem>>, vector<16xf32>,
      %swap3A_359 = vector.shape_cast %swap3A_358 : vector<16xf32> to vector<16xf32>
      %swap3A_360 = vector.shape_cast %broadcast_in_dim3A_3 : vector<16xf32> to vector<16xf32>
      tpu.vector_store %arg7[%swap3A_357], %swap3A_360 {strides = array<i32>} : memref<4096xf32, #tpu.memory_space<vmem>>, vector<16xf32>,
      %swap3A_361 = arith.constant 1424 : index
      %swap3A_362 = tpu.vector_load %arg7[%swap3A_361] {strides = array<i32>} : memref<4096xf32, #tpu.memory_space<vmem>>, vector<16xf32>,
      %swap3A_363 = vector.shape_cast %swap3A_362 : vector<16xf32> to vector<16xf32>
      %swap3A_364 = vector.shape_cast %broadcast_in_dim3A_3 : vector<16xf32> to vector<16xf32>
      tpu.vector_store %arg7[%swap3A_361], %swap3A_364 {strides = array<i32>} : memref<4096xf32, #tpu.memory_space<vmem>>, vector<16xf32>,
      %swap3A_365 = arith.constant 1440 : index
      %swap3A_366 = tpu.vector_load %arg7[%swap3A_365] {strides = array<i32>} : memref<4096xf32, #tpu.memory_space<vmem>>, vector<16xf32>,
      %swap3A_367 = vector.shape_cast %swap3A_366 : vector<16xf32> to vector<16xf32>
      %swap3A_368 = vector.shape_cast %broadcast_in_dim3A_3 : vector<16xf32> to vector<16xf32>
      tpu.vector_store %arg7[%swap3A_365], %swap3A_368 {strides = array<i32>} : memref<4096xf32, #tpu.memory_space<vmem>>, vector<16xf32>,
      %swap3A_369 = arith.constant 1456 : index
      %swap3A_370 = tpu.vector_load %arg7[%swap3A_369] {strides = array<i32>} : memref<4096xf32, #tpu.memory_space<vmem>>, vector<16xf32>,
      %swap3A_371 = vector.shape_cast %swap3A_370 : vector<16xf32> to vector<16xf32>
      %swap3A_372 = vector.shape_cast %broadcast_in_dim3A_3 : vector<16xf32> to vector<16xf32>
      tpu.vector_store %arg7[%swap3A_369], %swap3A_372 {strides = array<i32>} : memref<4096xf32, #tpu.memory_space<vmem>>, vector<16xf32>,
      %swap3A_373 = arith.constant 1472 : index
      %swap3A_374 = tpu.vector_load %arg7[%swap3A_373] {strides = array<i32>} : memref<4096xf32, #tpu.memory_space<vmem>>, vector<16xf32>,
      %swap3A_375 = vector.shape_cast %swap3A_374 : vector<16xf32> to vector<16xf32>
      %swap3A_376 = vector.shape_cast %broadcast_in_dim3A_3 : vector<16xf32> to vector<16xf32>
      tpu.vector_store %arg7[%swap3A_373], %swap3A_376 {strides = array<i32>} : memref<4096xf32, #tpu.memory_space<vmem>>, vector<16xf32>,
      %swap3A_377 = arith.constant 1488 : index
      %swap3A_378 = tpu.vector_load %arg7[%swap3A_377] {strides = array<i32>} : memref<4096xf32, #tpu.memory_space<vmem>>, vector<16xf32>,
      %swap3A_379 = vector.shape_cast %swap3A_378 : vector<16xf32> to vector<16xf32>
      %swap3A_380 = vector.shape_cast %broadcast_in_dim3A_3 : vector<16xf32> to vector<16xf32>
      tpu.vector_store %arg7[%swap3A_377], %swap3A_380 {strides = array<i32>} : memref<4096xf32, #tpu.memory_space<vmem>>, vector<16xf32>,
      %swap3A_381 = arith.constant 1504 : index
      %swap3A_382 = tpu.vector_load %arg7[%swap3A_381] {strides = array<i32>} : memref<4096xf32, #tpu.memory_space<vmem>>, vector<16xf32>,
      %swap3A_383 = vector.shape_cast %swap3A_382 : vector<16xf32> to vector<16xf32>
      %swap3A_384 = vector.shape_cast %broadcast_in_dim3A_3 : vector<16xf32> to vector<16xf32>
      tpu.vector_store %arg7[%swap3A_381], %swap3A_384 {strides = array<i32>} : memref<4096xf32, #tpu.memory_space<vmem>>, vector<16xf32>,
      %swap3A_385 = arith.constant 1520 : index
      %swap3A_386 = tpu.vector_load %arg7[%swap3A_385] {strides = array<i32>} : memref<4096xf32, #tpu.memory_space<vmem>>, vector<16xf32>,
      %swap3A_387 = vector.shape_cast %swap3A_386 : vector<16xf32> to vector<16xf32>
      %swap3A_388 = vector.shape_cast %broadcast_in_dim3A_3 : vector<16xf32> to vector<16xf32>
      tpu.vector_store %arg7[%swap3A_385], %swap3A_388 {strides = array<i32>} : memref<4096xf32, #tpu.memory_space<vmem>>, vector<16xf32>,
      %swap3A_389 = arith.constant 1536 : index
      %swap3A_390 = tpu.vector_load %arg7[%swap3A_389] {strides = array<i32>} : memref<4096xf32, #tpu.memory_space<vmem>>, vector<16xf32>,
      %swap3A_391 = vector.shape_cast %swap3A_390 : vector<16xf32> to vector<16xf32>
      %swap3A_392 = vector.shape_cast %broadcast_in_dim3A_3 : vector<16xf32> to vector<16xf32>
      tpu.vector_store %arg7[%swap3A_389], %swap3A_392 {strides = array<i32>} : memref<4096xf32, #tpu.memory_space<vmem>>, vector<16xf32>,
      %swap3A_393 = arith.constant 1552 : index
      %swap3A_394 = tpu.vector_load %arg7[%swap3A_393] {strides = array<i32>} : memref<4096xf32, #tpu.memory_space<vmem>>, vector<16xf32>,
      %swap3A_395 = vector.shape_cast %swap3A_394 : vector<16xf32> to vector<16xf32>
      %swap3A_396 = vector.shape_cast %broadcast_in_dim3A_3 : vector<16xf32> to vector<16xf32>
      tpu.vector_store %arg7[%swap3A_393], %swap3A_396 {strides = array<i32>} : memref<4096xf32, #tpu.memory_space<vmem>>, vector<16xf32>,
      %swap3A_397 = arith.constant 1568 : index
      %swap3A_398 = tpu.vector_load %arg7[%swap3A_397] {strides = array<i32>} : memref<4096xf32, #tpu.memory_space<vmem>>, vector<16xf32>,
      %swap3A_399 = vector.shape_cast %swap3A_398 : vector<16xf32> to vector<16xf32>
      %swap3A_400 = vector.shape_cast %broadcast_in_dim3A_3 : vector<16xf32> to vector<16xf32>
      tpu.vector_store %arg7[%swap3A_397], %swap3A_400 {strides = array<i32>} : memref<4096xf32, #tpu.memory_space<vmem>>, vector<16xf32>,
      %swap3A_401 = arith.constant 1584 : index
      %swap3A_402 = tpu.vector_load %arg7[%swap3A_401] {strides = array<i32>} : memref<4096xf32, #tpu.memory_space<vmem>>, vector<16xf32>,
      %swap3A_403 = vector.shape_cast %swap3A_402 : vector<16xf32> to vector<16xf32>
      %swap3A_404 = vector.shape_cast %broadcast_in_dim3A_3 : vector<16xf32> to vector<16xf32>
      tpu.vector_store %arg7[%swap3A_401], %swap3A_404 {strides = array<i32>} : memref<4096xf32, #tpu.memory_space<vmem>>, vector<16xf32>,
      %swap3A_405 = arith.constant 1600 : index
      %swap3A_406 = tpu.vector_load %arg7[%swap3A_405] {strides = array<i32>} : memref<4096xf32, #tpu.memory_space<vmem>>, vector<16xf32>,
      %swap3A_407 = vector.shape_cast %swap3A_406 : vector<16xf32> to vector<16xf32>
      %swap3A_408 = vector.shape_cast %broadcast_in_dim3A_3 : vector<16xf32> to vector<16xf32>
      tpu.vector_store %arg7[%swap3A_405], %swap3A_408 {strides = array<i32>} : memref<4096xf32, #tpu.memory_space<vmem>>, vector<16xf32>,
      %swap3A_409 = arith.constant 1616 : index
      %swap3A_410 = tpu.vector_load %arg7[%swap3A_409] {strides = array<i32>} : memref<4096xf32, #tpu.memory_space<vmem>>, vector<16xf32>,
      %swap3A_411 = vector.shape_cast %swap3A_410 : vector<16xf32> to vector<16xf32>
      %swap3A_412 = vector.shape_cast %broadcast_in_dim3A_3 : vector<16xf32> to vector<16xf32>
      tpu.vector_store %arg7[%swap3A_409], %swap3A_412 {strides = array<i32>} : memref<4096xf32, #tpu.memory_space<vmem>>, vector<16xf32>,
      %swap3A_413 = arith.constant 1632 : index
      %swap3A_414 = tpu.vector_load %arg7[%swap3A_413] {strides = array<i32>} : memref<4096xf32, #tpu.memory_space<vmem>>, vector<16xf32>,
      %swap3A_415 = vector.shape_cast %swap3A_414 : vector<16xf32> to vector<16xf32>
      %swap3A_416 = vector.shape_cast %broadcast_in_dim3A_3 : vector<16xf32> to vector<16xf32>
      tpu.vector_store %arg7[%swap3A_413], %swap3A_416 {strides = array<i32>} : memref<4096xf32, #tpu.memory_space<vmem>>, vector<16xf32>,
      %swap3A_417 = arith.constant 1648 : index
      %swap3A_418 = tpu.vector_load %arg7[%swap3A_417] {strides = array<i32>} : memref<4096xf32, #tpu.memory_space<vmem>>, vector<16xf32>,
      %swap3A_419 = vector.shape_cast %swap3A_418 : vector<16xf32> to vector<16xf32>
      %swap3A_420 = vector.shape_cast %broadcast_in_dim3A_3 : vector<16xf32> to vector<16xf32>
      tpu.vector_store %arg7[%swap3A_417], %swap3A_420 {strides = array<i32>} : memref<4096xf32, #tpu.memory_space<vmem>>, vector<16xf32>,
      %swap3A_421 = arith.constant 1664 : index
      %swap3A_422 = tpu.vector_load %arg7[%swap3A_421] {strides = array<i32>} : memref<4096xf32, #tpu.memory_space<vmem>>, vector<16xf32>,
      %swap3A_423 = vector.shape_cast %swap3A_422 : vector<16xf32> to vector<16xf32>
      %swap3A_424 = vector.shape_cast %broadcast_in_dim3A_3 : vector<16xf32> to vector<16xf32>
      tpu.vector_store %arg7[%swap3A_421], %swap3A_424 {strides = array<i32>} : memref<4096xf32, #tpu.memory_space<vmem>>, vector<16xf32>,
      %swap3A_425 = arith.constant 1680 : index
      %swap3A_426 = tpu.vector_load %arg7[%swap3A_425] {strides = array<i32>} : memref<4096xf32, #tpu.memory_space<vmem>>, vector<16xf32>,
      %swap3A_427 = vector.shape_cast %swap3A_426 : vector<16xf32> to vector<16xf32>
      %swap3A_428 = vector.shape_cast %broadcast_in_dim3A_3 : vector<16xf32> to vector<16xf32>
      tpu.vector_store %arg7[%swap3A_425], %swap3A_428 {strides = array<i32>} : memref<4096xf32, #tpu.memory_space<vmem>>, vector<16xf32>,
      %swap3A_429 = arith.constant 1696 : index
      %swap3A_430 = tpu.vector_load %arg7[%swap3A_429] {strides = array<i32>} : memref<4096xf32, #tpu.memory_space<vmem>>, vector<16xf32>,
      %swap3A_431 = vector.shape_cast %swap3A_430 : vector<16xf32> to vector<16xf32>
      %swap3A_432 = vector.shape_cast %broadcast_in_dim3A_3 : vector<16xf32> to vector<16xf32>
      tpu.vector_store %arg7[%swap3A_429], %swap3A_432 {strides = array<i32>} : memref<4096xf32, #tpu.memory_space<vmem>>, vector<16xf32>,
      %swap3A_433 = arith.constant 1712 : index
      %swap3A_434 = tpu.vector_load %arg7[%swap3A_433] {strides = array<i32>} : memref<4096xf32, #tpu.memory_space<vmem>>, vector<16xf32>,
      %swap3A_435 = vector.shape_cast %swap3A_434 : vector<16xf32> to vector<16xf32>
      %swap3A_436 = vector.shape_cast %broadcast_in_dim3A_3 : vector<16xf32> to vector<16xf32>
      tpu.vector_store %arg7[%swap3A_433], %swap3A_436 {strides = array<i32>} : memref<4096xf32, #tpu.memory_space<vmem>>, vector<16xf32>,
      %swap3A_437 = arith.constant 1728 : index
      %swap3A_438 = tpu.vector_load %arg7[%swap3A_437] {strides = array<i32>} : memref<4096xf32, #tpu.memory_space<vmem>>, vector<16xf32>,
      %swap3A_439 = vector.shape_cast %swap3A_438 : vector<16xf32> to vector<16xf32>
      %swap3A_440 = vector.shape_cast %broadcast_in_dim3A_3 : vector<16xf32> to vector<16xf32>
      tpu.vector_store %arg7[%swap3A_437], %swap3A_440 {strides = array<i32>} : memref<4096xf32, #tpu.memory_space<vmem>>, vector<16xf32>,
      %swap3A_441 = arith.constant 1744 : index
      %swap3A_442 = tpu.vector_load %arg7[%swap3A_441] {strides = array<i32>} : memref<4096xf32, #tpu.memory_space<vmem>>, vector<16xf32>,
      %swap3A_443 = vector.shape_cast %swap3A_442 : vector<16xf32> to vector<16xf32>
      %swap3A_444 = vector.shape_cast %broadcast_in_dim3A_3 : vector<16xf32> to vector<16xf32>
      tpu.vector_store %arg7[%swap3A_441], %swap3A_444 {strides = array<i32>} : memref<4096xf32, #tpu.memory_space<vmem>>, vector<16xf32>,
      %swap3A_445 = arith.constant 1760 : index
      %swap3A_446 = tpu.vector_load %arg7[%swap3A_445] {strides = array<i32>} : memref<4096xf32, #tpu.memory_space<vmem>>, vector<16xf32>,
      %swap3A_447 = vector.shape_cast %swap3A_446 : vector<16xf32> to vector<16xf32>
      %swap3A_448 = vector.shape_cast %broadcast_in_dim3A_3 : vector<16xf32> to vector<16xf32>
      tpu.vector_store %arg7[%swap3A_445], %swap3A_448 {strides = array<i32>} : memref<4096xf32, #tpu.memory_space<vmem>>, vector<16xf32>,
      %swap3A_449 = arith.constant 1776 : index
      %swap3A_450 = tpu.vector_load %arg7[%swap3A_449] {strides = array<i32>} : memref<4096xf32, #tpu.memory_space<vmem>>, vector<16xf32>,
      %swap3A_451 = vector.shape_cast %swap3A_450 : vector<16xf32> to vector<16xf32>
      %swap3A_452 = vector.shape_cast %broadcast_in_dim3A_3 : vector<16xf32> to vector<16xf32>
      tpu.vector_store %arg7[%swap3A_449], %swap3A_452 {strides = array<i32>} : memref<4096xf32, #tpu.memory_space<vmem>>, vector<16xf32>,
      %swap3A_453 = arith.constant 1792 : index
      %swap3A_454 = tpu.vector_load %arg7[%swap3A_453] {strides = array<i32>} : memref<4096xf32, #tpu.memory_space<vmem>>, vector<16xf32>,
      %swap3A_455 = vector.shape_cast %swap3A_454 : vector<16xf32> to vector<16xf32>
      %swap3A_456 = vector.shape_cast %broadcast_in_dim3A_3 : vector<16xf32> to vector<16xf32>
      tpu.vector_store %arg7[%swap3A_453], %swap3A_456 {strides = array<i32>} : memref<4096xf32, #tpu.memory_space<vmem>>, vector<16xf32>,
      %swap3A_457 = arith.constant 1808 : index
      %swap3A_458 = tpu.vector_load %arg7[%swap3A_457] {strides = array<i32>} : memref<4096xf32, #tpu.memory_space<vmem>>, vector<16xf32>,
      %swap3A_459 = vector.shape_cast %swap3A_458 : vector<16xf32> to vector<16xf32>
      %swap3A_460 = vector.shape_cast %broadcast_in_dim3A_3 : vector<16xf32> to vector<16xf32>
      tpu.vector_store %arg7[%swap3A_457], %swap3A_460 {strides = array<i32>} : memref<4096xf32, #tpu.memory_space<vmem>>, vector<16xf32>,
      %swap3A_461 = arith.constant 1824 : index
      %swap3A_462 = tpu.vector_load %arg7[%swap3A_461] {strides = array<i32>} : memref<4096xf32, #tpu.memory_space<vmem>>, vector<16xf32>,
      %swap3A_463 = vector.shape_cast %swap3A_462 : vector<16xf32> to vector<16xf32>
      %swap3A_464 = vector.shape_cast %broadcast_in_dim3A_3 : vector<16xf32> to vector<16xf32>
      tpu.vector_store %arg7[%swap3A_461], %swap3A_464 {strides = array<i32>} : memref<4096xf32, #tpu.memory_space<vmem>>, vector<16xf32>,
      %swap3A_465 = arith.constant 1840 : index
      %swap3A_466 = tpu.vector_load %arg7[%swap3A_465] {strides = array<i32>} : memref<4096xf32, #tpu.memory_space<vmem>>, vector<16xf32>,
      %swap3A_467 = vector.shape_cast %swap3A_466 : vector<16xf32> to vector<16xf32>
      %swap3A_468 = vector.shape_cast %broadcast_in_dim3A_3 : vector<16xf32> to vector<16xf32>
      tpu.vector_store %arg7[%swap3A_465], %swap3A_468 {strides = array<i32>} : memref<4096xf32, #tpu.memory_space<vmem>>, vector<16xf32>,
      %swap3A_469 = arith.constant 1856 : index
      %swap3A_470 = tpu.vector_load %arg7[%swap3A_469] {strides = array<i32>} : memref<4096xf32, #tpu.memory_space<vmem>>, vector<16xf32>,
      %swap3A_471 = vector.shape_cast %swap3A_470 : vector<16xf32> to vector<16xf32>
      %swap3A_472 = vector.shape_cast %broadcast_in_dim3A_3 : vector<16xf32> to vector<16xf32>
      tpu.vector_store %arg7[%swap3A_469], %swap3A_472 {strides = array<i32>} : memref<4096xf32, #tpu.memory_space<vmem>>, vector<16xf32>,
      %swap3A_473 = arith.constant 1872 : index
      %swap3A_474 = tpu.vector_load %arg7[%swap3A_473] {strides = array<i32>} : memref<4096xf32, #tpu.memory_space<vmem>>, vector<16xf32>,
      %swap3A_475 = vector.shape_cast %swap3A_474 : vector<16xf32> to vector<16xf32>
      %swap3A_476 = vector.shape_cast %broadcast_in_dim3A_3 : vector<16xf32> to vector<16xf32>
      tpu.vector_store %arg7[%swap3A_473], %swap3A_476 {strides = array<i32>} : memref<4096xf32, #tpu.memory_space<vmem>>, vector<16xf32>,
      %swap3A_477 = arith.constant 1888 : index
      %swap3A_478 = tpu.vector_load %arg7[%swap3A_477] {strides = array<i32>} : memref<4096xf32, #tpu.memory_space<vmem>>, vector<16xf32>,
      %swap3A_479 = vector.shape_cast %swap3A_478 : vector<16xf32> to vector<16xf32>
      %swap3A_480 = vector.shape_cast %broadcast_in_dim3A_3 : vector<16xf32> to vector<16xf32>
      tpu.vector_store %arg7[%swap3A_477], %swap3A_480 {strides = array<i32>} : memref<4096xf32, #tpu.memory_space<vmem>>, vector<16xf32>,
      %swap3A_481 = arith.constant 1904 : index
      %swap3A_482 = tpu.vector_load %arg7[%swap3A_481] {strides = array<i32>} : memref<4096xf32, #tpu.memory_space<vmem>>, vector<16xf32>,
      %swap3A_483 = vector.shape_cast %swap3A_482 : vector<16xf32> to vector<16xf32>
      %swap3A_484 = vector.shape_cast %broadcast_in_dim3A_3 : vector<16xf32> to vector<16xf32>
      tpu.vector_store %arg7[%swap3A_481], %swap3A_484 {strides = array<i32>} : memref<4096xf32, #tpu.memory_space<vmem>>, vector<16xf32>,
      %swap3A_485 = arith.constant 1920 : index
      %swap3A_486 = tpu.vector_load %arg7[%swap3A_485] {strides = array<i32>} : memref<4096xf32, #tpu.memory_space<vmem>>, vector<16xf32>,
      %swap3A_487 = vector.shape_cast %swap3A_486 : vector<16xf32> to vector<16xf32>
      %swap3A_488 = vector.shape_cast %broadcast_in_dim3A_3 : vector<16xf32> to vector<16xf32>
      tpu.vector_store %arg7[%swap3A_485], %swap3A_488 {strides = array<i32>} : memref<4096xf32, #tpu.memory_space<vmem>>, vector<16xf32>,
      %swap3A_489 = arith.constant 1936 : index
      %swap3A_490 = tpu.vector_load %arg7[%swap3A_489] {strides = array<i32>} : memref<4096xf32, #tpu.memory_space<vmem>>, vector<16xf32>,
      %swap3A_491 = vector.shape_cast %swap3A_490 : vector<16xf32> to vector<16xf32>
      %swap3A_492 = vector.shape_cast %broadcast_in_dim3A_3 : vector<16xf32> to vector<16xf32>
      tpu.vector_store %arg7[%swap3A_489], %swap3A_492 {strides = array<i32>} : memref<4096xf32, #tpu.memory_space<vmem>>, vector<16xf32>,
      %swap3A_493 = arith.constant 1952 : index
      %swap3A_494 = tpu.vector_load %arg7[%swap3A_493] {strides = array<i32>} : memref<4096xf32, #tpu.memory_space<vmem>>, vector<16xf32>,
      %swap3A_495 = vector.shape_cast %swap3A_494 : vector<16xf32> to vector<16xf32>
      %swap3A_496 = vector.shape_cast %broadcast_in_dim3A_3 : vector<16xf32> to vector<16xf32>
      tpu.vector_store %arg7[%swap3A_493], %swap3A_496 {strides = array<i32>} : memref<4096xf32, #tpu.memory_space<vmem>>, vector<16xf32>,
      %swap3A_497 = arith.constant 1968 : index
      %swap3A_498 = tpu.vector_load %arg7[%swap3A_497] {strides = array<i32>} : memref<4096xf32, #tpu.memory_space<vmem>>, vector<16xf32>,
      %swap3A_499 = vector.shape_cast %swap3A_498 : vector<16xf32> to vector<16xf32>
      %swap3A_500 = vector.shape_cast %broadcast_in_dim3A_3 : vector<16xf32> to vector<16xf32>
      tpu.vector_store %arg7[%swap3A_497], %swap3A_500 {strides = array<i32>} : memref<4096xf32, #tpu.memory_space<vmem>>, vector<16xf32>,
      %swap3A_501 = arith.constant 1984 : index
      %swap3A_502 = tpu.vector_load %arg7[%swap3A_501] {strides = array<i32>} : memref<4096xf32, #tpu.memory_space<vmem>>, vector<16xf32>,
      %swap3A_503 = vector.shape_cast %swap3A_502 : vector<16xf32> to vector<16xf32>
      %swap3A_504 = vector.shape_cast %broadcast_in_dim3A_3 : vector<16xf32> to vector<16xf32>
      tpu.vector_store %arg7[%swap3A_501], %swap3A_504 {strides = array<i32>} : memref<4096xf32, #tpu.memory_space<vmem>>, vector<16xf32>,
      %swap3A_505 = arith.constant 2000 : index
      %swap3A_506 = tpu.vector_load %arg7[%swap3A_505] {strides = array<i32>} : memref<4096xf32, #tpu.memory_space<vmem>>, vector<16xf32>,
      %swap3A_507 = vector.shape_cast %swap3A_506 : vector<16xf32> to vector<16xf32>
      %swap3A_508 = vector.shape_cast %broadcast_in_dim3A_3 : vector<16xf32> to vector<16xf32>
      tpu.vector_store %arg7[%swap3A_505], %swap3A_508 {strides = array<i32>} : memref<4096xf32, #tpu.memory_space<vmem>>, vector<16xf32>,
      %swap3A_509 = arith.constant 2016 : index
      %swap3A_510 = tpu.vector_load %arg7[%swap3A_509] {strides = array<i32>} : memref<4096xf32, #tpu.memory_space<vmem>>, vector<16xf32>,
      %swap3A_511 = vector.shape_cast %swap3A_510 : vector<16xf32> to vector<16xf32>
      %swap3A_512 = vector.shape_cast %broadcast_in_dim3A_3 : vector<16xf32> to vector<16xf32>
      tpu.vector_store %arg7[%swap3A_509], %swap3A_512 {strides = array<i32>} : memref<4096xf32, #tpu.memory_space<vmem>>, vector<16xf32>,
      %swap3A_513 = arith.constant 2032 : index
      %swap3A_514 = tpu.vector_load %arg7[%swap3A_513] {strides = array<i32>} : memref<4096xf32, #tpu.memory_space<vmem>>, vector<16xf32>,
      %swap3A_515 = vector.shape_cast %swap3A_514 : vector<16xf32> to vector<16xf32>
      %swap3A_516 = vector.shape_cast %broadcast_in_dim3A_3 : vector<16xf32> to vector<16xf32>
      tpu.vector_store %arg7[%swap3A_513], %swap3A_516 {strides = array<i32>} : memref<4096xf32, #tpu.memory_space<vmem>>, vector<16xf32>,
      %swap3A_517 = arith.constant 2048 : index
      %swap3A_518 = tpu.vector_load %arg7[%swap3A_517] {strides = array<i32>} : memref<4096xf32, #tpu.memory_space<vmem>>, vector<16xf32>,
      %swap3A_519 = vector.shape_cast %swap3A_518 : vector<16xf32> to vector<16xf32>
      %swap3A_520 = vector.shape_cast %broadcast_in_dim3A_3 : vector<16xf32> to vector<16xf32>
      tpu.vector_store %arg7[%swap3A_517], %swap3A_520 {strides = array<i32>} : memref<4096xf32, #tpu.memory_space<vmem>>, vector<16xf32>,
      %swap3A_521 = arith.constant 2064 : index
      %swap3A_522 = tpu.vector_load %arg7[%swap3A_521] {strides = array<i32>} : memref<4096xf32, #tpu.memory_space<vmem>>, vector<16xf32>,
      %swap3A_523 = vector.shape_cast %swap3A_522 : vector<16xf32> to vector<16xf32>
      %swap3A_524 = vector.shape_cast %broadcast_in_dim3A_3 : vector<16xf32> to vector<16xf32>
      tpu.vector_store %arg7[%swap3A_521], %swap3A_524 {strides = array<i32>} : memref<4096xf32, #tpu.memory_space<vmem>>, vector<16xf32>,
      %swap3A_525 = arith.constant 2080 : index
      %swap3A_526 = tpu.vector_load %arg7[%swap3A_525] {strides = array<i32>} : memref<4096xf32, #tpu.memory_space<vmem>>, vector<16xf32>,
      %swap3A_527 = vector.shape_cast %swap3A_526 : vector<16xf32> to vector<16xf32>
      %swap3A_528 = vector.shape_cast %broadcast_in_dim3A_3 : vector<16xf32> to vector<16xf32>
      tpu.vector_store %arg7[%swap3A_525], %swap3A_528 {strides = array<i32>} : memref<4096xf32, #tpu.memory_space<vmem>>, vector<16xf32>,
      %swap3A_529 = arith.constant 2096 : index
      %swap3A_530 = tpu.vector_load %arg7[%swap3A_529] {strides = array<i32>} : memref<4096xf32, #tpu.memory_space<vmem>>, vector<16xf32>,
      %swap3A_531 = vector.shape_cast %swap3A_530 : vector<16xf32> to vector<16xf32>
      %swap3A_532 = vector.shape_cast %broadcast_in_dim3A_3 : vector<16xf32> to vector<16xf32>
      tpu.vector_store %arg7[%swap3A_529], %swap3A_532 {strides = array<i32>} : memref<4096xf32, #tpu.memory_space<vmem>>, vector<16xf32>,
      %swap3A_533 = arith.constant 2112 : index
      %swap3A_534 = tpu.vector_load %arg7[%swap3A_533] {strides = array<i32>} : memref<4096xf32, #tpu.memory_space<vmem>>, vector<16xf32>,
      %swap3A_535 = vector.shape_cast %swap3A_534 : vector<16xf32> to vector<16xf32>
      %swap3A_536 = vector.shape_cast %broadcast_in_dim3A_3 : vector<16xf32> to vector<16xf32>
      tpu.vector_store %arg7[%swap3A_533], %swap3A_536 {strides = array<i32>} : memref<4096xf32, #tpu.memory_space<vmem>>, vector<16xf32>,
      %swap3A_537 = arith.constant 2128 : index
      %swap3A_538 = tpu.vector_load %arg7[%swap3A_537] {strides = array<i32>} : memref<4096xf32, #tpu.memory_space<vmem>>, vector<16xf32>,
      %swap3A_539 = vector.shape_cast %swap3A_538 : vector<16xf32> to vector<16xf32>
      %swap3A_540 = vector.shape_cast %broadcast_in_dim3A_3 : vector<16xf32> to vector<16xf32>
      tpu.vector_store %arg7[%swap3A_537], %swap3A_540 {strides = array<i32>} : memref<4096xf32, #tpu.memory_space<vmem>>, vector<16xf32>,
      %swap3A_541 = arith.constant 2144 : index
      %swap3A_542 = tpu.vector_load %arg7[%swap3A_541] {strides = array<i32>} : memref<4096xf32, #tpu.memory_space<vmem>>, vector<16xf32>,
      %swap3A_543 = vector.shape_cast %swap3A_542 : vector<16xf32> to vector<16xf32>
      %swap3A_544 = vector.shape_cast %broadcast_in_dim3A_3 : vector<16xf32> to vector<16xf32>
      tpu.vector_store %arg7[%swap3A_541], %swap3A_544 {strides = array<i32>} : memref<4096xf32, #tpu.memory_space<vmem>>, vector<16xf32>,
      %swap3A_545 = arith.constant 2160 : index
      %swap3A_546 = tpu.vector_load %arg7[%swap3A_545] {strides = array<i32>} : memref<4096xf32, #tpu.memory_space<vmem>>, vector<16xf32>,
      %swap3A_547 = vector.shape_cast %swap3A_546 : vector<16xf32> to vector<16xf32>
      %swap3A_548 = vector.shape_cast %broadcast_in_dim3A_3 : vector<16xf32> to vector<16xf32>
      tpu.vector_store %arg7[%swap3A_545], %swap3A_548 {strides = array<i32>} : memref<4096xf32, #tpu.memory_space<vmem>>, vector<16xf32>,
      %swap3A_549 = arith.constant 2176 : index
      %swap3A_550 = tpu.vector_load %arg7[%swap3A_549] {strides = array<i32>} : memref<4096xf32, #tpu.memory_space<vmem>>, vector<16xf32>,
      %swap3A_551 = vector.shape_cast %swap3A_550 : vector<16xf32> to vector<16xf32>
      %swap3A_552 = vector.shape_cast %broadcast_in_dim3A_3 : vector<16xf32> to vector<16xf32>
      tpu.vector_store %arg7[%swap3A_549], %swap3A_552 {strides = array<i32>} : memref<4096xf32, #tpu.memory_space<vmem>>, vector<16xf32>,
      %swap3A_553 = arith.constant 2192 : index
      %swap3A_554 = tpu.vector_load %arg7[%swap3A_553] {strides = array<i32>} : memref<4096xf32, #tpu.memory_space<vmem>>, vector<16xf32>,
      %swap3A_555 = vector.shape_cast %swap3A_554 : vector<16xf32> to vector<16xf32>
      %swap3A_556 = vector.shape_cast %broadcast_in_dim3A_3 : vector<16xf32> to vector<16xf32>
      tpu.vector_store %arg7[%swap3A_553], %swap3A_556 {strides = array<i32>} : memref<4096xf32, #tpu.memory_space<vmem>>, vector<16xf32>,
      %swap3A_557 = arith.constant 2208 : index
      %swap3A_558 = tpu.vector_load %arg7[%swap3A_557] {strides = array<i32>} : memref<4096xf32, #tpu.memory_space<vmem>>, vector<16xf32>,
      %swap3A_559 = vector.shape_cast %swap3A_558 : vector<16xf32> to vector<16xf32>
      %swap3A_560 = vector.shape_cast %broadcast_in_dim3A_3 : vector<16xf32> to vector<16xf32>
      tpu.vector_store %arg7[%swap3A_557], %swap3A_560 {strides = array<i32>} : memref<4096xf32, #tpu.memory_space<vmem>>, vector<16xf32>,
      %swap3A_561 = arith.constant 2224 : index
      %swap3A_562 = tpu.vector_load %arg7[%swap3A_561] {strides = array<i32>} : memref<4096xf32, #tpu.memory_space<vmem>>, vector<16xf32>,
      %swap3A_563 = vector.shape_cast %swap3A_562 : vector<16xf32> to vector<16xf32>
      %swap3A_564 = vector.shape_cast %broadcast_in_dim3A_3 : vector<16xf32> to vector<16xf32>
      tpu.vector_store %arg7[%swap3A_561], %swap3A_564 {strides = array<i32>} : memref<4096xf32, #tpu.memory_space<vmem>>, vector<16xf32>,
      %swap3A_565 = arith.constant 2240 : index
      %swap3A_566 = tpu.vector_load %arg7[%swap3A_565] {strides = array<i32>} : memref<4096xf32, #tpu.memory_space<vmem>>, vector<16xf32>,
      %swap3A_567 = vector.shape_cast %swap3A_566 : vector<16xf32> to vector<16xf32>
      %swap3A_568 = vector.shape_cast %broadcast_in_dim3A_3 : vector<16xf32> to vector<16xf32>
      tpu.vector_store %arg7[%swap3A_565], %swap3A_568 {strides = array<i32>} : memref<4096xf32, #tpu.memory_space<vmem>>, vector<16xf32>,
      %swap3A_569 = arith.constant 2256 : index
      %swap3A_570 = tpu.vector_load %arg7[%swap3A_569] {strides = array<i32>} : memref<4096xf32, #tpu.memory_space<vmem>>, vector<16xf32>,
      %swap3A_571 = vector.shape_cast %swap3A_570 : vector<16xf32> to vector<16xf32>
      %swap3A_572 = vector.shape_cast %broadcast_in_dim3A_3 : vector<16xf32> to vector<16xf32>
      tpu.vector_store %arg7[%swap3A_569], %swap3A_572 {strides = array<i32>} : memref<4096xf32, #tpu.memory_space<vmem>>, vector<16xf32>,
      %swap3A_573 = arith.constant 2272 : index
      %swap3A_574 = tpu.vector_load %arg7[%swap3A_573] {strides = array<i32>} : memref<4096xf32, #tpu.memory_space<vmem>>, vector<16xf32>,
      %swap3A_575 = vector.shape_cast %swap3A_574 : vector<16xf32> to vector<16xf32>
      %swap3A_576 = vector.shape_cast %broadcast_in_dim3A_3 : vector<16xf32> to vector<16xf32>
      tpu.vector_store %arg7[%swap3A_573], %swap3A_576 {strides = array<i32>} : memref<4096xf32, #tpu.memory_space<vmem>>, vector<16xf32>,
      %swap3A_577 = arith.constant 2288 : index
      %swap3A_578 = tpu.vector_load %arg7[%swap3A_577] {strides = array<i32>} : memref<4096xf32, #tpu.memory_space<vmem>>, vector<16xf32>,
      %swap3A_579 = vector.shape_cast %swap3A_578 : vector<16xf32> to vector<16xf32>
      %swap3A_580 = vector.shape_cast %broadcast_in_dim3A_3 : vector<16xf32> to vector<16xf32>
      tpu.vector_store %arg7[%swap3A_577], %swap3A_580 {strides = array<i32>} : memref<4096xf32, #tpu.memory_space<vmem>>, vector<16xf32>,
      %swap3A_581 = arith.constant 2304 : index
      %swap3A_582 = tpu.vector_load %arg7[%swap3A_581] {strides = array<i32>} : memref<4096xf32, #tpu.memory_space<vmem>>, vector<16xf32>,
      %swap3A_583 = vector.shape_cast %swap3A_582 : vector<16xf32> to vector<16xf32>
      %swap3A_584 = vector.shape_cast %broadcast_in_dim3A_3 : vector<16xf32> to vector<16xf32>
      tpu.vector_store %arg7[%swap3A_581], %swap3A_584 {strides = array<i32>} : memref<4096xf32, #tpu.memory_space<vmem>>, vector<16xf32>,
      %swap3A_585 = arith.constant 2320 : index
      %swap3A_586 = tpu.vector_load %arg7[%swap3A_585] {strides = array<i32>} : memref<4096xf32, #tpu.memory_space<vmem>>, vector<16xf32>,
      %swap3A_587 = vector.shape_cast %swap3A_586 : vector<16xf32> to vector<16xf32>
      %swap3A_588 = vector.shape_cast %broadcast_in_dim3A_3 : vector<16xf32> to vector<16xf32>
      tpu.vector_store %arg7[%swap3A_585], %swap3A_588 {strides = array<i32>} : memref<4096xf32, #tpu.memory_space<vmem>>, vector<16xf32>,
      %swap3A_589 = arith.constant 2336 : index
      %swap3A_590 = tpu.vector_load %arg7[%swap3A_589] {strides = array<i32>} : memref<4096xf32, #tpu.memory_space<vmem>>, vector<16xf32>,
      %swap3A_591 = vector.shape_cast %swap3A_590 : vector<16xf32> to vector<16xf32>
      %swap3A_592 = vector.shape_cast %broadcast_in_dim3A_3 : vector<16xf32> to vector<16xf32>
      tpu.vector_store %arg7[%swap3A_589], %swap3A_592 {strides = array<i32>} : memref<4096xf32, #tpu.memory_space<vmem>>, vector<16xf32>,
      %swap3A_593 = arith.constant 2352 : index
      %swap3A_594 = tpu.vector_load %arg7[%swap3A_593] {strides = array<i32>} : memref<4096xf32, #tpu.memory_space<vmem>>, vector<16xf32>,
      %swap3A_595 = vector.shape_cast %swap3A_594 : vector<16xf32> to vector<16xf32>
      %swap3A_596 = vector.shape_cast %broadcast_in_dim3A_3 : vector<16xf32> to vector<16xf32>
      tpu.vector_store %arg7[%swap3A_593], %swap3A_596 {strides = array<i32>} : memref<4096xf32, #tpu.memory_space<vmem>>, vector<16xf32>,
      %swap3A_597 = arith.constant 2368 : index
      %swap3A_598 = tpu.vector_load %arg7[%swap3A_597] {strides = array<i32>} : memref<4096xf32, #tpu.memory_space<vmem>>, vector<16xf32>,
      %swap3A_599 = vector.shape_cast %swap3A_598 : vector<16xf32> to vector<16xf32>
      %swap3A_600 = vector.shape_cast %broadcast_in_dim3A_3 : vector<16xf32> to vector<16xf32>
      tpu.vector_store %arg7[%swap3A_597], %swap3A_600 {strides = array<i32>} : memref<4096xf32, #tpu.memory_space<vmem>>, vector<16xf32>,
      %swap3A_601 = arith.constant 2384 : index
      %swap3A_602 = tpu.vector_load %arg7[%swap3A_601] {strides = array<i32>} : memref<4096xf32, #tpu.memory_space<vmem>>, vector<16xf32>,
      %swap3A_603 = vector.shape_cast %swap3A_602 : vector<16xf32> to vector<16xf32>
      %swap3A_604 = vector.shape_cast %broadcast_in_dim3A_3 : vector<16xf32> to vector<16xf32>
      tpu.vector_store %arg7[%swap3A_601], %swap3A_604 {strides = array<i32>} : memref<4096xf32, #tpu.memory_space<vmem>>, vector<16xf32>,
      %swap3A_605 = arith.constant 2400 : index
      %swap3A_606 = tpu.vector_load %arg7[%swap3A_605] {strides = array<i32>} : memref<4096xf32, #tpu.memory_space<vmem>>, vector<16xf32>,
      %swap3A_607 = vector.shape_cast %swap3A_606 : vector<16xf32> to vector<16xf32>
      %swap3A_608 = vector.shape_cast %broadcast_in_dim3A_3 : vector<16xf32> to vector<16xf32>
      tpu.vector_store %arg7[%swap3A_605], %swap3A_608 {strides = array<i32>} : memref<4096xf32, #tpu.memory_space<vmem>>, vector<16xf32>,
      %swap3A_609 = arith.constant 2416 : index
      %swap3A_610 = tpu.vector_load %arg7[%swap3A_609] {strides = array<i32>} : memref<4096xf32, #tpu.memory_space<vmem>>, vector<16xf32>,
      %swap3A_611 = vector.shape_cast %swap3A_610 : vector<16xf32> to vector<16xf32>
      %swap3A_612 = vector.shape_cast %broadcast_in_dim3A_3 : vector<16xf32> to vector<16xf32>
      tpu.vector_store %arg7[%swap3A_609], %swap3A_612 {strides = array<i32>} : memref<4096xf32, #tpu.memory_space<vmem>>, vector<16xf32>,
      %swap3A_613 = arith.constant 2432 : index
      %swap3A_614 = tpu.vector_load %arg7[%swap3A_613] {strides = array<i32>} : memref<4096xf32, #tpu.memory_space<vmem>>, vector<16xf32>,
      %swap3A_615 = vector.shape_cast %swap3A_614 : vector<16xf32> to vector<16xf32>
      %swap3A_616 = vector.shape_cast %broadcast_in_dim3A_3 : vector<16xf32> to vector<16xf32>
      tpu.vector_store %arg7[%swap3A_613], %swap3A_616 {strides = array<i32>} : memref<4096xf32, #tpu.memory_space<vmem>>, vector<16xf32>,
      %swap3A_617 = arith.constant 2448 : index
      %swap3A_618 = tpu.vector_load %arg7[%swap3A_617] {strides = array<i32>} : memref<4096xf32, #tpu.memory_space<vmem>>, vector<16xf32>,
      %swap3A_619 = vector.shape_cast %swap3A_618 : vector<16xf32> to vector<16xf32>
      %swap3A_620 = vector.shape_cast %broadcast_in_dim3A_3 : vector<16xf32> to vector<16xf32>
      tpu.vector_store %arg7[%swap3A_617], %swap3A_620 {strides = array<i32>} : memref<4096xf32, #tpu.memory_space<vmem>>, vector<16xf32>,
      %swap3A_621 = arith.constant 2464 : index
      %swap3A_622 = tpu.vector_load %arg7[%swap3A_621] {strides = array<i32>} : memref<4096xf32, #tpu.memory_space<vmem>>, vector<16xf32>,
      %swap3A_623 = vector.shape_cast %swap3A_622 : vector<16xf32> to vector<16xf32>
      %swap3A_624 = vector.shape_cast %broadcast_in_dim3A_3 : vector<16xf32> to vector<16xf32>
      tpu.vector_store %arg7[%swap3A_621], %swap3A_624 {strides = array<i32>} : memref<4096xf32, #tpu.memory_space<vmem>>, vector<16xf32>,
      %swap3A_625 = arith.constant 2480 : index
      %swap3A_626 = tpu.vector_load %arg7[%swap3A_625] {strides = array<i32>} : memref<4096xf32, #tpu.memory_space<vmem>>, vector<16xf32>,
      %swap3A_627 = vector.shape_cast %swap3A_626 : vector<16xf32> to vector<16xf32>
      %swap3A_628 = vector.shape_cast %broadcast_in_dim3A_3 : vector<16xf32> to vector<16xf32>
      tpu.vector_store %arg7[%swap3A_625], %swap3A_628 {strides = array<i32>} : memref<4096xf32, #tpu.memory_space<vmem>>, vector<16xf32>,
      %swap3A_629 = arith.constant 2496 : index
      %swap3A_630 = tpu.vector_load %arg7[%swap3A_629] {strides = array<i32>} : memref<4096xf32, #tpu.memory_space<vmem>>, vector<16xf32>,
      %swap3A_631 = vector.shape_cast %swap3A_630 : vector<16xf32> to vector<16xf32>
      %swap3A_632 = vector.shape_cast %broadcast_in_dim3A_3 : vector<16xf32> to vector<16xf32>
      tpu.vector_store %arg7[%swap3A_629], %swap3A_632 {strides = array<i32>} : memref<4096xf32, #tpu.memory_space<vmem>>, vector<16xf32>,
      %swap3A_633 = arith.constant 2512 : index
      %swap3A_634 = tpu.vector_load %arg7[%swap3A_633] {strides = array<i32>} : memref<4096xf32, #tpu.memory_space<vmem>>, vector<16xf32>,
      %swap3A_635 = vector.shape_cast %swap3A_634 : vector<16xf32> to vector<16xf32>
      %swap3A_636 = vector.shape_cast %broadcast_in_dim3A_3 : vector<16xf32> to vector<16xf32>
      tpu.vector_store %arg7[%swap3A_633], %swap3A_636 {strides = array<i32>} : memref<4096xf32, #tpu.memory_space<vmem>>, vector<16xf32>,
      %swap3A_637 = arith.constant 2528 : index
      %swap3A_638 = tpu.vector_load %arg7[%swap3A_637] {strides = array<i32>} : memref<4096xf32, #tpu.memory_space<vmem>>, vector<16xf32>,
      %swap3A_639 = vector.shape_cast %swap3A_638 : vector<16xf32> to vector<16xf32>
      %swap3A_640 = vector.shape_cast %broadcast_in_dim3A_3 : vector<16xf32> to vector<16xf32>
      tpu.vector_store %arg7[%swap3A_637], %swap3A_640 {strides = array<i32>} : memref<4096xf32, #tpu.memory_space<vmem>>, vector<16xf32>,
      %swap3A_641 = arith.constant 2544 : index
      %swap3A_642 = tpu.vector_load %arg7[%swap3A_641] {strides = array<i32>} : memref<4096xf32, #tpu.memory_space<vmem>>, vector<16xf32>,
      %swap3A_643 = vector.shape_cast %swap3A_642 : vector<16xf32> to vector<16xf32>
      %swap3A_644 = vector.shape_cast %broadcast_in_dim3A_3 : vector<16xf32> to vector<16xf32>
      tpu.vector_store %arg7[%swap3A_641], %swap3A_644 {strides = array<i32>} : memref<4096xf32, #tpu.memory_space<vmem>>, vector<16xf32>,
      %swap3A_645 = arith.constant 2560 : index
      %swap3A_646 = tpu.vector_load %arg7[%swap3A_645] {strides = array<i32>} : memref<4096xf32, #tpu.memory_space<vmem>>, vector<16xf32>,
      %swap3A_647 = vector.shape_cast %swap3A_646 : vector<16xf32> to vector<16xf32>
      %swap3A_648 = vector.shape_cast %broadcast_in_dim3A_3 : vector<16xf32> to vector<16xf32>
      tpu.vector_store %arg7[%swap3A_645], %swap3A_648 {strides = array<i32>} : memref<4096xf32, #tpu.memory_space<vmem>>, vector<16xf32>,
      %swap3A_649 = arith.constant 2576 : index
      %swap3A_650 = tpu.vector_load %arg7[%swap3A_649] {strides = array<i32>} : memref<4096xf32, #tpu.memory_space<vmem>>, vector<16xf32>,
      %swap3A_651 = vector.shape_cast %swap3A_650 : vector<16xf32> to vector<16xf32>
      %swap3A_652 = vector.shape_cast %broadcast_in_dim3A_3 : vector<16xf32> to vector<16xf32>
      tpu.vector_store %arg7[%swap3A_649], %swap3A_652 {strides = array<i32>} : memref<4096xf32, #tpu.memory_space<vmem>>, vector<16xf32>,
      %swap3A_653 = arith.constant 2592 : index
      %swap3A_654 = tpu.vector_load %arg7[%swap3A_653] {strides = array<i32>} : memref<4096xf32, #tpu.memory_space<vmem>>, vector<16xf32>,
      %swap3A_655 = vector.shape_cast %swap3A_654 : vector<16xf32> to vector<16xf32>
      %swap3A_656 = vector.shape_cast %broadcast_in_dim3A_3 : vector<16xf32> to vector<16xf32>
      tpu.vector_store %arg7[%swap3A_653], %swap3A_656 {strides = array<i32>} : memref<4096xf32, #tpu.memory_space<vmem>>, vector<16xf32>,
      %swap3A_657 = arith.constant 2608 : index
      %swap3A_658 = tpu.vector_load %arg7[%swap3A_657] {strides = array<i32>} : memref<4096xf32, #tpu.memory_space<vmem>>, vector<16xf32>,
      %swap3A_659 = vector.shape_cast %swap3A_658 : vector<16xf32> to vector<16xf32>
      %swap3A_660 = vector.shape_cast %broadcast_in_dim3A_3 : vector<16xf32> to vector<16xf32>
      tpu.vector_store %arg7[%swap3A_657], %swap3A_660 {strides = array<i32>} : memref<4096xf32, #tpu.memory_space<vmem>>, vector<16xf32>,
      %swap3A_661 = arith.constant 2624 : index
      %swap3A_662 = tpu.vector_load %arg7[%swap3A_661] {strides = array<i32>} : memref<4096xf32, #tpu.memory_space<vmem>>, vector<16xf32>,
      %swap3A_663 = vector.shape_cast %swap3A_662 : vector<16xf32> to vector<16xf32>
      %swap3A_664 = vector.shape_cast %broadcast_in_dim3A_3 : vector<16xf32> to vector<16xf32>
      tpu.vector_store %arg7[%swap3A_661], %swap3A_664 {strides = array<i32>} : memref<4096xf32, #tpu.memory_space<vmem>>, vector<16xf32>,
      %swap3A_665 = arith.constant 2640 : index
      %swap3A_666 = tpu.vector_load %arg7[%swap3A_665] {strides = array<i32>} : memref<4096xf32, #tpu.memory_space<vmem>>, vector<16xf32>,
      %swap3A_667 = vector.shape_cast %swap3A_666 : vector<16xf32> to vector<16xf32>
      %swap3A_668 = vector.shape_cast %broadcast_in_dim3A_3 : vector<16xf32> to vector<16xf32>
      tpu.vector_store %arg7[%swap3A_665], %swap3A_668 {strides = array<i32>} : memref<4096xf32, #tpu.memory_space<vmem>>, vector<16xf32>,
      %swap3A_669 = arith.constant 2656 : index
      %swap3A_670 = tpu.vector_load %arg7[%swap3A_669] {strides = array<i32>} : memref<4096xf32, #tpu.memory_space<vmem>>, vector<16xf32>,
      %swap3A_671 = vector.shape_cast %swap3A_670 : vector<16xf32> to vector<16xf32>
      %swap3A_672 = vector.shape_cast %broadcast_in_dim3A_3 : vector<16xf32> to vector<16xf32>
      tpu.vector_store %arg7[%swap3A_669], %swap3A_672 {strides = array<i32>} : memref<4096xf32, #tpu.memory_space<vmem>>, vector<16xf32>,
      %swap3A_673 = arith.constant 2672 : index
      %swap3A_674 = tpu.vector_load %arg7[%swap3A_673] {strides = array<i32>} : memref<4096xf32, #tpu.memory_space<vmem>>, vector<16xf32>,
      %swap3A_675 = vector.shape_cast %swap3A_674 : vector<16xf32> to vector<16xf32>
      %swap3A_676 = vector.shape_cast %broadcast_in_dim3A_3 : vector<16xf32> to vector<16xf32>
      tpu.vector_store %arg7[%swap3A_673], %swap3A_676 {strides = array<i32>} : memref<4096xf32, #tpu.memory_space<vmem>>, vector<16xf32>,
      %swap3A_677 = arith.constant 2688 : index
      %swap3A_678 = tpu.vector_load %arg7[%swap3A_677] {strides = array<i32>} : memref<4096xf32, #tpu.memory_space<vmem>>, vector<16xf32>,
      %swap3A_679 = vector.shape_cast %swap3A_678 : vector<16xf32> to vector<16xf32>
      %swap3A_680 = vector.shape_cast %broadcast_in_dim3A_3 : vector<16xf32> to vector<16xf32>
      tpu.vector_store %arg7[%swap3A_677], %swap3A_680 {strides = array<i32>} : memref<4096xf32, #tpu.memory_space<vmem>>, vector<16xf32>,
      %swap3A_681 = arith.constant 2704 : index
      %swap3A_682 = tpu.vector_load %arg7[%swap3A_681] {strides = array<i32>} : memref<4096xf32, #tpu.memory_space<vmem>>, vector<16xf32>,
      %swap3A_683 = vector.shape_cast %swap3A_682 : vector<16xf32> to vector<16xf32>
      %swap3A_684 = vector.shape_cast %broadcast_in_dim3A_3 : vector<16xf32> to vector<16xf32>
      tpu.vector_store %arg7[%swap3A_681], %swap3A_684 {strides = array<i32>} : memref<4096xf32, #tpu.memory_space<vmem>>, vector<16xf32>,
      %swap3A_685 = arith.constant 2720 : index
      %swap3A_686 = tpu.vector_load %arg7[%swap3A_685] {strides = array<i32>} : memref<4096xf32, #tpu.memory_space<vmem>>, vector<16xf32>,
      %swap3A_687 = vector.shape_cast %swap3A_686 : vector<16xf32> to vector<16xf32>
      %swap3A_688 = vector.shape_cast %broadcast_in_dim3A_3 : vector<16xf32> to vector<16xf32>
      tpu.vector_store %arg7[%swap3A_685], %swap3A_688 {strides = array<i32>} : memref<4096xf32, #tpu.memory_space<vmem>>, vector<16xf32>,
      %swap3A_689 = arith.constant 2736 : index
      %swap3A_690 = tpu.vector_load %arg7[%swap3A_689] {strides = array<i32>} : memref<4096xf32, #tpu.memory_space<vmem>>, vector<16xf32>,
      %swap3A_691 = vector.shape_cast %swap3A_690 : vector<16xf32> to vector<16xf32>
      %swap3A_692 = vector.shape_cast %broadcast_in_dim3A_3 : vector<16xf32> to vector<16xf32>
      tpu.vector_store %arg7[%swap3A_689], %swap3A_692 {strides = array<i32>} : memref<4096xf32, #tpu.memory_space<vmem>>, vector<16xf32>,
      %swap3A_693 = arith.constant 2752 : index
      %swap3A_694 = tpu.vector_load %arg7[%swap3A_693] {strides = array<i32>} : memref<4096xf32, #tpu.memory_space<vmem>>, vector<16xf32>,
      %swap3A_695 = vector.shape_cast %swap3A_694 : vector<16xf32> to vector<16xf32>
      %swap3A_696 = vector.shape_cast %broadcast_in_dim3A_3 : vector<16xf32> to vector<16xf32>
      tpu.vector_store %arg7[%swap3A_693], %swap3A_696 {strides = array<i32>} : memref<4096xf32, #tpu.memory_space<vmem>>, vector<16xf32>,
      %swap3A_697 = arith.constant 2768 : index
      %swap3A_698 = tpu.vector_load %arg7[%swap3A_697] {strides = array<i32>} : memref<4096xf32, #tpu.memory_space<vmem>>, vector<16xf32>,
      %swap3A_699 = vector.shape_cast %swap3A_698 : vector<16xf32> to vector<16xf32>
      %swap3A_700 = vector.shape_cast %broadcast_in_dim3A_3 : vector<16xf32> to vector<16xf32>
      tpu.vector_store %arg7[%swap3A_697], %swap3A_700 {strides = array<i32>} : memref<4096xf32, #tpu.memory_space<vmem>>, vector<16xf32>,
      %swap3A_701 = arith.constant 2784 : index
      %swap3A_702 = tpu.vector_load %arg7[%swap3A_701] {strides = array<i32>} : memref<4096xf32, #tpu.memory_space<vmem>>, vector<16xf32>,
      %swap3A_703 = vector.shape_cast %swap3A_702 : vector<16xf32> to vector<16xf32>
      %swap3A_704 = vector.shape_cast %broadcast_in_dim3A_3 : vector<16xf32> to vector<16xf32>
      tpu.vector_store %arg7[%swap3A_701], %swap3A_704 {strides = array<i32>} : memref<4096xf32, #tpu.memory_space<vmem>>, vector<16xf32>,
      %swap3A_705 = arith.constant 2800 : index
      %swap3A_706 = tpu.vector_load %arg7[%swap3A_705] {strides = array<i32>} : memref<4096xf32, #tpu.memory_space<vmem>>, vector<16xf32>,
      %swap3A_707 = vector.shape_cast %swap3A_706 : vector<16xf32> to vector<16xf32>
      %swap3A_708 = vector.shape_cast %broadcast_in_dim3A_3 : vector<16xf32> to vector<16xf32>
      tpu.vector_store %arg7[%swap3A_705], %swap3A_708 {strides = array<i32>} : memref<4096xf32, #tpu.memory_space<vmem>>, vector<16xf32>,
      %swap3A_709 = arith.constant 2816 : index
      %swap3A_710 = tpu.vector_load %arg7[%swap3A_709] {strides = array<i32>} : memref<4096xf32, #tpu.memory_space<vmem>>, vector<16xf32>,
      %swap3A_711 = vector.shape_cast %swap3A_710 : vector<16xf32> to vector<16xf32>
      %swap3A_712 = vector.shape_cast %broadcast_in_dim3A_3 : vector<16xf32> to vector<16xf32>
      tpu.vector_store %arg7[%swap3A_709], %swap3A_712 {strides = array<i32>} : memref<4096xf32, #tpu.memory_space<vmem>>, vector<16xf32>,
      %swap3A_713 = arith.constant 2832 : index
      %swap3A_714 = tpu.vector_load %arg7[%swap3A_713] {strides = array<i32>} : memref<4096xf32, #tpu.memory_space<vmem>>, vector<16xf32>,
      %swap3A_715 = vector.shape_cast %swap3A_714 : vector<16xf32> to vector<16xf32>
      %swap3A_716 = vector.shape_cast %broadcast_in_dim3A_3 : vector<16xf32> to vector<16xf32>
      tpu.vector_store %arg7[%swap3A_713], %swap3A_716 {strides = array<i32>} : memref<4096xf32, #tpu.memory_space<vmem>>, vector<16xf32>,
      %swap3A_717 = arith.constant 2848 : index
      %swap3A_718 = tpu.vector_load %arg7[%swap3A_717] {strides = array<i32>} : memref<4096xf32, #tpu.memory_space<vmem>>, vector<16xf32>,
      %swap3A_719 = vector.shape_cast %swap3A_718 : vector<16xf32> to vector<16xf32>
      %swap3A_720 = vector.shape_cast %broadcast_in_dim3A_3 : vector<16xf32> to vector<16xf32>
      tpu.vector_store %arg7[%swap3A_717], %swap3A_720 {strides = array<i32>} : memref<4096xf32, #tpu.memory_space<vmem>>, vector<16xf32>,
      %swap3A_721 = arith.constant 2864 : index
      %swap3A_722 = tpu.vector_load %arg7[%swap3A_721] {strides = array<i32>} : memref<4096xf32, #tpu.memory_space<vmem>>, vector<16xf32>,
      %swap3A_723 = vector.shape_cast %swap3A_722 : vector<16xf32> to vector<16xf32>
      %swap3A_724 = vector.shape_cast %broadcast_in_dim3A_3 : vector<16xf32> to vector<16xf32>
      tpu.vector_store %arg7[%swap3A_721], %swap3A_724 {strides = array<i32>} : memref<4096xf32, #tpu.memory_space<vmem>>, vector<16xf32>,
      %swap3A_725 = arith.constant 2880 : index
      %swap3A_726 = tpu.vector_load %arg7[%swap3A_725] {strides = array<i32>} : memref<4096xf32, #tpu.memory_space<vmem>>, vector<16xf32>,
      %swap3A_727 = vector.shape_cast %swap3A_726 : vector<16xf32> to vector<16xf32>
      %swap3A_728 = vector.shape_cast %broadcast_in_dim3A_3 : vector<16xf32> to vector<16xf32>
      tpu.vector_store %arg7[%swap3A_725], %swap3A_728 {strides = array<i32>} : memref<4096xf32, #tpu.memory_space<vmem>>, vector<16xf32>,
      %swap3A_729 = arith.constant 2896 : index
      %swap3A_730 = tpu.vector_load %arg7[%swap3A_729] {strides = array<i32>} : memref<4096xf32, #tpu.memory_space<vmem>>, vector<16xf32>,
      %swap3A_731 = vector.shape_cast %swap3A_730 : vector<16xf32> to vector<16xf32>
      %swap3A_732 = vector.shape_cast %broadcast_in_dim3A_3 : vector<16xf32> to vector<16xf32>
      tpu.vector_store %arg7[%swap3A_729], %swap3A_732 {strides = array<i32>} : memref<4096xf32, #tpu.memory_space<vmem>>, vector<16xf32>,
      %swap3A_733 = arith.constant 2912 : index
      %swap3A_734 = tpu.vector_load %arg7[%swap3A_733] {strides = array<i32>} : memref<4096xf32, #tpu.memory_space<vmem>>, vector<16xf32>,
      %swap3A_735 = vector.shape_cast %swap3A_734 : vector<16xf32> to vector<16xf32>
      %swap3A_736 = vector.shape_cast %broadcast_in_dim3A_3 : vector<16xf32> to vector<16xf32>
      tpu.vector_store %arg7[%swap3A_733], %swap3A_736 {strides = array<i32>} : memref<4096xf32, #tpu.memory_space<vmem>>, vector<16xf32>,
      %swap3A_737 = arith.constant 2928 : index
      %swap3A_738 = tpu.vector_load %arg7[%swap3A_737] {strides = array<i32>} : memref<4096xf32, #tpu.memory_space<vmem>>, vector<16xf32>,
      %swap3A_739 = vector.shape_cast %swap3A_738 : vector<16xf32> to vector<16xf32>
      %swap3A_740 = vector.shape_cast %broadcast_in_dim3A_3 : vector<16xf32> to vector<16xf32>
      tpu.vector_store %arg7[%swap3A_737], %swap3A_740 {strides = array<i32>} : memref<4096xf32, #tpu.memory_space<vmem>>, vector<16xf32>,
      %swap3A_741 = arith.constant 2944 : index
      %swap3A_742 = tpu.vector_load %arg7[%swap3A_741] {strides = array<i32>} : memref<4096xf32, #tpu.memory_space<vmem>>, vector<16xf32>,
      %swap3A_743 = vector.shape_cast %swap3A_742 : vector<16xf32> to vector<16xf32>
      %swap3A_744 = vector.shape_cast %broadcast_in_dim3A_3 : vector<16xf32> to vector<16xf32>
      tpu.vector_store %arg7[%swap3A_741], %swap3A_744 {strides = array<i32>} : memref<4096xf32, #tpu.memory_space<vmem>>, vector<16xf32>,
      %swap3A_745 = arith.constant 2960 : index
      %swap3A_746 = tpu.vector_load %arg7[%swap3A_745] {strides = array<i32>} : memref<4096xf32, #tpu.memory_space<vmem>>, vector<16xf32>,
      %swap3A_747 = vector.shape_cast %swap3A_746 : vector<16xf32> to vector<16xf32>
      %swap3A_748 = vector.shape_cast %broadcast_in_dim3A_3 : vector<16xf32> to vector<16xf32>
      tpu.vector_store %arg7[%swap3A_745], %swap3A_748 {strides = array<i32>} : memref<4096xf32, #tpu.memory_space<vmem>>, vector<16xf32>,
      %swap3A_749 = arith.constant 2976 : index
      %swap3A_750 = tpu.vector_load %arg7[%swap3A_749] {strides = array<i32>} : memref<4096xf32, #tpu.memory_space<vmem>>, vector<16xf32>,
      %swap3A_751 = vector.shape_cast %swap3A_750 : vector<16xf32> to vector<16xf32>
      %swap3A_752 = vector.shape_cast %broadcast_in_dim3A_3 : vector<16xf32> to vector<16xf32>
      tpu.vector_store %arg7[%swap3A_749], %swap3A_752 {strides = array<i32>} : memref<4096xf32, #tpu.memory_space<vmem>>, vector<16xf32>,
      %swap3A_753 = arith.constant 2992 : index
      %swap3A_754 = tpu.vector_load %arg7[%swap3A_753] {strides = array<i32>} : memref<4096xf32, #tpu.memory_space<vmem>>, vector<16xf32>,
      %swap3A_755 = vector.shape_cast %swap3A_754 : vector<16xf32> to vector<16xf32>
      %swap3A_756 = vector.shape_cast %broadcast_in_dim3A_3 : vector<16xf32> to vector<16xf32>
      tpu.vector_store %arg7[%swap3A_753], %swap3A_756 {strides = array<i32>} : memref<4096xf32, #tpu.memory_space<vmem>>, vector<16xf32>,
      %swap3A_757 = arith.constant 3008 : index
      %swap3A_758 = tpu.vector_load %arg7[%swap3A_757] {strides = array<i32>} : memref<4096xf32, #tpu.memory_space<vmem>>, vector<16xf32>,
      %swap3A_759 = vector.shape_cast %swap3A_758 : vector<16xf32> to vector<16xf32>
      %swap3A_760 = vector.shape_cast %broadcast_in_dim3A_3 : vector<16xf32> to vector<16xf32>
      tpu.vector_store %arg7[%swap3A_757], %swap3A_760 {strides = array<i32>} : memref<4096xf32, #tpu.memory_space<vmem>>, vector<16xf32>,
      %swap3A_761 = arith.constant 3024 : index
      %swap3A_762 = tpu.vector_load %arg7[%swap3A_761] {strides = array<i32>} : memref<4096xf32, #tpu.memory_space<vmem>>, vector<16xf32>,
      %swap3A_763 = vector.shape_cast %swap3A_762 : vector<16xf32> to vector<16xf32>
      %swap3A_764 = vector.shape_cast %broadcast_in_dim3A_3 : vector<16xf32> to vector<16xf32>
      tpu.vector_store %arg7[%swap3A_761], %swap3A_764 {strides = array<i32>} : memref<4096xf32, #tpu.memory_space<vmem>>, vector<16xf32>,
      %swap3A_765 = arith.constant 3040 : index
      %swap3A_766 = tpu.vector_load %arg7[%swap3A_765] {strides = array<i32>} : memref<4096xf32, #tpu.memory_space<vmem>>, vector<16xf32>,
      %swap3A_767 = vector.shape_cast %swap3A_766 : vector<16xf32> to vector<16xf32>
      %swap3A_768 = vector.shape_cast %broadcast_in_dim3A_3 : vector<16xf32> to vector<16xf32>
      tpu.vector_store %arg7[%swap3A_765], %swap3A_768 {strides = array<i32>} : memref<4096xf32, #tpu.memory_space<vmem>>, vector<16xf32>,
      %swap3A_769 = arith.constant 3056 : index
      %swap3A_770 = tpu.vector_load %arg7[%swap3A_769] {strides = array<i32>} : memref<4096xf32, #tpu.memory_space<vmem>>, vector<16xf32>,
      %swap3A_771 = vector.shape_cast %swap3A_770 : vector<16xf32> to vector<16xf32>
      %swap3A_772 = vector.shape_cast %broadcast_in_dim3A_3 : vector<16xf32> to vector<16xf32>
      tpu.vector_store %arg7[%swap3A_769], %swap3A_772 {strides = array<i32>} : memref<4096xf32, #tpu.memory_space<vmem>>, vector<16xf32>,
      %swap3A_773 = arith.constant 3072 : index
      %swap3A_774 = tpu.vector_load %arg7[%swap3A_773] {strides = array<i32>} : memref<4096xf32, #tpu.memory_space<vmem>>, vector<16xf32>,
      %swap3A_775 = vector.shape_cast %swap3A_774 : vector<16xf32> to vector<16xf32>
      %swap3A_776 = vector.shape_cast %broadcast_in_dim3A_3 : vector<16xf32> to vector<16xf32>
      tpu.vector_store %arg7[%swap3A_773], %swap3A_776 {strides = array<i32>} : memref<4096xf32, #tpu.memory_space<vmem>>, vector<16xf32>,
      %swap3A_777 = arith.constant 3088 : index
      %swap3A_778 = tpu.vector_load %arg7[%swap3A_777] {strides = array<i32>} : memref<4096xf32, #tpu.memory_space<vmem>>, vector<16xf32>,
      %swap3A_779 = vector.shape_cast %swap3A_778 : vector<16xf32> to vector<16xf32>
      %swap3A_780 = vector.shape_cast %broadcast_in_dim3A_3 : vector<16xf32> to vector<16xf32>
      tpu.vector_store %arg7[%swap3A_777], %swap3A_780 {strides = array<i32>} : memref<4096xf32, #tpu.memory_space<vmem>>, vector<16xf32>,
      %swap3A_781 = arith.constant 3104 : index
      %swap3A_782 = tpu.vector_load %arg7[%swap3A_781] {strides = array<i32>} : memref<4096xf32, #tpu.memory_space<vmem>>, vector<16xf32>,
      %swap3A_783 = vector.shape_cast %swap3A_782 : vector<16xf32> to vector<16xf32>
      %swap3A_784 = vector.shape_cast %broadcast_in_dim3A_3 : vector<16xf32> to vector<16xf32>
      tpu.vector_store %arg7[%swap3A_781], %swap3A_784 {strides = array<i32>} : memref<4096xf32, #tpu.memory_space<vmem>>, vector<16xf32>,
      %swap3A_785 = arith.constant 3120 : index
      %swap3A_786 = tpu.vector_load %arg7[%swap3A_785] {strides = array<i32>} : memref<4096xf32, #tpu.memory_space<vmem>>, vector<16xf32>,
      %swap3A_787 = vector.shape_cast %swap3A_786 : vector<16xf32> to vector<16xf32>
      %swap3A_788 = vector.shape_cast %broadcast_in_dim3A_3 : vector<16xf32> to vector<16xf32>
      tpu.vector_store %arg7[%swap3A_785], %swap3A_788 {strides = array<i32>} : memref<4096xf32, #tpu.memory_space<vmem>>, vector<16xf32>,
      %swap3A_789 = arith.constant 3136 : index
      %swap3A_790 = tpu.vector_load %arg7[%swap3A_789] {strides = array<i32>} : memref<4096xf32, #tpu.memory_space<vmem>>, vector<16xf32>,
      %swap3A_791 = vector.shape_cast %swap3A_790 : vector<16xf32> to vector<16xf32>
      %swap3A_792 = vector.shape_cast %broadcast_in_dim3A_3 : vector<16xf32> to vector<16xf32>
      tpu.vector_store %arg7[%swap3A_789], %swap3A_792 {strides = array<i32>} : memref<4096xf32, #tpu.memory_space<vmem>>, vector<16xf32>,
      %swap3A_793 = arith.constant 3152 : index
      %swap3A_794 = tpu.vector_load %arg7[%swap3A_793] {strides = array<i32>} : memref<4096xf32, #tpu.memory_space<vmem>>, vector<16xf32>,
      %swap3A_795 = vector.shape_cast %swap3A_794 : vector<16xf32> to vector<16xf32>
      %swap3A_796 = vector.shape_cast %broadcast_in_dim3A_3 : vector<16xf32> to vector<16xf32>
      tpu.vector_store %arg7[%swap3A_793], %swap3A_796 {strides = array<i32>} : memref<4096xf32, #tpu.memory_space<vmem>>, vector<16xf32>,
      %swap3A_797 = arith.constant 3168 : index
      %swap3A_798 = tpu.vector_load %arg7[%swap3A_797] {strides = array<i32>} : memref<4096xf32, #tpu.memory_space<vmem>>, vector<16xf32>,
      %swap3A_799 = vector.shape_cast %swap3A_798 : vector<16xf32> to vector<16xf32>
      %swap3A_800 = vector.shape_cast %broadcast_in_dim3A_3 : vector<16xf32> to vector<16xf32>
      tpu.vector_store %arg7[%swap3A_797], %swap3A_800 {strides = array<i32>} : memref<4096xf32, #tpu.memory_space<vmem>>, vector<16xf32>,
      %swap3A_801 = arith.constant 3184 : index
      %swap3A_802 = tpu.vector_load %arg7[%swap3A_801] {strides = array<i32>} : memref<4096xf32, #tpu.memory_space<vmem>>, vector<16xf32>,
      %swap3A_803 = vector.shape_cast %swap3A_802 : vector<16xf32> to vector<16xf32>
      %swap3A_804 = vector.shape_cast %broadcast_in_dim3A_3 : vector<16xf32> to vector<16xf32>
      tpu.vector_store %arg7[%swap3A_801], %swap3A_804 {strides = array<i32>} : memref<4096xf32, #tpu.memory_space<vmem>>, vector<16xf32>,
      %swap3A_805 = arith.constant 3200 : index
      %swap3A_806 = tpu.vector_load %arg7[%swap3A_805] {strides = array<i32>} : memref<4096xf32, #tpu.memory_space<vmem>>, vector<16xf32>,
      %swap3A_807 = vector.shape_cast %swap3A_806 : vector<16xf32> to vector<16xf32>
      %swap3A_808 = vector.shape_cast %broadcast_in_dim3A_3 : vector<16xf32> to vector<16xf32>
      tpu.vector_store %arg7[%swap3A_805], %swap3A_808 {strides = array<i32>} : memref<4096xf32, #tpu.memory_space<vmem>>, vector<16xf32>,
      %swap3A_809 = arith.constant 3216 : index
      %swap3A_810 = tpu.vector_load %arg7[%swap3A_809] {strides = array<i32>} : memref<4096xf32, #tpu.memory_space<vmem>>, vector<16xf32>,
      %swap3A_811 = vector.shape_cast %swap3A_810 : vector<16xf32> to vector<16xf32>
      %swap3A_812 = vector.shape_cast %broadcast_in_dim3A_3 : vector<16xf32> to vector<16xf32>
      tpu.vector_store %arg7[%swap3A_809], %swap3A_812 {strides = array<i32>} : memref<4096xf32, #tpu.memory_space<vmem>>, vector<16xf32>,
      %swap3A_813 = arith.constant 3232 : index
      %swap3A_814 = tpu.vector_load %arg7[%swap3A_813] {strides = array<i32>} : memref<4096xf32, #tpu.memory_space<vmem>>, vector<16xf32>,
      %swap3A_815 = vector.shape_cast %swap3A_814 : vector<16xf32> to vector<16xf32>
      %swap3A_816 = vector.shape_cast %broadcast_in_dim3A_3 : vector<16xf32> to vector<16xf32>
      tpu.vector_store %arg7[%swap3A_813], %swap3A_816 {strides = array<i32>} : memref<4096xf32, #tpu.memory_space<vmem>>, vector<16xf32>,
      %swap3A_817 = arith.constant 3248 : index
      %swap3A_818 = tpu.vector_load %arg7[%swap3A_817] {strides = array<i32>} : memref<4096xf32, #tpu.memory_space<vmem>>, vector<16xf32>,
      %swap3A_819 = vector.shape_cast %swap3A_818 : vector<16xf32> to vector<16xf32>
      %swap3A_820 = vector.shape_cast %broadcast_in_dim3A_3 : vector<16xf32> to vector<16xf32>
      tpu.vector_store %arg7[%swap3A_817], %swap3A_820 {strides = array<i32>} : memref<4096xf32, #tpu.memory_space<vmem>>, vector<16xf32>,
      %swap3A_821 = arith.constant 3264 : index
      %swap3A_822 = tpu.vector_load %arg7[%swap3A_821] {strides = array<i32>} : memref<4096xf32, #tpu.memory_space<vmem>>, vector<16xf32>,
      %swap3A_823 = vector.shape_cast %swap3A_822 : vector<16xf32> to vector<16xf32>
      %swap3A_824 = vector.shape_cast %broadcast_in_dim3A_3 : vector<16xf32> to vector<16xf32>
      tpu.vector_store %arg7[%swap3A_821], %swap3A_824 {strides = array<i32>} : memref<4096xf32, #tpu.memory_space<vmem>>, vector<16xf32>,
      %swap3A_825 = arith.constant 3280 : index
      %swap3A_826 = tpu.vector_load %arg7[%swap3A_825] {strides = array<i32>} : memref<4096xf32, #tpu.memory_space<vmem>>, vector<16xf32>,
      %swap3A_827 = vector.shape_cast %swap3A_826 : vector<16xf32> to vector<16xf32>
      %swap3A_828 = vector.shape_cast %broadcast_in_dim3A_3 : vector<16xf32> to vector<16xf32>
      tpu.vector_store %arg7[%swap3A_825], %swap3A_828 {strides = array<i32>} : memref<4096xf32, #tpu.memory_space<vmem>>, vector<16xf32>,
      %swap3A_829 = arith.constant 3296 : index
      %swap3A_830 = tpu.vector_load %arg7[%swap3A_829] {strides = array<i32>} : memref<4096xf32, #tpu.memory_space<vmem>>, vector<16xf32>,
      %swap3A_831 = vector.shape_cast %swap3A_830 : vector<16xf32> to vector<16xf32>
      %swap3A_832 = vector.shape_cast %broadcast_in_dim3A_3 : vector<16xf32> to vector<16xf32>
      tpu.vector_store %arg7[%swap3A_829], %swap3A_832 {strides = array<i32>} : memref<4096xf32, #tpu.memory_space<vmem>>, vector<16xf32>,
      %swap3A_833 = arith.constant 3312 : index
      %swap3A_834 = tpu.vector_load %arg7[%swap3A_833] {strides = array<i32>} : memref<4096xf32, #tpu.memory_space<vmem>>, vector<16xf32>,
      %swap3A_835 = vector.shape_cast %swap3A_834 : vector<16xf32> to vector<16xf32>
      %swap3A_836 = vector.shape_cast %broadcast_in_dim3A_3 : vector<16xf32> to vector<16xf32>
      tpu.vector_store %arg7[%swap3A_833], %swap3A_836 {strides = array<i32>} : memref<4096xf32, #tpu.memory_space<vmem>>, vector<16xf32>,
      %swap3A_837 = arith.constant 3328 : index
      %swap3A_838 = tpu.vector_load %arg7[%swap3A_837] {strides = array<i32>} : memref<4096xf32, #tpu.memory_space<vmem>>, vector<16xf32>,
      %swap3A_839 = vector.shape_cast %swap3A_838 : vector<16xf32> to vector<16xf32>
      %swap3A_840 = vector.shape_cast %broadcast_in_dim3A_3 : vector<16xf32> to vector<16xf32>
      tpu.vector_store %arg7[%swap3A_837], %swap3A_840 {strides = array<i32>} : memref<4096xf32, #tpu.memory_space<vmem>>, vector<16xf32>,
      %swap3A_841 = arith.constant 3344 : index
      %swap3A_842 = tpu.vector_load %arg7[%swap3A_841] {strides = array<i32>} : memref<4096xf32, #tpu.memory_space<vmem>>, vector<16xf32>,
      %swap3A_843 = vector.shape_cast %swap3A_842 : vector<16xf32> to vector<16xf32>
      %swap3A_844 = vector.shape_cast %broadcast_in_dim3A_3 : vector<16xf32> to vector<16xf32>
      tpu.vector_store %arg7[%swap3A_841], %swap3A_844 {strides = array<i32>} : memref<4096xf32, #tpu.memory_space<vmem>>, vector<16xf32>,
      %swap3A_845 = arith.constant 3360 : index
      %swap3A_846 = tpu.vector_load %arg7[%swap3A_845] {strides = array<i32>} : memref<4096xf32, #tpu.memory_space<vmem>>, vector<16xf32>,
      %swap3A_847 = vector.shape_cast %swap3A_846 : vector<16xf32> to vector<16xf32>
      %swap3A_848 = vector.shape_cast %broadcast_in_dim3A_3 : vector<16xf32> to vector<16xf32>
      tpu.vector_store %arg7[%swap3A_845], %swap3A_848 {strides = array<i32>} : memref<4096xf32, #tpu.memory_space<vmem>>, vector<16xf32>,
      %swap3A_849 = arith.constant 3376 : index
      %swap3A_850 = tpu.vector_load %arg7[%swap3A_849] {strides = array<i32>} : memref<4096xf32, #tpu.memory_space<vmem>>, vector<16xf32>,
      %swap3A_851 = vector.shape_cast %swap3A_850 : vector<16xf32> to vector<16xf32>
      %swap3A_852 = vector.shape_cast %broadcast_in_dim3A_3 : vector<16xf32> to vector<16xf32>
      tpu.vector_store %arg7[%swap3A_849], %swap3A_852 {strides = array<i32>} : memref<4096xf32, #tpu.memory_space<vmem>>, vector<16xf32>,
      %swap3A_853 = arith.constant 3392 : index
      %swap3A_854 = tpu.vector_load %arg7[%swap3A_853] {strides = array<i32>} : memref<4096xf32, #tpu.memory_space<vmem>>, vector<16xf32>,
      %swap3A_855 = vector.shape_cast %swap3A_854 : vector<16xf32> to vector<16xf32>
      %swap3A_856 = vector.shape_cast %broadcast_in_dim3A_3 : vector<16xf32> to vector<16xf32>
      tpu.vector_store %arg7[%swap3A_853], %swap3A_856 {strides = array<i32>} : memref<4096xf32, #tpu.memory_space<vmem>>, vector<16xf32>,
      %swap3A_857 = arith.constant 3408 : index
      %swap3A_858 = tpu.vector_load %arg7[%swap3A_857] {strides = array<i32>} : memref<4096xf32, #tpu.memory_space<vmem>>, vector<16xf32>,
      %swap3A_859 = vector.shape_cast %swap3A_858 : vector<16xf32> to vector<16xf32>
      %swap3A_860 = vector.shape_cast %broadcast_in_dim3A_3 : vector<16xf32> to vector<16xf32>
      tpu.vector_store %arg7[%swap3A_857], %swap3A_860 {strides = array<i32>} : memref<4096xf32, #tpu.memory_space<vmem>>, vector<16xf32>,
      %swap3A_861 = arith.constant 3424 : index
      %swap3A_862 = tpu.vector_load %arg7[%swap3A_861] {strides = array<i32>} : memref<4096xf32, #tpu.memory_space<vmem>>, vector<16xf32>,
      %swap3A_863 = vector.shape_cast %swap3A_862 : vector<16xf32> to vector<16xf32>
      %swap3A_864 = vector.shape_cast %broadcast_in_dim3A_3 : vector<16xf32> to vector<16xf32>
      tpu.vector_store %arg7[%swap3A_861], %swap3A_864 {strides = array<i32>} : memref<4096xf32, #tpu.memory_space<vmem>>, vector<16xf32>,
      %swap3A_865 = arith.constant 3440 : index
      %swap3A_866 = tpu.vector_load %arg7[%swap3A_865] {strides = array<i32>} : memref<4096xf32, #tpu.memory_space<vmem>>, vector<16xf32>,
      %swap3A_867 = vector.shape_cast %swap3A_866 : vector<16xf32> to vector<16xf32>
      %swap3A_868 = vector.shape_cast %broadcast_in_dim3A_3 : vector<16xf32> to vector<16xf32>
      tpu.vector_store %arg7[%swap3A_865], %swap3A_868 {strides = array<i32>} : memref<4096xf32, #tpu.memory_space<vmem>>, vector<16xf32>,
      %swap3A_869 = arith.constant 3456 : index
      %swap3A_870 = tpu.vector_load %arg7[%swap3A_869] {strides = array<i32>} : memref<4096xf32, #tpu.memory_space<vmem>>, vector<16xf32>,
      %swap3A_871 = vector.shape_cast %swap3A_870 : vector<16xf32> to vector<16xf32>
      %swap3A_872 = vector.shape_cast %broadcast_in_dim3A_3 : vector<16xf32> to vector<16xf32>
      tpu.vector_store %arg7[%swap3A_869], %swap3A_872 {strides = array<i32>} : memref<4096xf32, #tpu.memory_space<vmem>>, vector<16xf32>,
      %swap3A_873 = arith.constant 3472 : index
      %swap3A_874 = tpu.vector_load %arg7[%swap3A_873] {strides = array<i32>} : memref<4096xf32, #tpu.memory_space<vmem>>, vector<16xf32>,
      %swap3A_875 = vector.shape_cast %swap3A_874 : vector<16xf32> to vector<16xf32>
      %swap3A_876 = vector.shape_cast %broadcast_in_dim3A_3 : vector<16xf32> to vector<16xf32>
      tpu.vector_store %arg7[%swap3A_873], %swap3A_876 {strides = array<i32>} : memref<4096xf32, #tpu.memory_space<vmem>>, vector<16xf32>,
      %swap3A_877 = arith.constant 3488 : index
      %swap3A_878 = tpu.vector_load %arg7[%swap3A_877] {strides = array<i32>} : memref<4096xf32, #tpu.memory_space<vmem>>, vector<16xf32>,
      %swap3A_879 = vector.shape_cast %swap3A_878 : vector<16xf32> to vector<16xf32>
      %swap3A_880 = vector.shape_cast %broadcast_in_dim3A_3 : vector<16xf32> to vector<16xf32>
      tpu.vector_store %arg7[%swap3A_877], %swap3A_880 {strides = array<i32>} : memref<4096xf32, #tpu.memory_space<vmem>>, vector<16xf32>,
      %swap3A_881 = arith.constant 3504 : index
      %swap3A_882 = tpu.vector_load %arg7[%swap3A_881] {strides = array<i32>} : memref<4096xf32, #tpu.memory_space<vmem>>, vector<16xf32>,
      %swap3A_883 = vector.shape_cast %swap3A_882 : vector<16xf32> to vector<16xf32>
      %swap3A_884 = vector.shape_cast %broadcast_in_dim3A_3 : vector<16xf32> to vector<16xf32>
      tpu.vector_store %arg7[%swap3A_881], %swap3A_884 {strides = array<i32>} : memref<4096xf32, #tpu.memory_space<vmem>>, vector<16xf32>,
      %swap3A_885 = arith.constant 3520 : index
      %swap3A_886 = tpu.vector_load %arg7[%swap3A_885] {strides = array<i32>} : memref<4096xf32, #tpu.memory_space<vmem>>, vector<16xf32>,
      %swap3A_887 = vector.shape_cast %swap3A_886 : vector<16xf32> to vector<16xf32>
      %swap3A_888 = vector.shape_cast %broadcast_in_dim3A_3 : vector<16xf32> to vector<16xf32>
      tpu.vector_store %arg7[%swap3A_885], %swap3A_888 {strides = array<i32>} : memref<4096xf32, #tpu.memory_space<vmem>>, vector<16xf32>,
      %swap3A_889 = arith.constant 3536 : index
      %swap3A_890 = tpu.vector_load %arg7[%swap3A_889] {strides = array<i32>} : memref<4096xf32, #tpu.memory_space<vmem>>, vector<16xf32>,
      %swap3A_891 = vector.shape_cast %swap3A_890 : vector<16xf32> to vector<16xf32>
      %swap3A_892 = vector.shape_cast %broadcast_in_dim3A_3 : vector<16xf32> to vector<16xf32>
      tpu.vector_store %arg7[%swap3A_889], %swap3A_892 {strides = array<i32>} : memref<4096xf32, #tpu.memory_space<vmem>>, vector<16xf32>,
      %swap3A_893 = arith.constant 3552 : index
      %swap3A_894 = tpu.vector_load %arg7[%swap3A_893] {strides = array<i32>} : memref<4096xf32, #tpu.memory_space<vmem>>, vector<16xf32>,
      %swap3A_895 = vector.shape_cast %swap3A_894 : vector<16xf32> to vector<16xf32>
      %swap3A_896 = vector.shape_cast %broadcast_in_dim3A_3 : vector<16xf32> to vector<16xf32>
      tpu.vector_store %arg7[%swap3A_893], %swap3A_896 {strides = array<i32>} : memref<4096xf32, #tpu.memory_space<vmem>>, vector<16xf32>,
      %swap3A_897 = arith.constant 3568 : index
      %swap3A_898 = tpu.vector_load %arg7[%swap3A_897] {strides = array<i32>} : memref<4096xf32, #tpu.memory_space<vmem>>, vector<16xf32>,
      %swap3A_899 = vector.shape_cast %swap3A_898 : vector<16xf32> to vector<16xf32>
      %swap3A_900 = vector.shape_cast %broadcast_in_dim3A_3 : vector<16xf32> to vector<16xf32>
      tpu.vector_store %arg7[%swap3A_897], %swap3A_900 {strides = array<i32>} : memref<4096xf32, #tpu.memory_space<vmem>>, vector<16xf32>,
      %swap3A_901 = arith.constant 3584 : index
      %swap3A_902 = tpu.vector_load %arg7[%swap3A_901] {strides = array<i32>} : memref<4096xf32, #tpu.memory_space<vmem>>, vector<16xf32>,
      %swap3A_903 = vector.shape_cast %swap3A_902 : vector<16xf32> to vector<16xf32>
      %swap3A_904 = vector.shape_cast %broadcast_in_dim3A_3 : vector<16xf32> to vector<16xf32>
      tpu.vector_store %arg7[%swap3A_901], %swap3A_904 {strides = array<i32>} : memref<4096xf32, #tpu.memory_space<vmem>>, vector<16xf32>,
      %swap3A_905 = arith.constant 3600 : index
      %swap3A_906 = tpu.vector_load %arg7[%swap3A_905] {strides = array<i32>} : memref<4096xf32, #tpu.memory_space<vmem>>, vector<16xf32>,
      %swap3A_907 = vector.shape_cast %swap3A_906 : vector<16xf32> to vector<16xf32>
      %swap3A_908 = vector.shape_cast %broadcast_in_dim3A_3 : vector<16xf32> to vector<16xf32>
      tpu.vector_store %arg7[%swap3A_905], %swap3A_908 {strides = array<i32>} : memref<4096xf32, #tpu.memory_space<vmem>>, vector<16xf32>,
      %swap3A_909 = arith.constant 3616 : index
      %swap3A_910 = tpu.vector_load %arg7[%swap3A_909] {strides = array<i32>} : memref<4096xf32, #tpu.memory_space<vmem>>, vector<16xf32>,
      %swap3A_911 = vector.shape_cast %swap3A_910 : vector<16xf32> to vector<16xf32>
      %swap3A_912 = vector.shape_cast %broadcast_in_dim3A_3 : vector<16xf32> to vector<16xf32>
      tpu.vector_store %arg7[%swap3A_909], %swap3A_912 {strides = array<i32>} : memref<4096xf32, #tpu.memory_space<vmem>>, vector<16xf32>,
      %swap3A_913 = arith.constant 3632 : index
      %swap3A_914 = tpu.vector_load %arg7[%swap3A_913] {strides = array<i32>} : memref<4096xf32, #tpu.memory_space<vmem>>, vector<16xf32>,
      %swap3A_915 = vector.shape_cast %swap3A_914 : vector<16xf32> to vector<16xf32>
      %swap3A_916 = vector.shape_cast %broadcast_in_dim3A_3 : vector<16xf32> to vector<16xf32>
      tpu.vector_store %arg7[%swap3A_913], %swap3A_916 {strides = array<i32>} : memref<4096xf32, #tpu.memory_space<vmem>>, vector<16xf32>,
      %swap3A_917 = arith.constant 3648 : index
      %swap3A_918 = tpu.vector_load %arg7[%swap3A_917] {strides = array<i32>} : memref<4096xf32, #tpu.memory_space<vmem>>, vector<16xf32>,
      %swap3A_919 = vector.shape_cast %swap3A_918 : vector<16xf32> to vector<16xf32>
      %swap3A_920 = vector.shape_cast %broadcast_in_dim3A_3 : vector<16xf32> to vector<16xf32>
      tpu.vector_store %arg7[%swap3A_917], %swap3A_920 {strides = array<i32>} : memref<4096xf32, #tpu.memory_space<vmem>>, vector<16xf32>,
      %swap3A_921 = arith.constant 3664 : index
      %swap3A_922 = tpu.vector_load %arg7[%swap3A_921] {strides = array<i32>} : memref<4096xf32, #tpu.memory_space<vmem>>, vector<16xf32>,
      %swap3A_923 = vector.shape_cast %swap3A_922 : vector<16xf32> to vector<16xf32>
      %swap3A_924 = vector.shape_cast %broadcast_in_dim3A_3 : vector<16xf32> to vector<16xf32>
      tpu.vector_store %arg7[%swap3A_921], %swap3A_924 {strides = array<i32>} : memref<4096xf32, #tpu.memory_space<vmem>>, vector<16xf32>,
      %swap3A_925 = arith.constant 3680 : index
      %swap3A_926 = tpu.vector_load %arg7[%swap3A_925] {strides = array<i32>} : memref<4096xf32, #tpu.memory_space<vmem>>, vector<16xf32>,
      %swap3A_927 = vector.shape_cast %swap3A_926 : vector<16xf32> to vector<16xf32>
      %swap3A_928 = vector.shape_cast %broadcast_in_dim3A_3 : vector<16xf32> to vector<16xf32>
      tpu.vector_store %arg7[%swap3A_925], %swap3A_928 {strides = array<i32>} : memref<4096xf32, #tpu.memory_space<vmem>>, vector<16xf32>,
      %swap3A_929 = arith.constant 3696 : index
      %swap3A_930 = tpu.vector_load %arg7[%swap3A_929] {strides = array<i32>} : memref<4096xf32, #tpu.memory_space<vmem>>, vector<16xf32>,
      %swap3A_931 = vector.shape_cast %swap3A_930 : vector<16xf32> to vector<16xf32>
      %swap3A_932 = vector.shape_cast %broadcast_in_dim3A_3 : vector<16xf32> to vector<16xf32>
      tpu.vector_store %arg7[%swap3A_929], %swap3A_932 {strides = array<i32>} : memref<4096xf32, #tpu.memory_space<vmem>>, vector<16xf32>,
      %swap3A_933 = arith.constant 3712 : index
      %swap3A_934 = tpu.vector_load %arg7[%swap3A_933] {strides = array<i32>} : memref<4096xf32, #tpu.memory_space<vmem>>, vector<16xf32>,
      %swap3A_935 = vector.shape_cast %swap3A_934 : vector<16xf32> to vector<16xf32>
      %swap3A_936 = vector.shape_cast %broadcast_in_dim3A_3 : vector<16xf32> to vector<16xf32>
      tpu.vector_store %arg7[%swap3A_933], %swap3A_936 {strides = array<i32>} : memref<4096xf32, #tpu.memory_space<vmem>>, vector<16xf32>,
      %swap3A_937 = arith.constant 3728 : index
      %swap3A_938 = tpu.vector_load %arg7[%swap3A_937] {strides = array<i32>} : memref<4096xf32, #tpu.memory_space<vmem>>, vector<16xf32>,
      %swap3A_939 = vector.shape_cast %swap3A_938 : vector<16xf32> to vector<16xf32>
      %swap3A_940 = vector.shape_cast %broadcast_in_dim3A_3 : vector<16xf32> to vector<16xf32>
      tpu.vector_store %arg7[%swap3A_937], %swap3A_940 {strides = array<i32>} : memref<4096xf32, #tpu.memory_space<vmem>>, vector<16xf32>,
      %swap3A_941 = arith.constant 3744 : index
      %swap3A_942 = tpu.vector_load %arg7[%swap3A_941] {strides = array<i32>} : memref<4096xf32, #tpu.memory_space<vmem>>, vector<16xf32>,
      %swap3A_943 = vector.shape_cast %swap3A_942 : vector<16xf32> to vector<16xf32>
      %swap3A_944 = vector.shape_cast %broadcast_in_dim3A_3 : vector<16xf32> to vector<16xf32>
      tpu.vector_store %arg7[%swap3A_941], %swap3A_944 {strides = array<i32>} : memref<4096xf32, #tpu.memory_space<vmem>>, vector<16xf32>,
      %swap3A_945 = arith.constant 3760 : index
      %swap3A_946 = tpu.vector_load %arg7[%swap3A_945] {strides = array<i32>} : memref<4096xf32, #tpu.memory_space<vmem>>, vector<16xf32>,
      %swap3A_947 = vector.shape_cast %swap3A_946 : vector<16xf32> to vector<16xf32>
      %swap3A_948 = vector.shape_cast %broadcast_in_dim3A_3 : vector<16xf32> to vector<16xf32>
      tpu.vector_store %arg7[%swap3A_945], %swap3A_948 {strides = array<i32>} : memref<4096xf32, #tpu.memory_space<vmem>>, vector<16xf32>,
      %swap3A_949 = arith.constant 3776 : index
      %swap3A_950 = tpu.vector_load %arg7[%swap3A_949] {strides = array<i32>} : memref<4096xf32, #tpu.memory_space<vmem>>, vector<16xf32>,
      %swap3A_951 = vector.shape_cast %swap3A_950 : vector<16xf32> to vector<16xf32>
      %swap3A_952 = vector.shape_cast %broadcast_in_dim3A_3 : vector<16xf32> to vector<16xf32>
      tpu.vector_store %arg7[%swap3A_949], %swap3A_952 {strides = array<i32>} : memref<4096xf32, #tpu.memory_space<vmem>>, vector<16xf32>,
      %swap3A_953 = arith.constant 3792 : index
      %swap3A_954 = tpu.vector_load %arg7[%swap3A_953] {strides = array<i32>} : memref<4096xf32, #tpu.memory_space<vmem>>, vector<16xf32>,
      %swap3A_955 = vector.shape_cast %swap3A_954 : vector<16xf32> to vector<16xf32>
      %swap3A_956 = vector.shape_cast %broadcast_in_dim3A_3 : vector<16xf32> to vector<16xf32>
      tpu.vector_store %arg7[%swap3A_953], %swap3A_956 {strides = array<i32>} : memref<4096xf32, #tpu.memory_space<vmem>>, vector<16xf32>,
      %swap3A_957 = arith.constant 3808 : index
      %swap3A_958 = tpu.vector_load %arg7[%swap3A_957] {strides = array<i32>} : memref<4096xf32, #tpu.memory_space<vmem>>, vector<16xf32>,
      %swap3A_959 = vector.shape_cast %swap3A_958 : vector<16xf32> to vector<16xf32>
      %swap3A_960 = vector.shape_cast %broadcast_in_dim3A_3 : vector<16xf32> to vector<16xf32>
      tpu.vector_store %arg7[%swap3A_957], %swap3A_960 {strides = array<i32>} : memref<4096xf32, #tpu.memory_space<vmem>>, vector<16xf32>,
      %swap3A_961 = arith.constant 3824 : index
      %swap3A_962 = tpu.vector_load %arg7[%swap3A_961] {strides = array<i32>} : memref<4096xf32, #tpu.memory_space<vmem>>, vector<16xf32>,
      %swap3A_963 = vector.shape_cast %swap3A_962 : vector<16xf32> to vector<16xf32>
      %swap3A_964 = vector.shape_cast %broadcast_in_dim3A_3 : vector<16xf32> to vector<16xf32>
      tpu.vector_store %arg7[%swap3A_961], %swap3A_964 {strides = array<i32>} : memref<4096xf32, #tpu.memory_space<vmem>>, vector<16xf32>,
      %swap3A_965 = arith.constant 3840 : index
      %swap3A_966 = tpu.vector_load %arg7[%swap3A_965] {strides = array<i32>} : memref<4096xf32, #tpu.memory_space<vmem>>, vector<16xf32>,
      %swap3A_967 = vector.shape_cast %swap3A_966 : vector<16xf32> to vector<16xf32>
      %swap3A_968 = vector.shape_cast %broadcast_in_dim3A_3 : vector<16xf32> to vector<16xf32>
      tpu.vector_store %arg7[%swap3A_965], %swap3A_968 {strides = array<i32>} : memref<4096xf32, #tpu.memory_space<vmem>>, vector<16xf32>,
      %swap3A_969 = arith.constant 3856 : index
      %swap3A_970 = tpu.vector_load %arg7[%swap3A_969] {strides = array<i32>} : memref<4096xf32, #tpu.memory_space<vmem>>, vector<16xf32>,
      %swap3A_971 = vector.shape_cast %swap3A_970 : vector<16xf32> to vector<16xf32>
      %swap3A_972 = vector.shape_cast %broadcast_in_dim3A_3 : vector<16xf32> to vector<16xf32>
      tpu.vector_store %arg7[%swap3A_969], %swap3A_972 {strides = array<i32>} : memref<4096xf32, #tpu.memory_space<vmem>>, vector<16xf32>,
      %swap3A_973 = arith.constant 3872 : index
      %swap3A_974 = tpu.vector_load %arg7[%swap3A_973] {strides = array<i32>} : memref<4096xf32, #tpu.memory_space<vmem>>, vector<16xf32>,
      %swap3A_975 = vector.shape_cast %swap3A_974 : vector<16xf32> to vector<16xf32>
      %swap3A_976 = vector.shape_cast %broadcast_in_dim3A_3 : vector<16xf32> to vector<16xf32>
      tpu.vector_store %arg7[%swap3A_973], %swap3A_976 {strides = array<i32>} : memref<4096xf32, #tpu.memory_space<vmem>>, vector<16xf32>,
      %swap3A_977 = arith.constant 3888 : index
      %swap3A_978 = tpu.vector_load %arg7[%swap3A_977] {strides = array<i32>} : memref<4096xf32, #tpu.memory_space<vmem>>, vector<16xf32>,
      %swap3A_979 = vector.shape_cast %swap3A_978 : vector<16xf32> to vector<16xf32>
      %swap3A_980 = vector.shape_cast %broadcast_in_dim3A_3 : vector<16xf32> to vector<16xf32>
      tpu.vector_store %arg7[%swap3A_977], %swap3A_980 {strides = array<i32>} : memref<4096xf32, #tpu.memory_space<vmem>>, vector<16xf32>,
      %swap3A_981 = arith.constant 3904 : index
      %swap3A_982 = tpu.vector_load %arg7[%swap3A_981] {strides = array<i32>} : memref<4096xf32, #tpu.memory_space<vmem>>, vector<16xf32>,
      %swap3A_983 = vector.shape_cast %swap3A_982 : vector<16xf32> to vector<16xf32>
      %swap3A_984 = vector.shape_cast %broadcast_in_dim3A_3 : vector<16xf32> to vector<16xf32>
      tpu.vector_store %arg7[%swap3A_981], %swap3A_984 {strides = array<i32>} : memref<4096xf32, #tpu.memory_space<vmem>>, vector<16xf32>,
      %swap3A_985 = arith.constant 3920 : index
      %swap3A_986 = tpu.vector_load %arg7[%swap3A_985] {strides = array<i32>} : memref<4096xf32, #tpu.memory_space<vmem>>, vector<16xf32>,
      %swap3A_987 = vector.shape_cast %swap3A_986 : vector<16xf32> to vector<16xf32>
      %swap3A_988 = vector.shape_cast %broadcast_in_dim3A_3 : vector<16xf32> to vector<16xf32>
      tpu.vector_store %arg7[%swap3A_985], %swap3A_988 {strides = array<i32>} : memref<4096xf32, #tpu.memory_space<vmem>>, vector<16xf32>,
      %swap3A_989 = arith.constant 3936 : index
      %swap3A_990 = tpu.vector_load %arg7[%swap3A_989] {strides = array<i32>} : memref<4096xf32, #tpu.memory_space<vmem>>, vector<16xf32>,
      %swap3A_991 = vector.shape_cast %swap3A_990 : vector<16xf32> to vector<16xf32>
      %swap3A_992 = vector.shape_cast %broadcast_in_dim3A_3 : vector<16xf32> to vector<16xf32>
      tpu.vector_store %arg7[%swap3A_989], %swap3A_992 {strides = array<i32>} : memref<4096xf32, #tpu.memory_space<vmem>>, vector<16xf32>,
      %swap3A_993 = arith.constant 3952 : index
      %swap3A_994 = tpu.vector_load %arg7[%swap3A_993] {strides = array<i32>} : memref<4096xf32, #tpu.memory_space<vmem>>, vector<16xf32>,
      %swap3A_995 = vector.shape_cast %swap3A_994 : vector<16xf32> to vector<16xf32>
      %swap3A_996 = vector.shape_cast %broadcast_in_dim3A_3 : vector<16xf32> to vector<16xf32>
      tpu.vector_store %arg7[%swap3A_993], %swap3A_996 {strides = array<i32>} : memref<4096xf32, #tpu.memory_space<vmem>>, vector<16xf32>,
      %swap3A_997 = arith.constant 3968 : index
      %swap3A_998 = tpu.vector_load %arg7[%swap3A_997] {strides = array<i32>} : memref<4096xf32, #tpu.memory_space<vmem>>, vector<16xf32>,
      %swap3A_999 = vector.shape_cast %swap3A_998 : vector<16xf32> to vector<16xf32>
      %swap3A_1000 = vector.shape_cast %broadcast_in_dim3A_3 : vector<16xf32> to vector<16xf32>
      tpu.vector_store %arg7[%swap3A_997], %swap3A_1000 {strides = array<i32>} : memref<4096xf32, #tpu.memory_space<vmem>>, vector<16xf32>,
      %swap3A_1001 = arith.constant 3984 : index
      %swap3A_1002 = tpu.vector_load %arg7[%swap3A_1001] {strides = array<i32>} : memref<4096xf32, #tpu.memory_space<vmem>>, vector<16xf32>,
      %swap3A_1003 = vector.shape_cast %swap3A_1002 : vector<16xf32> to vector<16xf32>
      %swap3A_1004 = vector.shape_cast %broadcast_in_dim3A_3 : vector<16xf32> to vector<16xf32>
      tpu.vector_store %arg7[%swap3A_1001], %swap3A_1004 {strides = array<i32>} : memref<4096xf32, #tpu.memory_space<vmem>>, vector<16xf32>,
      %swap3A_1005 = arith.constant 4000 : index
      %swap3A_1006 = tpu.vector_load %arg7[%swap3A_1005] {strides = array<i32>} : memref<4096xf32, #tpu.memory_space<vmem>>, vector<16xf32>,
      %swap3A_1007 = vector.shape_cast %swap3A_1006 : vector<16xf32> to vector<16xf32>
      %swap3A_1008 = vector.shape_cast %broadcast_in_dim3A_3 : vector<16xf32> to vector<16xf32>
      tpu.vector_store %arg7[%swap3A_1005], %swap3A_1008 {strides = array<i32>} : memref<4096xf32, #tpu.memory_space<vmem>>, vector<16xf32>,
      %swap3A_1009 = arith.constant 4016 : index
      %swap3A_1010 = tpu.vector_load %arg7[%swap3A_1009] {strides = array<i32>} : memref<4096xf32, #tpu.memory_space<vmem>>, vector<16xf32>,
      %swap3A_1011 = vector.shape_cast %swap3A_1010 : vector<16xf32> to vector<16xf32>
      %swap3A_1012 = vector.shape_cast %broadcast_in_dim3A_3 : vector<16xf32> to vector<16xf32>
      tpu.vector_store %arg7[%swap3A_1009], %swap3A_1012 {strides = array<i32>} : memref<4096xf32, #tpu.memory_space<vmem>>, vector<16xf32>,
      %swap3A_1013 = arith.constant 4032 : index
      %swap3A_1014 = tpu.vector_load %arg7[%swap3A_1013] {strides = array<i32>} : memref<4096xf32, #tpu.memory_space<vmem>>, vector<16xf32>,
      %swap3A_1015 = vector.shape_cast %swap3A_1014 : vector<16xf32> to vector<16xf32>
      %swap3A_1016 = vector.shape_cast %broadcast_in_dim3A_3 : vector<16xf32> to vector<16xf32>
      tpu.vector_store %arg7[%swap3A_1013], %swap3A_1016 {strides = array<i32>} : memref<4096xf32, #tpu.memory_space<vmem>>, vector<16xf32>,
      %swap3A_1017 = arith.constant 4048 : index
      %swap3A_1018 = tpu.vector_load %arg7[%swap3A_1017] {strides = array<i32>} : memref<4096xf32, #tpu.memory_space<vmem>>, vector<16xf32>,
      %swap3A_1019 = vector.shape_cast %swap3A_1018 : vector<16xf32> to vector<16xf32>
      %swap3A_1020 = vector.shape_cast %broadcast_in_dim3A_3 : vector<16xf32> to vector<16xf32>
      tpu.vector_store %arg7[%swap3A_1017], %swap3A_1020 {strides = array<i32>} : memref<4096xf32, #tpu.memory_space<vmem>>, vector<16xf32>,
      %swap3A_1021 = arith.constant 4064 : index
      %swap3A_1022 = tpu.vector_load %arg7[%swap3A_1021] {strides = array<i32>} : memref<4096xf32, #tpu.memory_space<vmem>>, vector<16xf32>,
      %swap3A_1023 = vector.shape_cast %swap3A_1022 : vector<16xf32> to vector<16xf32>
      %swap3A_1024 = vector.shape_cast %broadcast_in_dim3A_3 : vector<16xf32> to vector<16xf32>
      tpu.vector_store %arg7[%swap3A_1021], %swap3A_1024 {strides = array<i32>} : memref<4096xf32, #tpu.memory_space<vmem>>, vector<16xf32>,
      %swap3A_1025 = arith.constant 4080 : index
      %swap3A_1026 = tpu.vector_load %arg7[%swap3A_1025] {strides = array<i32>} : memref<4096xf32, #tpu.memory_space<vmem>>, vector<16xf32>,
      %swap3A_1027 = vector.shape_cast %swap3A_1026 : vector<16xf32> to vector<16xf32>
      %swap3A_1028 = vector.shape_cast %broadcast_in_dim3A_3 : vector<16xf32> to vector<16xf32>
      tpu.vector_store %arg7[%swap3A_1025], %swap3A_1028 {strides = array<i32>} : memref<4096xf32, #tpu.memory_space<vmem>>, vector<16xf32>,
      "tpu.region"() ({
        %run_scoped3A = tpu.sem_alloc : memref<!tpu.dma_semaphore, #tpu.memory_space<semaphore_mem>>
        tpu.enqueue_dma source(%arg7 : memref<4096xf32, #tpu.memory_space<vmem>>) target(%arg8 : memref<4096xf32, #tpu.memory_space<vmem_shared>>) target_semaphore(%run_scoped3A : memref<!tpu.dma_semaphore, #tpu.memory_space<semaphore_mem>>)
        tpu.wait_dma2 semaphore(%run_scoped3A : memref<!tpu.dma_semaphore, #tpu.memory_space<semaphore_mem>>) src(%arg7 : memref<4096xf32, #tpu.memory_space<vmem>>) dst(%arg8 : memref<4096xf32, #tpu.memory_space<vmem_shared>>)
        tpu.yield
      }) : () -> ()
      %get3A = arith.constant 0 : i32
      %get3A_1029 = arith.index_cast %get3A : i32 to index
      %get3A_1030 = arith.constant 0 : index
      %get3A_1031 = tpu.vector_load %arg4[%get3A_1029, %get3A_1030] {strides = array<i32>} : memref<2x512xi32, #tpu.memory_space<vmem>>, vector<1x16xi32>,
      %get3A_1032 = vector.shape_cast %get3A_1031 : vector<1x16xi32> to vector<16xi32>
      %get3A_1033 = arith.constant 1 : i32
      %get3A_1034 = arith.index_cast %get3A_1033 : i32 to index
      %get3A_1035 = arith.constant 0 : index
      %get3A_1036 = tpu.vector_load %arg4[%get3A_1034, %get3A_1035] {strides = array<i32>} : memref<2x512xi32, #tpu.memory_space<vmem>>, vector<1x16xi32>,
      %get3A_1037 = vector.shape_cast %get3A_1036 : vector<1x16xi32> to vector<16xi32>
      %mul3A_1038 = arith.constant 64 : i32
      %mul3A_1039 = vector.broadcast %mul3A_1038 : i32 to vector<16xi32>
      %mul3A_1040 = arith.muli %get3A_1037, %mul3A_1039 : vector<16xi32>
      %add3A_1041 = arith.addi %mul3A_1040, %get3A_1032 : vector<16xi32>
      %swap3A_1042 = arith.constant 0 : index
      %swap3A_1043 = tpu.vector_load %arg5[%swap3A_1042] {strides = array<i32>} : memref<512xi32, #tpu.memory_space<vmem>>, vector<16xi32>,
      %swap3A_1044 = vector.shape_cast %swap3A_1043 : vector<16xi32> to vector<16xi32>
      %swap3A_1045 = vector.shape_cast %add3A_1041 : vector<16xi32> to vector<16xi32>
      tpu.vector_store %arg5[%swap3A_1042], %swap3A_1045 {strides = array<i32>} : memref<512xi32, #tpu.memory_space<vmem>>, vector<16xi32>,
      %swap3A_1046 = arith.constant 0 : index
      %swap3A_1047 = tpu.vector_load %arg6[%swap3A_1046] {strides = array<i32>} : memref<512xf32, #tpu.memory_space<vmem>>, vector<16xf32>,
      %swap3A_1048 = vector.shape_cast %swap3A_1047 : vector<16xf32> to vector<16xf32>
      %swap3A_1049 = vector.shape_cast %broadcast_in_dim3A_5 : vector<16xf32> to vector<16xf32>
      tpu.vector_store %arg6[%swap3A_1046], %swap3A_1049 {strides = array<i32>} : memref<512xf32, #tpu.memory_space<vmem>>, vector<16xf32>,
      %get3A_1050 = arith.constant 0 : i32
      %get3A_1051 = arith.index_cast %get3A_1050 : i32 to index
      %get3A_1052 = arith.constant 16 : index
      %get3A_1053 = tpu.vector_load %arg4[%get3A_1051, %get3A_1052] {strides = array<i32>} : memref<2x512xi32, #tpu.memory_space<vmem>>, vector<1x16xi32>,
      %get3A_1054 = vector.shape_cast %get3A_1053 : vector<1x16xi32> to vector<16xi32>
      %get3A_1055 = arith.constant 1 : i32
      %get3A_1056 = arith.index_cast %get3A_1055 : i32 to index
      %get3A_1057 = arith.constant 16 : index
      %get3A_1058 = tpu.vector_load %arg4[%get3A_1056, %get3A_1057] {strides = array<i32>} : memref<2x512xi32, #tpu.memory_space<vmem>>, vector<1x16xi32>,
      %get3A_1059 = vector.shape_cast %get3A_1058 : vector<1x16xi32> to vector<16xi32>
      %mul3A_1060 = arith.constant 64 : i32
      %mul3A_1061 = vector.broadcast %mul3A_1060 : i32 to vector<16xi32>
      %mul3A_1062 = arith.muli %get3A_1059, %mul3A_1061 : vector<16xi32>
      %add3A_1063 = arith.addi %mul3A_1062, %get3A_1054 : vector<16xi32>
      %swap3A_1064 = arith.constant 16 : index
      %swap3A_1065 = tpu.vector_load %arg5[%swap3A_1064] {strides = array<i32>} : memref<512xi32, #tpu.memory_space<vmem>>, vector<16xi32>,
      %swap3A_1066 = vector.shape_cast %swap3A_1065 : vector<16xi32> to vector<16xi32>
      %swap3A_1067 = vector.shape_cast %add3A_1063 : vector<16xi32> to vector<16xi32>
      tpu.vector_store %arg5[%swap3A_1064], %swap3A_1067 {strides = array<i32>} : memref<512xi32, #tpu.memory_space<vmem>>, vector<16xi32>,
      %swap3A_1068 = arith.constant 16 : index
      %swap3A_1069 = tpu.vector_load %arg6[%swap3A_1068] {strides = array<i32>} : memref<512xf32, #tpu.memory_space<vmem>>, vector<16xf32>,
      %swap3A_1070 = vector.shape_cast %swap3A_1069 : vector<16xf32> to vector<16xf32>
      %swap3A_1071 = vector.shape_cast %broadcast_in_dim3A_5 : vector<16xf32> to vector<16xf32>
      tpu.vector_store %arg6[%swap3A_1068], %swap3A_1071 {strides = array<i32>} : memref<512xf32, #tpu.memory_space<vmem>>, vector<16xf32>,
      %get3A_1072 = arith.constant 0 : i32
      %get3A_1073 = arith.index_cast %get3A_1072 : i32 to index
      %get3A_1074 = arith.constant 32 : index
      %get3A_1075 = tpu.vector_load %arg4[%get3A_1073, %get3A_1074] {strides = array<i32>} : memref<2x512xi32, #tpu.memory_space<vmem>>, vector<1x16xi32>,
      %get3A_1076 = vector.shape_cast %get3A_1075 : vector<1x16xi32> to vector<16xi32>
      %get3A_1077 = arith.constant 1 : i32
      %get3A_1078 = arith.index_cast %get3A_1077 : i32 to index
      %get3A_1079 = arith.constant 32 : index
      %get3A_1080 = tpu.vector_load %arg4[%get3A_1078, %get3A_1079] {strides = array<i32>} : memref<2x512xi32, #tpu.memory_space<vmem>>, vector<1x16xi32>,
      %get3A_1081 = vector.shape_cast %get3A_1080 : vector<1x16xi32> to vector<16xi32>
      %mul3A_1082 = arith.constant 64 : i32
      %mul3A_1083 = vector.broadcast %mul3A_1082 : i32 to vector<16xi32>
      %mul3A_1084 = arith.muli %get3A_1081, %mul3A_1083 : vector<16xi32>
      %add3A_1085 = arith.addi %mul3A_1084, %get3A_1076 : vector<16xi32>
      %swap3A_1086 = arith.constant 32 : index
      %swap3A_1087 = tpu.vector_load %arg5[%swap3A_1086] {strides = array<i32>} : memref<512xi32, #tpu.memory_space<vmem>>, vector<16xi32>,
      %swap3A_1088 = vector.shape_cast %swap3A_1087 : vector<16xi32> to vector<16xi32>
      %swap3A_1089 = vector.shape_cast %add3A_1085 : vector<16xi32> to vector<16xi32>
      tpu.vector_store %arg5[%swap3A_1086], %swap3A_1089 {strides = array<i32>} : memref<512xi32, #tpu.memory_space<vmem>>, vector<16xi32>,
      %swap3A_1090 = arith.constant 32 : index
      %swap3A_1091 = tpu.vector_load %arg6[%swap3A_1090] {strides = array<i32>} : memref<512xf32, #tpu.memory_space<vmem>>, vector<16xf32>,
      %swap3A_1092 = vector.shape_cast %swap3A_1091 : vector<16xf32> to vector<16xf32>
      %swap3A_1093 = vector.shape_cast %broadcast_in_dim3A_5 : vector<16xf32> to vector<16xf32>
      tpu.vector_store %arg6[%swap3A_1090], %swap3A_1093 {strides = array<i32>} : memref<512xf32, #tpu.memory_space<vmem>>, vector<16xf32>,
      %get3A_1094 = arith.constant 0 : i32
      %get3A_1095 = arith.index_cast %get3A_1094 : i32 to index
      %get3A_1096 = arith.constant 48 : index
      %get3A_1097 = tpu.vector_load %arg4[%get3A_1095, %get3A_1096] {strides = array<i32>} : memref<2x512xi32, #tpu.memory_space<vmem>>, vector<1x16xi32>,
      %get3A_1098 = vector.shape_cast %get3A_1097 : vector<1x16xi32> to vector<16xi32>
      %get3A_1099 = arith.constant 1 : i32
      %get3A_1100 = arith.index_cast %get3A_1099 : i32 to index
      %get3A_1101 = arith.constant 48 : index
      %get3A_1102 = tpu.vector_load %arg4[%get3A_1100, %get3A_1101] {strides = array<i32>} : memref<2x512xi32, #tpu.memory_space<vmem>>, vector<1x16xi32>,
      %get3A_1103 = vector.shape_cast %get3A_1102 : vector<1x16xi32> to vector<16xi32>
      %mul3A_1104 = arith.constant 64 : i32
      %mul3A_1105 = vector.broadcast %mul3A_1104 : i32 to vector<16xi32>
      %mul3A_1106 = arith.muli %get3A_1103, %mul3A_1105 : vector<16xi32>
      %add3A_1107 = arith.addi %mul3A_1106, %get3A_1098 : vector<16xi32>
      %swap3A_1108 = arith.constant 48 : index
      %swap3A_1109 = tpu.vector_load %arg5[%swap3A_1108] {strides = array<i32>} : memref<512xi32, #tpu.memory_space<vmem>>, vector<16xi32>,
      %swap3A_1110 = vector.shape_cast %swap3A_1109 : vector<16xi32> to vector<16xi32>
      %swap3A_1111 = vector.shape_cast %add3A_1107 : vector<16xi32> to vector<16xi32>
      tpu.vector_store %arg5[%swap3A_1108], %swap3A_1111 {strides = array<i32>} : memref<512xi32, #tpu.memory_space<vmem>>, vector<16xi32>,
      %swap3A_1112 = arith.constant 48 : index
      %swap3A_1113 = tpu.vector_load %arg6[%swap3A_1112] {strides = array<i32>} : memref<512xf32, #tpu.memory_space<vmem>>, vector<16xf32>,
      %swap3A_1114 = vector.shape_cast %swap3A_1113 : vector<16xf32> to vector<16xf32>
      %swap3A_1115 = vector.shape_cast %broadcast_in_dim3A_5 : vector<16xf32> to vector<16xf32>
      tpu.vector_store %arg6[%swap3A_1112], %swap3A_1115 {strides = array<i32>} : memref<512xf32, #tpu.memory_space<vmem>>, vector<16xf32>,
      %get3A_1116 = arith.constant 0 : i32
      %get3A_1117 = arith.index_cast %get3A_1116 : i32 to index
      %get3A_1118 = arith.constant 64 : index
      %get3A_1119 = tpu.vector_load %arg4[%get3A_1117, %get3A_1118] {strides = array<i32>} : memref<2x512xi32, #tpu.memory_space<vmem>>, vector<1x16xi32>,
      %get3A_1120 = vector.shape_cast %get3A_1119 : vector<1x16xi32> to vector<16xi32>
      %get3A_1121 = arith.constant 1 : i32
      %get3A_1122 = arith.index_cast %get3A_1121 : i32 to index
      %get3A_1123 = arith.constant 64 : index
      %get3A_1124 = tpu.vector_load %arg4[%get3A_1122, %get3A_1123] {strides = array<i32>} : memref<2x512xi32, #tpu.memory_space<vmem>>, vector<1x16xi32>,
      %get3A_1125 = vector.shape_cast %get3A_1124 : vector<1x16xi32> to vector<16xi32>
      %mul3A_1126 = arith.constant 64 : i32
      %mul3A_1127 = vector.broadcast %mul3A_1126 : i32 to vector<16xi32>
      %mul3A_1128 = arith.muli %get3A_1125, %mul3A_1127 : vector<16xi32>
      %add3A_1129 = arith.addi %mul3A_1128, %get3A_1120 : vector<16xi32>
      %swap3A_1130 = arith.constant 64 : index
      %swap3A_1131 = tpu.vector_load %arg5[%swap3A_1130] {strides = array<i32>} : memref<512xi32, #tpu.memory_space<vmem>>, vector<16xi32>,
      %swap3A_1132 = vector.shape_cast %swap3A_1131 : vector<16xi32> to vector<16xi32>
      %swap3A_1133 = vector.shape_cast %add3A_1129 : vector<16xi32> to vector<16xi32>
      tpu.vector_store %arg5[%swap3A_1130], %swap3A_1133 {strides = array<i32>} : memref<512xi32, #tpu.memory_space<vmem>>, vector<16xi32>,
      %swap3A_1134 = arith.constant 64 : index
      %swap3A_1135 = tpu.vector_load %arg6[%swap3A_1134] {strides = array<i32>} : memref<512xf32, #tpu.memory_space<vmem>>, vector<16xf32>,
      %swap3A_1136 = vector.shape_cast %swap3A_1135 : vector<16xf32> to vector<16xf32>
      %swap3A_1137 = vector.shape_cast %broadcast_in_dim3A_5 : vector<16xf32> to vector<16xf32>
      tpu.vector_store %arg6[%swap3A_1134], %swap3A_1137 {strides = array<i32>} : memref<512xf32, #tpu.memory_space<vmem>>, vector<16xf32>,
      %get3A_1138 = arith.constant 0 : i32
      %get3A_1139 = arith.index_cast %get3A_1138 : i32 to index
      %get3A_1140 = arith.constant 80 : index
      %get3A_1141 = tpu.vector_load %arg4[%get3A_1139, %get3A_1140] {strides = array<i32>} : memref<2x512xi32, #tpu.memory_space<vmem>>, vector<1x16xi32>,
      %get3A_1142 = vector.shape_cast %get3A_1141 : vector<1x16xi32> to vector<16xi32>
      %get3A_1143 = arith.constant 1 : i32
      %get3A_1144 = arith.index_cast %get3A_1143 : i32 to index
      %get3A_1145 = arith.constant 80 : index
      %get3A_1146 = tpu.vector_load %arg4[%get3A_1144, %get3A_1145] {strides = array<i32>} : memref<2x512xi32, #tpu.memory_space<vmem>>, vector<1x16xi32>,
      %get3A_1147 = vector.shape_cast %get3A_1146 : vector<1x16xi32> to vector<16xi32>
      %mul3A_1148 = arith.constant 64 : i32
      %mul3A_1149 = vector.broadcast %mul3A_1148 : i32 to vector<16xi32>
      %mul3A_1150 = arith.muli %get3A_1147, %mul3A_1149 : vector<16xi32>
      %add3A_1151 = arith.addi %mul3A_1150, %get3A_1142 : vector<16xi32>
      %swap3A_1152 = arith.constant 80 : index
      %swap3A_1153 = tpu.vector_load %arg5[%swap3A_1152] {strides = array<i32>} : memref<512xi32, #tpu.memory_space<vmem>>, vector<16xi32>,
      %swap3A_1154 = vector.shape_cast %swap3A_1153 : vector<16xi32> to vector<16xi32>
      %swap3A_1155 = vector.shape_cast %add3A_1151 : vector<16xi32> to vector<16xi32>
      tpu.vector_store %arg5[%swap3A_1152], %swap3A_1155 {strides = array<i32>} : memref<512xi32, #tpu.memory_space<vmem>>, vector<16xi32>,
      %swap3A_1156 = arith.constant 80 : index
      %swap3A_1157 = tpu.vector_load %arg6[%swap3A_1156] {strides = array<i32>} : memref<512xf32, #tpu.memory_space<vmem>>, vector<16xf32>,
      %swap3A_1158 = vector.shape_cast %swap3A_1157 : vector<16xf32> to vector<16xf32>
      %swap3A_1159 = vector.shape_cast %broadcast_in_dim3A_5 : vector<16xf32> to vector<16xf32>
      tpu.vector_store %arg6[%swap3A_1156], %swap3A_1159 {strides = array<i32>} : memref<512xf32, #tpu.memory_space<vmem>>, vector<16xf32>,
      %get3A_1160 = arith.constant 0 : i32
      %get3A_1161 = arith.index_cast %get3A_1160 : i32 to index
      %get3A_1162 = arith.constant 96 : index
      %get3A_1163 = tpu.vector_load %arg4[%get3A_1161, %get3A_1162] {strides = array<i32>} : memref<2x512xi32, #tpu.memory_space<vmem>>, vector<1x16xi32>,
      %get3A_1164 = vector.shape_cast %get3A_1163 : vector<1x16xi32> to vector<16xi32>
      %get3A_1165 = arith.constant 1 : i32
      %get3A_1166 = arith.index_cast %get3A_1165 : i32 to index
      %get3A_1167 = arith.constant 96 : index
      %get3A_1168 = tpu.vector_load %arg4[%get3A_1166, %get3A_1167] {strides = array<i32>} : memref<2x512xi32, #tpu.memory_space<vmem>>, vector<1x16xi32>,
      %get3A_1169 = vector.shape_cast %get3A_1168 : vector<1x16xi32> to vector<16xi32>
      %mul3A_1170 = arith.constant 64 : i32
      %mul3A_1171 = vector.broadcast %mul3A_1170 : i32 to vector<16xi32>
      %mul3A_1172 = arith.muli %get3A_1169, %mul3A_1171 : vector<16xi32>
      %add3A_1173 = arith.addi %mul3A_1172, %get3A_1164 : vector<16xi32>
      %swap3A_1174 = arith.constant 96 : index
      %swap3A_1175 = tpu.vector_load %arg5[%swap3A_1174] {strides = array<i32>} : memref<512xi32, #tpu.memory_space<vmem>>, vector<16xi32>,
      %swap3A_1176 = vector.shape_cast %swap3A_1175 : vector<16xi32> to vector<16xi32>
      %swap3A_1177 = vector.shape_cast %add3A_1173 : vector<16xi32> to vector<16xi32>
      tpu.vector_store %arg5[%swap3A_1174], %swap3A_1177 {strides = array<i32>} : memref<512xi32, #tpu.memory_space<vmem>>, vector<16xi32>,
      %swap3A_1178 = arith.constant 96 : index
      %swap3A_1179 = tpu.vector_load %arg6[%swap3A_1178] {strides = array<i32>} : memref<512xf32, #tpu.memory_space<vmem>>, vector<16xf32>,
      %swap3A_1180 = vector.shape_cast %swap3A_1179 : vector<16xf32> to vector<16xf32>
      %swap3A_1181 = vector.shape_cast %broadcast_in_dim3A_5 : vector<16xf32> to vector<16xf32>
      tpu.vector_store %arg6[%swap3A_1178], %swap3A_1181 {strides = array<i32>} : memref<512xf32, #tpu.memory_space<vmem>>, vector<16xf32>,
      %get3A_1182 = arith.constant 0 : i32
      %get3A_1183 = arith.index_cast %get3A_1182 : i32 to index
      %get3A_1184 = arith.constant 112 : index
      %get3A_1185 = tpu.vector_load %arg4[%get3A_1183, %get3A_1184] {strides = array<i32>} : memref<2x512xi32, #tpu.memory_space<vmem>>, vector<1x16xi32>,
      %get3A_1186 = vector.shape_cast %get3A_1185 : vector<1x16xi32> to vector<16xi32>
      %get3A_1187 = arith.constant 1 : i32
      %get3A_1188 = arith.index_cast %get3A_1187 : i32 to index
      %get3A_1189 = arith.constant 112 : index
      %get3A_1190 = tpu.vector_load %arg4[%get3A_1188, %get3A_1189] {strides = array<i32>} : memref<2x512xi32, #tpu.memory_space<vmem>>, vector<1x16xi32>,
      %get3A_1191 = vector.shape_cast %get3A_1190 : vector<1x16xi32> to vector<16xi32>
      %mul3A_1192 = arith.constant 64 : i32
      %mul3A_1193 = vector.broadcast %mul3A_1192 : i32 to vector<16xi32>
      %mul3A_1194 = arith.muli %get3A_1191, %mul3A_1193 : vector<16xi32>
      %add3A_1195 = arith.addi %mul3A_1194, %get3A_1186 : vector<16xi32>
      %swap3A_1196 = arith.constant 112 : index
      %swap3A_1197 = tpu.vector_load %arg5[%swap3A_1196] {strides = array<i32>} : memref<512xi32, #tpu.memory_space<vmem>>, vector<16xi32>,
      %swap3A_1198 = vector.shape_cast %swap3A_1197 : vector<16xi32> to vector<16xi32>
      %swap3A_1199 = vector.shape_cast %add3A_1195 : vector<16xi32> to vector<16xi32>
      tpu.vector_store %arg5[%swap3A_1196], %swap3A_1199 {strides = array<i32>} : memref<512xi32, #tpu.memory_space<vmem>>, vector<16xi32>,
      %swap3A_1200 = arith.constant 112 : index
      %swap3A_1201 = tpu.vector_load %arg6[%swap3A_1200] {strides = array<i32>} : memref<512xf32, #tpu.memory_space<vmem>>, vector<16xf32>,
      %swap3A_1202 = vector.shape_cast %swap3A_1201 : vector<16xf32> to vector<16xf32>
      %swap3A_1203 = vector.shape_cast %broadcast_in_dim3A_5 : vector<16xf32> to vector<16xf32>
      tpu.vector_store %arg6[%swap3A_1200], %swap3A_1203 {strides = array<i32>} : memref<512xf32, #tpu.memory_space<vmem>>, vector<16xf32>,
      %get3A_1204 = arith.constant 0 : i32
      %get3A_1205 = arith.index_cast %get3A_1204 : i32 to index
      %get3A_1206 = arith.constant 128 : index
      %get3A_1207 = tpu.vector_load %arg4[%get3A_1205, %get3A_1206] {strides = array<i32>} : memref<2x512xi32, #tpu.memory_space<vmem>>, vector<1x16xi32>,
      %get3A_1208 = vector.shape_cast %get3A_1207 : vector<1x16xi32> to vector<16xi32>
      %get3A_1209 = arith.constant 1 : i32
      %get3A_1210 = arith.index_cast %get3A_1209 : i32 to index
      %get3A_1211 = arith.constant 128 : index
      %get3A_1212 = tpu.vector_load %arg4[%get3A_1210, %get3A_1211] {strides = array<i32>} : memref<2x512xi32, #tpu.memory_space<vmem>>, vector<1x16xi32>,
      %get3A_1213 = vector.shape_cast %get3A_1212 : vector<1x16xi32> to vector<16xi32>
      %mul3A_1214 = arith.constant 64 : i32
      %mul3A_1215 = vector.broadcast %mul3A_1214 : i32 to vector<16xi32>
      %mul3A_1216 = arith.muli %get3A_1213, %mul3A_1215 : vector<16xi32>
      %add3A_1217 = arith.addi %mul3A_1216, %get3A_1208 : vector<16xi32>
      %swap3A_1218 = arith.constant 128 : index
      %swap3A_1219 = tpu.vector_load %arg5[%swap3A_1218] {strides = array<i32>} : memref<512xi32, #tpu.memory_space<vmem>>, vector<16xi32>,
      %swap3A_1220 = vector.shape_cast %swap3A_1219 : vector<16xi32> to vector<16xi32>
      %swap3A_1221 = vector.shape_cast %add3A_1217 : vector<16xi32> to vector<16xi32>
      tpu.vector_store %arg5[%swap3A_1218], %swap3A_1221 {strides = array<i32>} : memref<512xi32, #tpu.memory_space<vmem>>, vector<16xi32>,
      %swap3A_1222 = arith.constant 128 : index
      %swap3A_1223 = tpu.vector_load %arg6[%swap3A_1222] {strides = array<i32>} : memref<512xf32, #tpu.memory_space<vmem>>, vector<16xf32>,
      %swap3A_1224 = vector.shape_cast %swap3A_1223 : vector<16xf32> to vector<16xf32>
      %swap3A_1225 = vector.shape_cast %broadcast_in_dim3A_5 : vector<16xf32> to vector<16xf32>
      tpu.vector_store %arg6[%swap3A_1222], %swap3A_1225 {strides = array<i32>} : memref<512xf32, #tpu.memory_space<vmem>>, vector<16xf32>,
      %get3A_1226 = arith.constant 0 : i32
      %get3A_1227 = arith.index_cast %get3A_1226 : i32 to index
      %get3A_1228 = arith.constant 144 : index
      %get3A_1229 = tpu.vector_load %arg4[%get3A_1227, %get3A_1228] {strides = array<i32>} : memref<2x512xi32, #tpu.memory_space<vmem>>, vector<1x16xi32>,
      %get3A_1230 = vector.shape_cast %get3A_1229 : vector<1x16xi32> to vector<16xi32>
      %get3A_1231 = arith.constant 1 : i32
      %get3A_1232 = arith.index_cast %get3A_1231 : i32 to index
      %get3A_1233 = arith.constant 144 : index
      %get3A_1234 = tpu.vector_load %arg4[%get3A_1232, %get3A_1233] {strides = array<i32>} : memref<2x512xi32, #tpu.memory_space<vmem>>, vector<1x16xi32>,
      %get3A_1235 = vector.shape_cast %get3A_1234 : vector<1x16xi32> to vector<16xi32>
      %mul3A_1236 = arith.constant 64 : i32
      %mul3A_1237 = vector.broadcast %mul3A_1236 : i32 to vector<16xi32>
      %mul3A_1238 = arith.muli %get3A_1235, %mul3A_1237 : vector<16xi32>
      %add3A_1239 = arith.addi %mul3A_1238, %get3A_1230 : vector<16xi32>
      %swap3A_1240 = arith.constant 144 : index
      %swap3A_1241 = tpu.vector_load %arg5[%swap3A_1240] {strides = array<i32>} : memref<512xi32, #tpu.memory_space<vmem>>, vector<16xi32>,
      %swap3A_1242 = vector.shape_cast %swap3A_1241 : vector<16xi32> to vector<16xi32>
      %swap3A_1243 = vector.shape_cast %add3A_1239 : vector<16xi32> to vector<16xi32>
      tpu.vector_store %arg5[%swap3A_1240], %swap3A_1243 {strides = array<i32>} : memref<512xi32, #tpu.memory_space<vmem>>, vector<16xi32>,
      %swap3A_1244 = arith.constant 144 : index
      %swap3A_1245 = tpu.vector_load %arg6[%swap3A_1244] {strides = array<i32>} : memref<512xf32, #tpu.memory_space<vmem>>, vector<16xf32>,
      %swap3A_1246 = vector.shape_cast %swap3A_1245 : vector<16xf32> to vector<16xf32>
      %swap3A_1247 = vector.shape_cast %broadcast_in_dim3A_5 : vector<16xf32> to vector<16xf32>
      tpu.vector_store %arg6[%swap3A_1244], %swap3A_1247 {strides = array<i32>} : memref<512xf32, #tpu.memory_space<vmem>>, vector<16xf32>,
      %get3A_1248 = arith.constant 0 : i32
      %get3A_1249 = arith.index_cast %get3A_1248 : i32 to index
      %get3A_1250 = arith.constant 160 : index
      %get3A_1251 = tpu.vector_load %arg4[%get3A_1249, %get3A_1250] {strides = array<i32>} : memref<2x512xi32, #tpu.memory_space<vmem>>, vector<1x16xi32>,
      %get3A_1252 = vector.shape_cast %get3A_1251 : vector<1x16xi32> to vector<16xi32>
      %get3A_1253 = arith.constant 1 : i32
      %get3A_1254 = arith.index_cast %get3A_1253 : i32 to index
      %get3A_1255 = arith.constant 160 : index
      %get3A_1256 = tpu.vector_load %arg4[%get3A_1254, %get3A_1255] {strides = array<i32>} : memref<2x512xi32, #tpu.memory_space<vmem>>, vector<1x16xi32>,
      %get3A_1257 = vector.shape_cast %get3A_1256 : vector<1x16xi32> to vector<16xi32>
      %mul3A_1258 = arith.constant 64 : i32
      %mul3A_1259 = vector.broadcast %mul3A_1258 : i32 to vector<16xi32>
      %mul3A_1260 = arith.muli %get3A_1257, %mul3A_1259 : vector<16xi32>
      %add3A_1261 = arith.addi %mul3A_1260, %get3A_1252 : vector<16xi32>
      %swap3A_1262 = arith.constant 160 : index
      %swap3A_1263 = tpu.vector_load %arg5[%swap3A_1262] {strides = array<i32>} : memref<512xi32, #tpu.memory_space<vmem>>, vector<16xi32>,
      %swap3A_1264 = vector.shape_cast %swap3A_1263 : vector<16xi32> to vector<16xi32>
      %swap3A_1265 = vector.shape_cast %add3A_1261 : vector<16xi32> to vector<16xi32>
      tpu.vector_store %arg5[%swap3A_1262], %swap3A_1265 {strides = array<i32>} : memref<512xi32, #tpu.memory_space<vmem>>, vector<16xi32>,
      %swap3A_1266 = arith.constant 160 : index
      %swap3A_1267 = tpu.vector_load %arg6[%swap3A_1266] {strides = array<i32>} : memref<512xf32, #tpu.memory_space<vmem>>, vector<16xf32>,
      %swap3A_1268 = vector.shape_cast %swap3A_1267 : vector<16xf32> to vector<16xf32>
      %swap3A_1269 = vector.shape_cast %broadcast_in_dim3A_5 : vector<16xf32> to vector<16xf32>
      tpu.vector_store %arg6[%swap3A_1266], %swap3A_1269 {strides = array<i32>} : memref<512xf32, #tpu.memory_space<vmem>>, vector<16xf32>,
      %get3A_1270 = arith.constant 0 : i32
      %get3A_1271 = arith.index_cast %get3A_1270 : i32 to index
      %get3A_1272 = arith.constant 176 : index
      %get3A_1273 = tpu.vector_load %arg4[%get3A_1271, %get3A_1272] {strides = array<i32>} : memref<2x512xi32, #tpu.memory_space<vmem>>, vector<1x16xi32>,
      %get3A_1274 = vector.shape_cast %get3A_1273 : vector<1x16xi32> to vector<16xi32>
      %get3A_1275 = arith.constant 1 : i32
      %get3A_1276 = arith.index_cast %get3A_1275 : i32 to index
      %get3A_1277 = arith.constant 176 : index
      %get3A_1278 = tpu.vector_load %arg4[%get3A_1276, %get3A_1277] {strides = array<i32>} : memref<2x512xi32, #tpu.memory_space<vmem>>, vector<1x16xi32>,
      %get3A_1279 = vector.shape_cast %get3A_1278 : vector<1x16xi32> to vector<16xi32>
      %mul3A_1280 = arith.constant 64 : i32
      %mul3A_1281 = vector.broadcast %mul3A_1280 : i32 to vector<16xi32>
      %mul3A_1282 = arith.muli %get3A_1279, %mul3A_1281 : vector<16xi32>
      %add3A_1283 = arith.addi %mul3A_1282, %get3A_1274 : vector<16xi32>
      %swap3A_1284 = arith.constant 176 : index
      %swap3A_1285 = tpu.vector_load %arg5[%swap3A_1284] {strides = array<i32>} : memref<512xi32, #tpu.memory_space<vmem>>, vector<16xi32>,
      %swap3A_1286 = vector.shape_cast %swap3A_1285 : vector<16xi32> to vector<16xi32>
      %swap3A_1287 = vector.shape_cast %add3A_1283 : vector<16xi32> to vector<16xi32>
      tpu.vector_store %arg5[%swap3A_1284], %swap3A_1287 {strides = array<i32>} : memref<512xi32, #tpu.memory_space<vmem>>, vector<16xi32>,
      %swap3A_1288 = arith.constant 176 : index
      %swap3A_1289 = tpu.vector_load %arg6[%swap3A_1288] {strides = array<i32>} : memref<512xf32, #tpu.memory_space<vmem>>, vector<16xf32>,
      %swap3A_1290 = vector.shape_cast %swap3A_1289 : vector<16xf32> to vector<16xf32>
      %swap3A_1291 = vector.shape_cast %broadcast_in_dim3A_5 : vector<16xf32> to vector<16xf32>
      tpu.vector_store %arg6[%swap3A_1288], %swap3A_1291 {strides = array<i32>} : memref<512xf32, #tpu.memory_space<vmem>>, vector<16xf32>,
      %get3A_1292 = arith.constant 0 : i32
      %get3A_1293 = arith.index_cast %get3A_1292 : i32 to index
      %get3A_1294 = arith.constant 192 : index
      %get3A_1295 = tpu.vector_load %arg4[%get3A_1293, %get3A_1294] {strides = array<i32>} : memref<2x512xi32, #tpu.memory_space<vmem>>, vector<1x16xi32>,
      %get3A_1296 = vector.shape_cast %get3A_1295 : vector<1x16xi32> to vector<16xi32>
      %get3A_1297 = arith.constant 1 : i32
      %get3A_1298 = arith.index_cast %get3A_1297 : i32 to index
      %get3A_1299 = arith.constant 192 : index
      %get3A_1300 = tpu.vector_load %arg4[%get3A_1298, %get3A_1299] {strides = array<i32>} : memref<2x512xi32, #tpu.memory_space<vmem>>, vector<1x16xi32>,
      %get3A_1301 = vector.shape_cast %get3A_1300 : vector<1x16xi32> to vector<16xi32>
      %mul3A_1302 = arith.constant 64 : i32
      %mul3A_1303 = vector.broadcast %mul3A_1302 : i32 to vector<16xi32>
      %mul3A_1304 = arith.muli %get3A_1301, %mul3A_1303 : vector<16xi32>
      %add3A_1305 = arith.addi %mul3A_1304, %get3A_1296 : vector<16xi32>
      %swap3A_1306 = arith.constant 192 : index
      %swap3A_1307 = tpu.vector_load %arg5[%swap3A_1306] {strides = array<i32>} : memref<512xi32, #tpu.memory_space<vmem>>, vector<16xi32>,
      %swap3A_1308 = vector.shape_cast %swap3A_1307 : vector<16xi32> to vector<16xi32>
      %swap3A_1309 = vector.shape_cast %add3A_1305 : vector<16xi32> to vector<16xi32>
      tpu.vector_store %arg5[%swap3A_1306], %swap3A_1309 {strides = array<i32>} : memref<512xi32, #tpu.memory_space<vmem>>, vector<16xi32>,
      %swap3A_1310 = arith.constant 192 : index
      %swap3A_1311 = tpu.vector_load %arg6[%swap3A_1310] {strides = array<i32>} : memref<512xf32, #tpu.memory_space<vmem>>, vector<16xf32>,
      %swap3A_1312 = vector.shape_cast %swap3A_1311 : vector<16xf32> to vector<16xf32>
      %swap3A_1313 = vector.shape_cast %broadcast_in_dim3A_5 : vector<16xf32> to vector<16xf32>
      tpu.vector_store %arg6[%swap3A_1310], %swap3A_1313 {strides = array<i32>} : memref<512xf32, #tpu.memory_space<vmem>>, vector<16xf32>,
      %get3A_1314 = arith.constant 0 : i32
      %get3A_1315 = arith.index_cast %get3A_1314 : i32 to index
      %get3A_1316 = arith.constant 208 : index
      %get3A_1317 = tpu.vector_load %arg4[%get3A_1315, %get3A_1316] {strides = array<i32>} : memref<2x512xi32, #tpu.memory_space<vmem>>, vector<1x16xi32>,
      %get3A_1318 = vector.shape_cast %get3A_1317 : vector<1x16xi32> to vector<16xi32>
      %get3A_1319 = arith.constant 1 : i32
      %get3A_1320 = arith.index_cast %get3A_1319 : i32 to index
      %get3A_1321 = arith.constant 208 : index
      %get3A_1322 = tpu.vector_load %arg4[%get3A_1320, %get3A_1321] {strides = array<i32>} : memref<2x512xi32, #tpu.memory_space<vmem>>, vector<1x16xi32>,
      %get3A_1323 = vector.shape_cast %get3A_1322 : vector<1x16xi32> to vector<16xi32>
      %mul3A_1324 = arith.constant 64 : i32
      %mul3A_1325 = vector.broadcast %mul3A_1324 : i32 to vector<16xi32>
      %mul3A_1326 = arith.muli %get3A_1323, %mul3A_1325 : vector<16xi32>
      %add3A_1327 = arith.addi %mul3A_1326, %get3A_1318 : vector<16xi32>
      %swap3A_1328 = arith.constant 208 : index
      %swap3A_1329 = tpu.vector_load %arg5[%swap3A_1328] {strides = array<i32>} : memref<512xi32, #tpu.memory_space<vmem>>, vector<16xi32>,
      %swap3A_1330 = vector.shape_cast %swap3A_1329 : vector<16xi32> to vector<16xi32>
      %swap3A_1331 = vector.shape_cast %add3A_1327 : vector<16xi32> to vector<16xi32>
      tpu.vector_store %arg5[%swap3A_1328], %swap3A_1331 {strides = array<i32>} : memref<512xi32, #tpu.memory_space<vmem>>, vector<16xi32>,
      %swap3A_1332 = arith.constant 208 : index
      %swap3A_1333 = tpu.vector_load %arg6[%swap3A_1332] {strides = array<i32>} : memref<512xf32, #tpu.memory_space<vmem>>, vector<16xf32>,
      %swap3A_1334 = vector.shape_cast %swap3A_1333 : vector<16xf32> to vector<16xf32>
      %swap3A_1335 = vector.shape_cast %broadcast_in_dim3A_5 : vector<16xf32> to vector<16xf32>
      tpu.vector_store %arg6[%swap3A_1332], %swap3A_1335 {strides = array<i32>} : memref<512xf32, #tpu.memory_space<vmem>>, vector<16xf32>,
      %get3A_1336 = arith.constant 0 : i32
      %get3A_1337 = arith.index_cast %get3A_1336 : i32 to index
      %get3A_1338 = arith.constant 224 : index
      %get3A_1339 = tpu.vector_load %arg4[%get3A_1337, %get3A_1338] {strides = array<i32>} : memref<2x512xi32, #tpu.memory_space<vmem>>, vector<1x16xi32>,
      %get3A_1340 = vector.shape_cast %get3A_1339 : vector<1x16xi32> to vector<16xi32>
      %get3A_1341 = arith.constant 1 : i32
      %get3A_1342 = arith.index_cast %get3A_1341 : i32 to index
      %get3A_1343 = arith.constant 224 : index
      %get3A_1344 = tpu.vector_load %arg4[%get3A_1342, %get3A_1343] {strides = array<i32>} : memref<2x512xi32, #tpu.memory_space<vmem>>, vector<1x16xi32>,
      %get3A_1345 = vector.shape_cast %get3A_1344 : vector<1x16xi32> to vector<16xi32>
      %mul3A_1346 = arith.constant 64 : i32
      %mul3A_1347 = vector.broadcast %mul3A_1346 : i32 to vector<16xi32>
      %mul3A_1348 = arith.muli %get3A_1345, %mul3A_1347 : vector<16xi32>
      %add3A_1349 = arith.addi %mul3A_1348, %get3A_1340 : vector<16xi32>
      %swap3A_1350 = arith.constant 224 : index
      %swap3A_1351 = tpu.vector_load %arg5[%swap3A_1350] {strides = array<i32>} : memref<512xi32, #tpu.memory_space<vmem>>, vector<16xi32>,
      %swap3A_1352 = vector.shape_cast %swap3A_1351 : vector<16xi32> to vector<16xi32>
      %swap3A_1353 = vector.shape_cast %add3A_1349 : vector<16xi32> to vector<16xi32>
      tpu.vector_store %arg5[%swap3A_1350], %swap3A_1353 {strides = array<i32>} : memref<512xi32, #tpu.memory_space<vmem>>, vector<16xi32>,
      %swap3A_1354 = arith.constant 224 : index
      %swap3A_1355 = tpu.vector_load %arg6[%swap3A_1354] {strides = array<i32>} : memref<512xf32, #tpu.memory_space<vmem>>, vector<16xf32>,
      %swap3A_1356 = vector.shape_cast %swap3A_1355 : vector<16xf32> to vector<16xf32>
      %swap3A_1357 = vector.shape_cast %broadcast_in_dim3A_5 : vector<16xf32> to vector<16xf32>
      tpu.vector_store %arg6[%swap3A_1354], %swap3A_1357 {strides = array<i32>} : memref<512xf32, #tpu.memory_space<vmem>>, vector<16xf32>,
      %get3A_1358 = arith.constant 0 : i32
      %get3A_1359 = arith.index_cast %get3A_1358 : i32 to index
      %get3A_1360 = arith.constant 240 : index
      %get3A_1361 = tpu.vector_load %arg4[%get3A_1359, %get3A_1360] {strides = array<i32>} : memref<2x512xi32, #tpu.memory_space<vmem>>, vector<1x16xi32>,
      %get3A_1362 = vector.shape_cast %get3A_1361 : vector<1x16xi32> to vector<16xi32>
      %get3A_1363 = arith.constant 1 : i32
      %get3A_1364 = arith.index_cast %get3A_1363 : i32 to index
      %get3A_1365 = arith.constant 240 : index
      %get3A_1366 = tpu.vector_load %arg4[%get3A_1364, %get3A_1365] {strides = array<i32>} : memref<2x512xi32, #tpu.memory_space<vmem>>, vector<1x16xi32>,
      %get3A_1367 = vector.shape_cast %get3A_1366 : vector<1x16xi32> to vector<16xi32>
      %mul3A_1368 = arith.constant 64 : i32
      %mul3A_1369 = vector.broadcast %mul3A_1368 : i32 to vector<16xi32>
      %mul3A_1370 = arith.muli %get3A_1367, %mul3A_1369 : vector<16xi32>
      %add3A_1371 = arith.addi %mul3A_1370, %get3A_1362 : vector<16xi32>
      %swap3A_1372 = arith.constant 240 : index
      %swap3A_1373 = tpu.vector_load %arg5[%swap3A_1372] {strides = array<i32>} : memref<512xi32, #tpu.memory_space<vmem>>, vector<16xi32>,
      %swap3A_1374 = vector.shape_cast %swap3A_1373 : vector<16xi32> to vector<16xi32>
      %swap3A_1375 = vector.shape_cast %add3A_1371 : vector<16xi32> to vector<16xi32>
      tpu.vector_store %arg5[%swap3A_1372], %swap3A_1375 {strides = array<i32>} : memref<512xi32, #tpu.memory_space<vmem>>, vector<16xi32>,
      %swap3A_1376 = arith.constant 240 : index
      %swap3A_1377 = tpu.vector_load %arg6[%swap3A_1376] {strides = array<i32>} : memref<512xf32, #tpu.memory_space<vmem>>, vector<16xf32>,
      %swap3A_1378 = vector.shape_cast %swap3A_1377 : vector<16xf32> to vector<16xf32>
      %swap3A_1379 = vector.shape_cast %broadcast_in_dim3A_5 : vector<16xf32> to vector<16xf32>
      tpu.vector_store %arg6[%swap3A_1376], %swap3A_1379 {strides = array<i32>} : memref<512xf32, #tpu.memory_space<vmem>>, vector<16xf32>,
      %get3A_1380 = arith.constant 0 : i32
      %get3A_1381 = arith.index_cast %get3A_1380 : i32 to index
      %get3A_1382 = arith.constant 256 : index
      %get3A_1383 = tpu.vector_load %arg4[%get3A_1381, %get3A_1382] {strides = array<i32>} : memref<2x512xi32, #tpu.memory_space<vmem>>, vector<1x16xi32>,
      %get3A_1384 = vector.shape_cast %get3A_1383 : vector<1x16xi32> to vector<16xi32>
      %get3A_1385 = arith.constant 1 : i32
      %get3A_1386 = arith.index_cast %get3A_1385 : i32 to index
      %get3A_1387 = arith.constant 256 : index
      %get3A_1388 = tpu.vector_load %arg4[%get3A_1386, %get3A_1387] {strides = array<i32>} : memref<2x512xi32, #tpu.memory_space<vmem>>, vector<1x16xi32>,
      %get3A_1389 = vector.shape_cast %get3A_1388 : vector<1x16xi32> to vector<16xi32>
      %mul3A_1390 = arith.constant 64 : i32
      %mul3A_1391 = vector.broadcast %mul3A_1390 : i32 to vector<16xi32>
      %mul3A_1392 = arith.muli %get3A_1389, %mul3A_1391 : vector<16xi32>
      %add3A_1393 = arith.addi %mul3A_1392, %get3A_1384 : vector<16xi32>
      %swap3A_1394 = arith.constant 256 : index
      %swap3A_1395 = tpu.vector_load %arg5[%swap3A_1394] {strides = array<i32>} : memref<512xi32, #tpu.memory_space<vmem>>, vector<16xi32>,
      %swap3A_1396 = vector.shape_cast %swap3A_1395 : vector<16xi32> to vector<16xi32>
      %swap3A_1397 = vector.shape_cast %add3A_1393 : vector<16xi32> to vector<16xi32>
      tpu.vector_store %arg5[%swap3A_1394], %swap3A_1397 {strides = array<i32>} : memref<512xi32, #tpu.memory_space<vmem>>, vector<16xi32>,
      %swap3A_1398 = arith.constant 256 : index
      %swap3A_1399 = tpu.vector_load %arg6[%swap3A_1398] {strides = array<i32>} : memref<512xf32, #tpu.memory_space<vmem>>, vector<16xf32>,
      %swap3A_1400 = vector.shape_cast %swap3A_1399 : vector<16xf32> to vector<16xf32>
      %swap3A_1401 = vector.shape_cast %broadcast_in_dim3A_5 : vector<16xf32> to vector<16xf32>
      tpu.vector_store %arg6[%swap3A_1398], %swap3A_1401 {strides = array<i32>} : memref<512xf32, #tpu.memory_space<vmem>>, vector<16xf32>,
      %get3A_1402 = arith.constant 0 : i32
      %get3A_1403 = arith.index_cast %get3A_1402 : i32 to index
      %get3A_1404 = arith.constant 272 : index
      %get3A_1405 = tpu.vector_load %arg4[%get3A_1403, %get3A_1404] {strides = array<i32>} : memref<2x512xi32, #tpu.memory_space<vmem>>, vector<1x16xi32>,
      %get3A_1406 = vector.shape_cast %get3A_1405 : vector<1x16xi32> to vector<16xi32>
      %get3A_1407 = arith.constant 1 : i32
      %get3A_1408 = arith.index_cast %get3A_1407 : i32 to index
      %get3A_1409 = arith.constant 272 : index
      %get3A_1410 = tpu.vector_load %arg4[%get3A_1408, %get3A_1409] {strides = array<i32>} : memref<2x512xi32, #tpu.memory_space<vmem>>, vector<1x16xi32>,
      %get3A_1411 = vector.shape_cast %get3A_1410 : vector<1x16xi32> to vector<16xi32>
      %mul3A_1412 = arith.constant 64 : i32
      %mul3A_1413 = vector.broadcast %mul3A_1412 : i32 to vector<16xi32>
      %mul3A_1414 = arith.muli %get3A_1411, %mul3A_1413 : vector<16xi32>
      %add3A_1415 = arith.addi %mul3A_1414, %get3A_1406 : vector<16xi32>
      %swap3A_1416 = arith.constant 272 : index
      %swap3A_1417 = tpu.vector_load %arg5[%swap3A_1416] {strides = array<i32>} : memref<512xi32, #tpu.memory_space<vmem>>, vector<16xi32>,
      %swap3A_1418 = vector.shape_cast %swap3A_1417 : vector<16xi32> to vector<16xi32>
      %swap3A_1419 = vector.shape_cast %add3A_1415 : vector<16xi32> to vector<16xi32>
      tpu.vector_store %arg5[%swap3A_1416], %swap3A_1419 {strides = array<i32>} : memref<512xi32, #tpu.memory_space<vmem>>, vector<16xi32>,
      %swap3A_1420 = arith.constant 272 : index
      %swap3A_1421 = tpu.vector_load %arg6[%swap3A_1420] {strides = array<i32>} : memref<512xf32, #tpu.memory_space<vmem>>, vector<16xf32>,
      %swap3A_1422 = vector.shape_cast %swap3A_1421 : vector<16xf32> to vector<16xf32>
      %swap3A_1423 = vector.shape_cast %broadcast_in_dim3A_5 : vector<16xf32> to vector<16xf32>
      tpu.vector_store %arg6[%swap3A_1420], %swap3A_1423 {strides = array<i32>} : memref<512xf32, #tpu.memory_space<vmem>>, vector<16xf32>,
      %get3A_1424 = arith.constant 0 : i32
      %get3A_1425 = arith.index_cast %get3A_1424 : i32 to index
      %get3A_1426 = arith.constant 288 : index
      %get3A_1427 = tpu.vector_load %arg4[%get3A_1425, %get3A_1426] {strides = array<i32>} : memref<2x512xi32, #tpu.memory_space<vmem>>, vector<1x16xi32>,
      %get3A_1428 = vector.shape_cast %get3A_1427 : vector<1x16xi32> to vector<16xi32>
      %get3A_1429 = arith.constant 1 : i32
      %get3A_1430 = arith.index_cast %get3A_1429 : i32 to index
      %get3A_1431 = arith.constant 288 : index
      %get3A_1432 = tpu.vector_load %arg4[%get3A_1430, %get3A_1431] {strides = array<i32>} : memref<2x512xi32, #tpu.memory_space<vmem>>, vector<1x16xi32>,
      %get3A_1433 = vector.shape_cast %get3A_1432 : vector<1x16xi32> to vector<16xi32>
      %mul3A_1434 = arith.constant 64 : i32
      %mul3A_1435 = vector.broadcast %mul3A_1434 : i32 to vector<16xi32>
      %mul3A_1436 = arith.muli %get3A_1433, %mul3A_1435 : vector<16xi32>
      %add3A_1437 = arith.addi %mul3A_1436, %get3A_1428 : vector<16xi32>
      %swap3A_1438 = arith.constant 288 : index
      %swap3A_1439 = tpu.vector_load %arg5[%swap3A_1438] {strides = array<i32>} : memref<512xi32, #tpu.memory_space<vmem>>, vector<16xi32>,
      %swap3A_1440 = vector.shape_cast %swap3A_1439 : vector<16xi32> to vector<16xi32>
      %swap3A_1441 = vector.shape_cast %add3A_1437 : vector<16xi32> to vector<16xi32>
      tpu.vector_store %arg5[%swap3A_1438], %swap3A_1441 {strides = array<i32>} : memref<512xi32, #tpu.memory_space<vmem>>, vector<16xi32>,
      %swap3A_1442 = arith.constant 288 : index
      %swap3A_1443 = tpu.vector_load %arg6[%swap3A_1442] {strides = array<i32>} : memref<512xf32, #tpu.memory_space<vmem>>, vector<16xf32>,
      %swap3A_1444 = vector.shape_cast %swap3A_1443 : vector<16xf32> to vector<16xf32>
      %swap3A_1445 = vector.shape_cast %broadcast_in_dim3A_5 : vector<16xf32> to vector<16xf32>
      tpu.vector_store %arg6[%swap3A_1442], %swap3A_1445 {strides = array<i32>} : memref<512xf32, #tpu.memory_space<vmem>>, vector<16xf32>,
      %get3A_1446 = arith.constant 0 : i32
      %get3A_1447 = arith.index_cast %get3A_1446 : i32 to index
      %get3A_1448 = arith.constant 304 : index
      %get3A_1449 = tpu.vector_load %arg4[%get3A_1447, %get3A_1448] {strides = array<i32>} : memref<2x512xi32, #tpu.memory_space<vmem>>, vector<1x16xi32>,
      %get3A_1450 = vector.shape_cast %get3A_1449 : vector<1x16xi32> to vector<16xi32>
      %get3A_1451 = arith.constant 1 : i32
      %get3A_1452 = arith.index_cast %get3A_1451 : i32 to index
      %get3A_1453 = arith.constant 304 : index
      %get3A_1454 = tpu.vector_load %arg4[%get3A_1452, %get3A_1453] {strides = array<i32>} : memref<2x512xi32, #tpu.memory_space<vmem>>, vector<1x16xi32>,
      %get3A_1455 = vector.shape_cast %get3A_1454 : vector<1x16xi32> to vector<16xi32>
      %mul3A_1456 = arith.constant 64 : i32
      %mul3A_1457 = vector.broadcast %mul3A_1456 : i32 to vector<16xi32>
      %mul3A_1458 = arith.muli %get3A_1455, %mul3A_1457 : vector<16xi32>
      %add3A_1459 = arith.addi %mul3A_1458, %get3A_1450 : vector<16xi32>
      %swap3A_1460 = arith.constant 304 : index
      %swap3A_1461 = tpu.vector_load %arg5[%swap3A_1460] {strides = array<i32>} : memref<512xi32, #tpu.memory_space<vmem>>, vector<16xi32>,
      %swap3A_1462 = vector.shape_cast %swap3A_1461 : vector<16xi32> to vector<16xi32>
      %swap3A_1463 = vector.shape_cast %add3A_1459 : vector<16xi32> to vector<16xi32>
      tpu.vector_store %arg5[%swap3A_1460], %swap3A_1463 {strides = array<i32>} : memref<512xi32, #tpu.memory_space<vmem>>, vector<16xi32>,
      %swap3A_1464 = arith.constant 304 : index
      %swap3A_1465 = tpu.vector_load %arg6[%swap3A_1464] {strides = array<i32>} : memref<512xf32, #tpu.memory_space<vmem>>, vector<16xf32>,
      %swap3A_1466 = vector.shape_cast %swap3A_1465 : vector<16xf32> to vector<16xf32>
      %swap3A_1467 = vector.shape_cast %broadcast_in_dim3A_5 : vector<16xf32> to vector<16xf32>
      tpu.vector_store %arg6[%swap3A_1464], %swap3A_1467 {strides = array<i32>} : memref<512xf32, #tpu.memory_space<vmem>>, vector<16xf32>,
      %get3A_1468 = arith.constant 0 : i32
      %get3A_1469 = arith.index_cast %get3A_1468 : i32 to index
      %get3A_1470 = arith.constant 320 : index
      %get3A_1471 = tpu.vector_load %arg4[%get3A_1469, %get3A_1470] {strides = array<i32>} : memref<2x512xi32, #tpu.memory_space<vmem>>, vector<1x16xi32>,
      %get3A_1472 = vector.shape_cast %get3A_1471 : vector<1x16xi32> to vector<16xi32>
      %get3A_1473 = arith.constant 1 : i32
      %get3A_1474 = arith.index_cast %get3A_1473 : i32 to index
      %get3A_1475 = arith.constant 320 : index
      %get3A_1476 = tpu.vector_load %arg4[%get3A_1474, %get3A_1475] {strides = array<i32>} : memref<2x512xi32, #tpu.memory_space<vmem>>, vector<1x16xi32>,
      %get3A_1477 = vector.shape_cast %get3A_1476 : vector<1x16xi32> to vector<16xi32>
      %mul3A_1478 = arith.constant 64 : i32
      %mul3A_1479 = vector.broadcast %mul3A_1478 : i32 to vector<16xi32>
      %mul3A_1480 = arith.muli %get3A_1477, %mul3A_1479 : vector<16xi32>
      %add3A_1481 = arith.addi %mul3A_1480, %get3A_1472 : vector<16xi32>
      %swap3A_1482 = arith.constant 320 : index
      %swap3A_1483 = tpu.vector_load %arg5[%swap3A_1482] {strides = array<i32>} : memref<512xi32, #tpu.memory_space<vmem>>, vector<16xi32>,
      %swap3A_1484 = vector.shape_cast %swap3A_1483 : vector<16xi32> to vector<16xi32>
      %swap3A_1485 = vector.shape_cast %add3A_1481 : vector<16xi32> to vector<16xi32>
      tpu.vector_store %arg5[%swap3A_1482], %swap3A_1485 {strides = array<i32>} : memref<512xi32, #tpu.memory_space<vmem>>, vector<16xi32>,
      %swap3A_1486 = arith.constant 320 : index
      %swap3A_1487 = tpu.vector_load %arg6[%swap3A_1486] {strides = array<i32>} : memref<512xf32, #tpu.memory_space<vmem>>, vector<16xf32>,
      %swap3A_1488 = vector.shape_cast %swap3A_1487 : vector<16xf32> to vector<16xf32>
      %swap3A_1489 = vector.shape_cast %broadcast_in_dim3A_5 : vector<16xf32> to vector<16xf32>
      tpu.vector_store %arg6[%swap3A_1486], %swap3A_1489 {strides = array<i32>} : memref<512xf32, #tpu.memory_space<vmem>>, vector<16xf32>,
      %get3A_1490 = arith.constant 0 : i32
      %get3A_1491 = arith.index_cast %get3A_1490 : i32 to index
      %get3A_1492 = arith.constant 336 : index
      %get3A_1493 = tpu.vector_load %arg4[%get3A_1491, %get3A_1492] {strides = array<i32>} : memref<2x512xi32, #tpu.memory_space<vmem>>, vector<1x16xi32>,
      %get3A_1494 = vector.shape_cast %get3A_1493 : vector<1x16xi32> to vector<16xi32>
      %get3A_1495 = arith.constant 1 : i32
      %get3A_1496 = arith.index_cast %get3A_1495 : i32 to index
      %get3A_1497 = arith.constant 336 : index
      %get3A_1498 = tpu.vector_load %arg4[%get3A_1496, %get3A_1497] {strides = array<i32>} : memref<2x512xi32, #tpu.memory_space<vmem>>, vector<1x16xi32>,
      %get3A_1499 = vector.shape_cast %get3A_1498 : vector<1x16xi32> to vector<16xi32>
      %mul3A_1500 = arith.constant 64 : i32
      %mul3A_1501 = vector.broadcast %mul3A_1500 : i32 to vector<16xi32>
      %mul3A_1502 = arith.muli %get3A_1499, %mul3A_1501 : vector<16xi32>
      %add3A_1503 = arith.addi %mul3A_1502, %get3A_1494 : vector<16xi32>
      %swap3A_1504 = arith.constant 336 : index
      %swap3A_1505 = tpu.vector_load %arg5[%swap3A_1504] {strides = array<i32>} : memref<512xi32, #tpu.memory_space<vmem>>, vector<16xi32>,
      %swap3A_1506 = vector.shape_cast %swap3A_1505 : vector<16xi32> to vector<16xi32>
      %swap3A_1507 = vector.shape_cast %add3A_1503 : vector<16xi32> to vector<16xi32>
      tpu.vector_store %arg5[%swap3A_1504], %swap3A_1507 {strides = array<i32>} : memref<512xi32, #tpu.memory_space<vmem>>, vector<16xi32>,
      %swap3A_1508 = arith.constant 336 : index
      %swap3A_1509 = tpu.vector_load %arg6[%swap3A_1508] {strides = array<i32>} : memref<512xf32, #tpu.memory_space<vmem>>, vector<16xf32>,
      %swap3A_1510 = vector.shape_cast %swap3A_1509 : vector<16xf32> to vector<16xf32>
      %swap3A_1511 = vector.shape_cast %broadcast_in_dim3A_5 : vector<16xf32> to vector<16xf32>
      tpu.vector_store %arg6[%swap3A_1508], %swap3A_1511 {strides = array<i32>} : memref<512xf32, #tpu.memory_space<vmem>>, vector<16xf32>,
      %get3A_1512 = arith.constant 0 : i32
      %get3A_1513 = arith.index_cast %get3A_1512 : i32 to index
      %get3A_1514 = arith.constant 352 : index
      %get3A_1515 = tpu.vector_load %arg4[%get3A_1513, %get3A_1514] {strides = array<i32>} : memref<2x512xi32, #tpu.memory_space<vmem>>, vector<1x16xi32>,
      %get3A_1516 = vector.shape_cast %get3A_1515 : vector<1x16xi32> to vector<16xi32>
      %get3A_1517 = arith.constant 1 : i32
      %get3A_1518 = arith.index_cast %get3A_1517 : i32 to index
      %get3A_1519 = arith.constant 352 : index
      %get3A_1520 = tpu.vector_load %arg4[%get3A_1518, %get3A_1519] {strides = array<i32>} : memref<2x512xi32, #tpu.memory_space<vmem>>, vector<1x16xi32>,
      %get3A_1521 = vector.shape_cast %get3A_1520 : vector<1x16xi32> to vector<16xi32>
      %mul3A_1522 = arith.constant 64 : i32
      %mul3A_1523 = vector.broadcast %mul3A_1522 : i32 to vector<16xi32>
      %mul3A_1524 = arith.muli %get3A_1521, %mul3A_1523 : vector<16xi32>
      %add3A_1525 = arith.addi %mul3A_1524, %get3A_1516 : vector<16xi32>
      %swap3A_1526 = arith.constant 352 : index
      %swap3A_1527 = tpu.vector_load %arg5[%swap3A_1526] {strides = array<i32>} : memref<512xi32, #tpu.memory_space<vmem>>, vector<16xi32>,
      %swap3A_1528 = vector.shape_cast %swap3A_1527 : vector<16xi32> to vector<16xi32>
      %swap3A_1529 = vector.shape_cast %add3A_1525 : vector<16xi32> to vector<16xi32>
      tpu.vector_store %arg5[%swap3A_1526], %swap3A_1529 {strides = array<i32>} : memref<512xi32, #tpu.memory_space<vmem>>, vector<16xi32>,
      %swap3A_1530 = arith.constant 352 : index
      %swap3A_1531 = tpu.vector_load %arg6[%swap3A_1530] {strides = array<i32>} : memref<512xf32, #tpu.memory_space<vmem>>, vector<16xf32>,
      %swap3A_1532 = vector.shape_cast %swap3A_1531 : vector<16xf32> to vector<16xf32>
      %swap3A_1533 = vector.shape_cast %broadcast_in_dim3A_5 : vector<16xf32> to vector<16xf32>
      tpu.vector_store %arg6[%swap3A_1530], %swap3A_1533 {strides = array<i32>} : memref<512xf32, #tpu.memory_space<vmem>>, vector<16xf32>,
      %get3A_1534 = arith.constant 0 : i32
      %get3A_1535 = arith.index_cast %get3A_1534 : i32 to index
      %get3A_1536 = arith.constant 368 : index
      %get3A_1537 = tpu.vector_load %arg4[%get3A_1535, %get3A_1536] {strides = array<i32>} : memref<2x512xi32, #tpu.memory_space<vmem>>, vector<1x16xi32>,
      %get3A_1538 = vector.shape_cast %get3A_1537 : vector<1x16xi32> to vector<16xi32>
      %get3A_1539 = arith.constant 1 : i32
      %get3A_1540 = arith.index_cast %get3A_1539 : i32 to index
      %get3A_1541 = arith.constant 368 : index
      %get3A_1542 = tpu.vector_load %arg4[%get3A_1540, %get3A_1541] {strides = array<i32>} : memref<2x512xi32, #tpu.memory_space<vmem>>, vector<1x16xi32>,
      %get3A_1543 = vector.shape_cast %get3A_1542 : vector<1x16xi32> to vector<16xi32>
      %mul3A_1544 = arith.constant 64 : i32
      %mul3A_1545 = vector.broadcast %mul3A_1544 : i32 to vector<16xi32>
      %mul3A_1546 = arith.muli %get3A_1543, %mul3A_1545 : vector<16xi32>
      %add3A_1547 = arith.addi %mul3A_1546, %get3A_1538 : vector<16xi32>
      %swap3A_1548 = arith.constant 368 : index
      %swap3A_1549 = tpu.vector_load %arg5[%swap3A_1548] {strides = array<i32>} : memref<512xi32, #tpu.memory_space<vmem>>, vector<16xi32>,
      %swap3A_1550 = vector.shape_cast %swap3A_1549 : vector<16xi32> to vector<16xi32>
      %swap3A_1551 = vector.shape_cast %add3A_1547 : vector<16xi32> to vector<16xi32>
      tpu.vector_store %arg5[%swap3A_1548], %swap3A_1551 {strides = array<i32>} : memref<512xi32, #tpu.memory_space<vmem>>, vector<16xi32>,
      %swap3A_1552 = arith.constant 368 : index
      %swap3A_1553 = tpu.vector_load %arg6[%swap3A_1552] {strides = array<i32>} : memref<512xf32, #tpu.memory_space<vmem>>, vector<16xf32>,
      %swap3A_1554 = vector.shape_cast %swap3A_1553 : vector<16xf32> to vector<16xf32>
      %swap3A_1555 = vector.shape_cast %broadcast_in_dim3A_5 : vector<16xf32> to vector<16xf32>
      tpu.vector_store %arg6[%swap3A_1552], %swap3A_1555 {strides = array<i32>} : memref<512xf32, #tpu.memory_space<vmem>>, vector<16xf32>,
      %get3A_1556 = arith.constant 0 : i32
      %get3A_1557 = arith.index_cast %get3A_1556 : i32 to index
      %get3A_1558 = arith.constant 384 : index
      %get3A_1559 = tpu.vector_load %arg4[%get3A_1557, %get3A_1558] {strides = array<i32>} : memref<2x512xi32, #tpu.memory_space<vmem>>, vector<1x16xi32>,
      %get3A_1560 = vector.shape_cast %get3A_1559 : vector<1x16xi32> to vector<16xi32>
      %get3A_1561 = arith.constant 1 : i32
      %get3A_1562 = arith.index_cast %get3A_1561 : i32 to index
      %get3A_1563 = arith.constant 384 : index
      %get3A_1564 = tpu.vector_load %arg4[%get3A_1562, %get3A_1563] {strides = array<i32>} : memref<2x512xi32, #tpu.memory_space<vmem>>, vector<1x16xi32>,
      %get3A_1565 = vector.shape_cast %get3A_1564 : vector<1x16xi32> to vector<16xi32>
      %mul3A_1566 = arith.constant 64 : i32
      %mul3A_1567 = vector.broadcast %mul3A_1566 : i32 to vector<16xi32>
      %mul3A_1568 = arith.muli %get3A_1565, %mul3A_1567 : vector<16xi32>
      %add3A_1569 = arith.addi %mul3A_1568, %get3A_1560 : vector<16xi32>
      %swap3A_1570 = arith.constant 384 : index
      %swap3A_1571 = tpu.vector_load %arg5[%swap3A_1570] {strides = array<i32>} : memref<512xi32, #tpu.memory_space<vmem>>, vector<16xi32>,
      %swap3A_1572 = vector.shape_cast %swap3A_1571 : vector<16xi32> to vector<16xi32>
      %swap3A_1573 = vector.shape_cast %add3A_1569 : vector<16xi32> to vector<16xi32>
      tpu.vector_store %arg5[%swap3A_1570], %swap3A_1573 {strides = array<i32>} : memref<512xi32, #tpu.memory_space<vmem>>, vector<16xi32>,
      %swap3A_1574 = arith.constant 384 : index
      %swap3A_1575 = tpu.vector_load %arg6[%swap3A_1574] {strides = array<i32>} : memref<512xf32, #tpu.memory_space<vmem>>, vector<16xf32>,
      %swap3A_1576 = vector.shape_cast %swap3A_1575 : vector<16xf32> to vector<16xf32>
      %swap3A_1577 = vector.shape_cast %broadcast_in_dim3A_5 : vector<16xf32> to vector<16xf32>
      tpu.vector_store %arg6[%swap3A_1574], %swap3A_1577 {strides = array<i32>} : memref<512xf32, #tpu.memory_space<vmem>>, vector<16xf32>,
      %get3A_1578 = arith.constant 0 : i32
      %get3A_1579 = arith.index_cast %get3A_1578 : i32 to index
      %get3A_1580 = arith.constant 400 : index
      %get3A_1581 = tpu.vector_load %arg4[%get3A_1579, %get3A_1580] {strides = array<i32>} : memref<2x512xi32, #tpu.memory_space<vmem>>, vector<1x16xi32>,
      %get3A_1582 = vector.shape_cast %get3A_1581 : vector<1x16xi32> to vector<16xi32>
      %get3A_1583 = arith.constant 1 : i32
      %get3A_1584 = arith.index_cast %get3A_1583 : i32 to index
      %get3A_1585 = arith.constant 400 : index
      %get3A_1586 = tpu.vector_load %arg4[%get3A_1584, %get3A_1585] {strides = array<i32>} : memref<2x512xi32, #tpu.memory_space<vmem>>, vector<1x16xi32>,
      %get3A_1587 = vector.shape_cast %get3A_1586 : vector<1x16xi32> to vector<16xi32>
      %mul3A_1588 = arith.constant 64 : i32
      %mul3A_1589 = vector.broadcast %mul3A_1588 : i32 to vector<16xi32>
      %mul3A_1590 = arith.muli %get3A_1587, %mul3A_1589 : vector<16xi32>
      %add3A_1591 = arith.addi %mul3A_1590, %get3A_1582 : vector<16xi32>
      %swap3A_1592 = arith.constant 400 : index
      %swap3A_1593 = tpu.vector_load %arg5[%swap3A_1592] {strides = array<i32>} : memref<512xi32, #tpu.memory_space<vmem>>, vector<16xi32>,
      %swap3A_1594 = vector.shape_cast %swap3A_1593 : vector<16xi32> to vector<16xi32>
      %swap3A_1595 = vector.shape_cast %add3A_1591 : vector<16xi32> to vector<16xi32>
      tpu.vector_store %arg5[%swap3A_1592], %swap3A_1595 {strides = array<i32>} : memref<512xi32, #tpu.memory_space<vmem>>, vector<16xi32>,
      %swap3A_1596 = arith.constant 400 : index
      %swap3A_1597 = tpu.vector_load %arg6[%swap3A_1596] {strides = array<i32>} : memref<512xf32, #tpu.memory_space<vmem>>, vector<16xf32>,
      %swap3A_1598 = vector.shape_cast %swap3A_1597 : vector<16xf32> to vector<16xf32>
      %swap3A_1599 = vector.shape_cast %broadcast_in_dim3A_5 : vector<16xf32> to vector<16xf32>
      tpu.vector_store %arg6[%swap3A_1596], %swap3A_1599 {strides = array<i32>} : memref<512xf32, #tpu.memory_space<vmem>>, vector<16xf32>,
      %get3A_1600 = arith.constant 0 : i32
      %get3A_1601 = arith.index_cast %get3A_1600 : i32 to index
      %get3A_1602 = arith.constant 416 : index
      %get3A_1603 = tpu.vector_load %arg4[%get3A_1601, %get3A_1602] {strides = array<i32>} : memref<2x512xi32, #tpu.memory_space<vmem>>, vector<1x16xi32>,
      %get3A_1604 = vector.shape_cast %get3A_1603 : vector<1x16xi32> to vector<16xi32>
      %get3A_1605 = arith.constant 1 : i32
      %get3A_1606 = arith.index_cast %get3A_1605 : i32 to index
      %get3A_1607 = arith.constant 416 : index
      %get3A_1608 = tpu.vector_load %arg4[%get3A_1606, %get3A_1607] {strides = array<i32>} : memref<2x512xi32, #tpu.memory_space<vmem>>, vector<1x16xi32>,
      %get3A_1609 = vector.shape_cast %get3A_1608 : vector<1x16xi32> to vector<16xi32>
      %mul3A_1610 = arith.constant 64 : i32
      %mul3A_1611 = vector.broadcast %mul3A_1610 : i32 to vector<16xi32>
      %mul3A_1612 = arith.muli %get3A_1609, %mul3A_1611 : vector<16xi32>
      %add3A_1613 = arith.addi %mul3A_1612, %get3A_1604 : vector<16xi32>
      %swap3A_1614 = arith.constant 416 : index
      %swap3A_1615 = tpu.vector_load %arg5[%swap3A_1614] {strides = array<i32>} : memref<512xi32, #tpu.memory_space<vmem>>, vector<16xi32>,
      %swap3A_1616 = vector.shape_cast %swap3A_1615 : vector<16xi32> to vector<16xi32>
      %swap3A_1617 = vector.shape_cast %add3A_1613 : vector<16xi32> to vector<16xi32>
      tpu.vector_store %arg5[%swap3A_1614], %swap3A_1617 {strides = array<i32>} : memref<512xi32, #tpu.memory_space<vmem>>, vector<16xi32>,
      %swap3A_1618 = arith.constant 416 : index
      %swap3A_1619 = tpu.vector_load %arg6[%swap3A_1618] {strides = array<i32>} : memref<512xf32, #tpu.memory_space<vmem>>, vector<16xf32>,
      %swap3A_1620 = vector.shape_cast %swap3A_1619 : vector<16xf32> to vector<16xf32>
      %swap3A_1621 = vector.shape_cast %broadcast_in_dim3A_5 : vector<16xf32> to vector<16xf32>
      tpu.vector_store %arg6[%swap3A_1618], %swap3A_1621 {strides = array<i32>} : memref<512xf32, #tpu.memory_space<vmem>>, vector<16xf32>,
      %get3A_1622 = arith.constant 0 : i32
      %get3A_1623 = arith.index_cast %get3A_1622 : i32 to index
      %get3A_1624 = arith.constant 432 : index
      %get3A_1625 = tpu.vector_load %arg4[%get3A_1623, %get3A_1624] {strides = array<i32>} : memref<2x512xi32, #tpu.memory_space<vmem>>, vector<1x16xi32>,
      %get3A_1626 = vector.shape_cast %get3A_1625 : vector<1x16xi32> to vector<16xi32>
      %get3A_1627 = arith.constant 1 : i32
      %get3A_1628 = arith.index_cast %get3A_1627 : i32 to index
      %get3A_1629 = arith.constant 432 : index
      %get3A_1630 = tpu.vector_load %arg4[%get3A_1628, %get3A_1629] {strides = array<i32>} : memref<2x512xi32, #tpu.memory_space<vmem>>, vector<1x16xi32>,
      %get3A_1631 = vector.shape_cast %get3A_1630 : vector<1x16xi32> to vector<16xi32>
      %mul3A_1632 = arith.constant 64 : i32
      %mul3A_1633 = vector.broadcast %mul3A_1632 : i32 to vector<16xi32>
      %mul3A_1634 = arith.muli %get3A_1631, %mul3A_1633 : vector<16xi32>
      %add3A_1635 = arith.addi %mul3A_1634, %get3A_1626 : vector<16xi32>
      %swap3A_1636 = arith.constant 432 : index
      %swap3A_1637 = tpu.vector_load %arg5[%swap3A_1636] {strides = array<i32>} : memref<512xi32, #tpu.memory_space<vmem>>, vector<16xi32>,
      %swap3A_1638 = vector.shape_cast %swap3A_1637 : vector<16xi32> to vector<16xi32>
      %swap3A_1639 = vector.shape_cast %add3A_1635 : vector<16xi32> to vector<16xi32>
      tpu.vector_store %arg5[%swap3A_1636], %swap3A_1639 {strides = array<i32>} : memref<512xi32, #tpu.memory_space<vmem>>, vector<16xi32>,
      %swap3A_1640 = arith.constant 432 : index
      %swap3A_1641 = tpu.vector_load %arg6[%swap3A_1640] {strides = array<i32>} : memref<512xf32, #tpu.memory_space<vmem>>, vector<16xf32>,
      %swap3A_1642 = vector.shape_cast %swap3A_1641 : vector<16xf32> to vector<16xf32>
      %swap3A_1643 = vector.shape_cast %broadcast_in_dim3A_5 : vector<16xf32> to vector<16xf32>
      tpu.vector_store %arg6[%swap3A_1640], %swap3A_1643 {strides = array<i32>} : memref<512xf32, #tpu.memory_space<vmem>>, vector<16xf32>,
      %get3A_1644 = arith.constant 0 : i32
      %get3A_1645 = arith.index_cast %get3A_1644 : i32 to index
      %get3A_1646 = arith.constant 448 : index
      %get3A_1647 = tpu.vector_load %arg4[%get3A_1645, %get3A_1646] {strides = array<i32>} : memref<2x512xi32, #tpu.memory_space<vmem>>, vector<1x16xi32>,
      %get3A_1648 = vector.shape_cast %get3A_1647 : vector<1x16xi32> to vector<16xi32>
      %get3A_1649 = arith.constant 1 : i32
      %get3A_1650 = arith.index_cast %get3A_1649 : i32 to index
      %get3A_1651 = arith.constant 448 : index
      %get3A_1652 = tpu.vector_load %arg4[%get3A_1650, %get3A_1651] {strides = array<i32>} : memref<2x512xi32, #tpu.memory_space<vmem>>, vector<1x16xi32>,
      %get3A_1653 = vector.shape_cast %get3A_1652 : vector<1x16xi32> to vector<16xi32>
      %mul3A_1654 = arith.constant 64 : i32
      %mul3A_1655 = vector.broadcast %mul3A_1654 : i32 to vector<16xi32>
      %mul3A_1656 = arith.muli %get3A_1653, %mul3A_1655 : vector<16xi32>
      %add3A_1657 = arith.addi %mul3A_1656, %get3A_1648 : vector<16xi32>
      %swap3A_1658 = arith.constant 448 : index
      %swap3A_1659 = tpu.vector_load %arg5[%swap3A_1658] {strides = array<i32>} : memref<512xi32, #tpu.memory_space<vmem>>, vector<16xi32>,
      %swap3A_1660 = vector.shape_cast %swap3A_1659 : vector<16xi32> to vector<16xi32>
      %swap3A_1661 = vector.shape_cast %add3A_1657 : vector<16xi32> to vector<16xi32>
      tpu.vector_store %arg5[%swap3A_1658], %swap3A_1661 {strides = array<i32>} : memref<512xi32, #tpu.memory_space<vmem>>, vector<16xi32>,
      %swap3A_1662 = arith.constant 448 : index
      %swap3A_1663 = tpu.vector_load %arg6[%swap3A_1662] {strides = array<i32>} : memref<512xf32, #tpu.memory_space<vmem>>, vector<16xf32>,
      %swap3A_1664 = vector.shape_cast %swap3A_1663 : vector<16xf32> to vector<16xf32>
      %swap3A_1665 = vector.shape_cast %broadcast_in_dim3A_5 : vector<16xf32> to vector<16xf32>
      tpu.vector_store %arg6[%swap3A_1662], %swap3A_1665 {strides = array<i32>} : memref<512xf32, #tpu.memory_space<vmem>>, vector<16xf32>,
      %get3A_1666 = arith.constant 0 : i32
      %get3A_1667 = arith.index_cast %get3A_1666 : i32 to index
      %get3A_1668 = arith.constant 464 : index
      %get3A_1669 = tpu.vector_load %arg4[%get3A_1667, %get3A_1668] {strides = array<i32>} : memref<2x512xi32, #tpu.memory_space<vmem>>, vector<1x16xi32>,
      %get3A_1670 = vector.shape_cast %get3A_1669 : vector<1x16xi32> to vector<16xi32>
      %get3A_1671 = arith.constant 1 : i32
      %get3A_1672 = arith.index_cast %get3A_1671 : i32 to index
      %get3A_1673 = arith.constant 464 : index
      %get3A_1674 = tpu.vector_load %arg4[%get3A_1672, %get3A_1673] {strides = array<i32>} : memref<2x512xi32, #tpu.memory_space<vmem>>, vector<1x16xi32>,
      %get3A_1675 = vector.shape_cast %get3A_1674 : vector<1x16xi32> to vector<16xi32>
      %mul3A_1676 = arith.constant 64 : i32
      %mul3A_1677 = vector.broadcast %mul3A_1676 : i32 to vector<16xi32>
      %mul3A_1678 = arith.muli %get3A_1675, %mul3A_1677 : vector<16xi32>
      %add3A_1679 = arith.addi %mul3A_1678, %get3A_1670 : vector<16xi32>
      %swap3A_1680 = arith.constant 464 : index
      %swap3A_1681 = tpu.vector_load %arg5[%swap3A_1680] {strides = array<i32>} : memref<512xi32, #tpu.memory_space<vmem>>, vector<16xi32>,
      %swap3A_1682 = vector.shape_cast %swap3A_1681 : vector<16xi32> to vector<16xi32>
      %swap3A_1683 = vector.shape_cast %add3A_1679 : vector<16xi32> to vector<16xi32>
      tpu.vector_store %arg5[%swap3A_1680], %swap3A_1683 {strides = array<i32>} : memref<512xi32, #tpu.memory_space<vmem>>, vector<16xi32>,
      %swap3A_1684 = arith.constant 464 : index
      %swap3A_1685 = tpu.vector_load %arg6[%swap3A_1684] {strides = array<i32>} : memref<512xf32, #tpu.memory_space<vmem>>, vector<16xf32>,
      %swap3A_1686 = vector.shape_cast %swap3A_1685 : vector<16xf32> to vector<16xf32>
      %swap3A_1687 = vector.shape_cast %broadcast_in_dim3A_5 : vector<16xf32> to vector<16xf32>
      tpu.vector_store %arg6[%swap3A_1684], %swap3A_1687 {strides = array<i32>} : memref<512xf32, #tpu.memory_space<vmem>>, vector<16xf32>,
      %get3A_1688 = arith.constant 0 : i32
      %get3A_1689 = arith.index_cast %get3A_1688 : i32 to index
      %get3A_1690 = arith.constant 480 : index
      %get3A_1691 = tpu.vector_load %arg4[%get3A_1689, %get3A_1690] {strides = array<i32>} : memref<2x512xi32, #tpu.memory_space<vmem>>, vector<1x16xi32>,
      %get3A_1692 = vector.shape_cast %get3A_1691 : vector<1x16xi32> to vector<16xi32>
      %get3A_1693 = arith.constant 1 : i32
      %get3A_1694 = arith.index_cast %get3A_1693 : i32 to index
      %get3A_1695 = arith.constant 480 : index
      %get3A_1696 = tpu.vector_load %arg4[%get3A_1694, %get3A_1695] {strides = array<i32>} : memref<2x512xi32, #tpu.memory_space<vmem>>, vector<1x16xi32>,
      %get3A_1697 = vector.shape_cast %get3A_1696 : vector<1x16xi32> to vector<16xi32>
      %mul3A_1698 = arith.constant 64 : i32
      %mul3A_1699 = vector.broadcast %mul3A_1698 : i32 to vector<16xi32>
      %mul3A_1700 = arith.muli %get3A_1697, %mul3A_1699 : vector<16xi32>
      %add3A_1701 = arith.addi %mul3A_1700, %get3A_1692 : vector<16xi32>
      %swap3A_1702 = arith.constant 480 : index
      %swap3A_1703 = tpu.vector_load %arg5[%swap3A_1702] {strides = array<i32>} : memref<512xi32, #tpu.memory_space<vmem>>, vector<16xi32>,
      %swap3A_1704 = vector.shape_cast %swap3A_1703 : vector<16xi32> to vector<16xi32>
      %swap3A_1705 = vector.shape_cast %add3A_1701 : vector<16xi32> to vector<16xi32>
      tpu.vector_store %arg5[%swap3A_1702], %swap3A_1705 {strides = array<i32>} : memref<512xi32, #tpu.memory_space<vmem>>, vector<16xi32>,
      %swap3A_1706 = arith.constant 480 : index
      %swap3A_1707 = tpu.vector_load %arg6[%swap3A_1706] {strides = array<i32>} : memref<512xf32, #tpu.memory_space<vmem>>, vector<16xf32>,
      %swap3A_1708 = vector.shape_cast %swap3A_1707 : vector<16xf32> to vector<16xf32>
      %swap3A_1709 = vector.shape_cast %broadcast_in_dim3A_5 : vector<16xf32> to vector<16xf32>
      tpu.vector_store %arg6[%swap3A_1706], %swap3A_1709 {strides = array<i32>} : memref<512xf32, #tpu.memory_space<vmem>>, vector<16xf32>,
      %get3A_1710 = arith.constant 0 : i32
      %get3A_1711 = arith.index_cast %get3A_1710 : i32 to index
      %get3A_1712 = arith.constant 496 : index
      %get3A_1713 = tpu.vector_load %arg4[%get3A_1711, %get3A_1712] {strides = array<i32>} : memref<2x512xi32, #tpu.memory_space<vmem>>, vector<1x16xi32>,
      %get3A_1714 = vector.shape_cast %get3A_1713 : vector<1x16xi32> to vector<16xi32>
      %get3A_1715 = arith.constant 1 : i32
      %get3A_1716 = arith.index_cast %get3A_1715 : i32 to index
      %get3A_1717 = arith.constant 496 : index
      %get3A_1718 = tpu.vector_load %arg4[%get3A_1716, %get3A_1717] {strides = array<i32>} : memref<2x512xi32, #tpu.memory_space<vmem>>, vector<1x16xi32>,
      %get3A_1719 = vector.shape_cast %get3A_1718 : vector<1x16xi32> to vector<16xi32>
      %mul3A_1720 = arith.constant 64 : i32
      %mul3A_1721 = vector.broadcast %mul3A_1720 : i32 to vector<16xi32>
      %mul3A_1722 = arith.muli %get3A_1719, %mul3A_1721 : vector<16xi32>
      %add3A_1723 = arith.addi %mul3A_1722, %get3A_1714 : vector<16xi32>
      %swap3A_1724 = arith.constant 496 : index
      %swap3A_1725 = tpu.vector_load %arg5[%swap3A_1724] {strides = array<i32>} : memref<512xi32, #tpu.memory_space<vmem>>, vector<16xi32>,
      %swap3A_1726 = vector.shape_cast %swap3A_1725 : vector<16xi32> to vector<16xi32>
      %swap3A_1727 = vector.shape_cast %add3A_1723 : vector<16xi32> to vector<16xi32>
      tpu.vector_store %arg5[%swap3A_1724], %swap3A_1727 {strides = array<i32>} : memref<512xi32, #tpu.memory_space<vmem>>, vector<16xi32>,
      %swap3A_1728 = arith.constant 496 : index
      %swap3A_1729 = tpu.vector_load %arg6[%swap3A_1728] {strides = array<i32>} : memref<512xf32, #tpu.memory_space<vmem>>, vector<16xf32>,
      %swap3A_1730 = vector.shape_cast %swap3A_1729 : vector<16xf32> to vector<16xf32>
      %swap3A_1731 = vector.shape_cast %broadcast_in_dim3A_5 : vector<16xf32> to vector<16xf32>
      tpu.vector_store %arg6[%swap3A_1728], %swap3A_1731 {strides = array<i32>} : memref<512xf32, #tpu.memory_space<vmem>>, vector<16xf32>,
      "tpu.region"() ({
        %run_scoped3A = tpu.sem_alloc : memref<!tpu.dma_semaphore, #tpu.memory_space<semaphore_mem>>
        %dma_start3A = arith.constant 0 : i32
        %dma_start3A_1732 = tpu.memref_slice %arg8[%dma_start3A] : memref<4096xf32, #tpu.memory_space<vmem_shared>> -> memref<4096xf32, #tpu.memory_space<vmem_shared>>
        tpu.enqueue_indirect_dma source(%arg6 : memref<512xf32, #tpu.memory_space<vmem>>) target(%dma_start3A_1732 : memref<4096xf32, #tpu.memory_space<vmem_shared>>) offsets(%arg5 : memref<512xi32, #tpu.memory_space<vmem>>) semaphore(%run_scoped3A : memref<!tpu.dma_semaphore, #tpu.memory_space<semaphore_mem>>) {add = true}
        %dma_wait3A = arith.constant 0 : i32
        %dma_wait3A_1733 = tpu.memref_slice %arg8[%dma_wait3A] : memref<4096xf32, #tpu.memory_space<vmem_shared>> -> memref<4096xf32, #tpu.memory_space<vmem_shared>>
        tpu.wait_indirect_dma semaphore(%run_scoped3A : memref<!tpu.dma_semaphore, #tpu.memory_space<semaphore_mem>>) src(%arg6 : memref<512xf32, #tpu.memory_space<vmem>>) dst(%dma_wait3A_1733 : memref<4096xf32, #tpu.memory_space<vmem_shared>>)
        tpu.yield
      }) : () -> ()
      "tpu.region"() ({
        %run_scoped3A = tpu.sem_alloc : memref<!tpu.dma_semaphore, #tpu.memory_space<semaphore_mem>>
        tpu.enqueue_dma source(%arg8 : memref<4096xf32, #tpu.memory_space<vmem_shared>>) target(%arg7 : memref<4096xf32, #tpu.memory_space<vmem>>) target_semaphore(%run_scoped3A : memref<!tpu.dma_semaphore, #tpu.memory_space<semaphore_mem>>)
        tpu.wait_dma2 semaphore(%run_scoped3A : memref<!tpu.dma_semaphore, #tpu.memory_space<semaphore_mem>>) src(%arg8 : memref<4096xf32, #tpu.memory_space<vmem_shared>>) dst(%arg7 : memref<4096xf32, #tpu.memory_space<vmem>>)
        tpu.yield
      }) : () -> ()
      "tpu.region"() ({
        %run_scoped3A = tpu.sem_alloc : memref<!tpu.dma_semaphore, #tpu.memory_space<semaphore_mem>>
        tpu.enqueue_dma source(%arg7 : memref<4096xf32, #tpu.memory_space<vmem>>) target(%arg3 : memref<4096xf32, #tpu.memory_space<hbm>>) target_semaphore(%run_scoped3A : memref<!tpu.dma_semaphore, #tpu.memory_space<semaphore_mem>>)
        tpu.wait_dma2 semaphore(%run_scoped3A : memref<!tpu.dma_semaphore, #tpu.memory_space<semaphore_mem>>) src(%arg7 : memref<4096xf32, #tpu.memory_space<vmem>>) dst(%arg3 : memref<4096xf32, #tpu.memory_space<hbm>>)
        tpu.yield
      }) : () -> ()
    } else {
    }
    return
  }
}

module attributes {stable_mosaic.version = 14 : i64} {
  func.func @_main_kernel(%arg0: i32, %arg1: memref<128x64x32xf32, #tpu.memory_space<vmem>>, %arg2: memref<64x64xf32, #tpu.memory_space<vmem>>, %arg3: memref<32x64xf32, #tpu.memory_space<vmem>>, %arg4: memref<1x64xf32, #tpu.memory_space<vmem>>, %arg5: memref<64x132xf32, #tpu.memory_space<vmem>>, %arg6: memref<1x64xf32, #tpu.memory_space<vmem>>, %arg7: memref<1x64xf32, #tpu.memory_space<vmem>>, %arg8: memref<64x132xf32, #tpu.memory_space<vmem>>, %arg9: memref<1x64xf32, #tpu.memory_space<vmem>>, %arg10: memref<1x64xf32, #tpu.memory_space<vmem>>, %arg11: memref<64x130xf32, #tpu.memory_space<vmem>>, %arg12: memref<1x128xf32, #tpu.memory_space<vmem>>, %arg13: memref<1x128xf32, #tpu.memory_space<vmem>>, %arg14: memref<128x128xf32, #tpu.memory_space<vmem>>) attributes {dimension_semantics = [#tpu.dimension_semantics<arbitrary>], iteration_bounds = array<i64: 8>, scalar_prefetch = 0 : i64, scratch_operands = 0 : i64, tpu.core_type = #tpu.core_type<tc>, window_params = [{transform_indices = @transform_0, window_bounds = array<i64: 128, 64, 32>}, {pipeline_mode = #tpu.pipeline_mode<synchronous>, transform_indices = @transform_1, window_bounds = array<i64: 64, 64>}, {pipeline_mode = #tpu.pipeline_mode<synchronous>, transform_indices = @transform_2, window_bounds = array<i64: 32, 64>}, {pipeline_mode = #tpu.pipeline_mode<synchronous>, transform_indices = @transform_3, window_bounds = array<i64: 1, 64>}, {pipeline_mode = #tpu.pipeline_mode<synchronous>, transform_indices = @transform_4, window_bounds = array<i64: 64, 132>}, {pipeline_mode = #tpu.pipeline_mode<synchronous>, transform_indices = @transform_5, window_bounds = array<i64: 1, 64>}, {pipeline_mode = #tpu.pipeline_mode<synchronous>, transform_indices = @transform_6, window_bounds = array<i64: 1, 64>}, {pipeline_mode = #tpu.pipeline_mode<synchronous>, transform_indices = @transform_7, window_bounds = array<i64: 64, 132>}, {pipeline_mode = #tpu.pipeline_mode<synchronous>, transform_indices = @transform_8, window_bounds = array<i64: 1, 64>}, {pipeline_mode = #tpu.pipeline_mode<synchronous>, transform_indices = @transform_9, window_bounds = array<i64: 1, 64>}, {pipeline_mode = #tpu.pipeline_mode<synchronous>, transform_indices = @transform_10, window_bounds = array<i64: 64, 130>}, {pipeline_mode = #tpu.pipeline_mode<synchronous>, transform_indices = @transform_11, window_bounds = array<i64: 1, 128>}, {pipeline_mode = #tpu.pipeline_mode<synchronous>, transform_indices = @transform_12, window_bounds = array<i64: 1, 128>}, {transform_indices = @transform_13, window_bounds = array<i64: 128, 128>}]} {
    %iota3A = tpu.iota {dimensions = array<i32: 0>} : vector<64x64xi32>
    %iota3A_0 = tpu.iota {dimensions = array<i32: 1>} : vector<64x64xi32>
    %eq3A = arith.cmpi eq, %iota3A, %iota3A_0 : vector<64x64xi32>
    %convert_element_type3A = arith.extui %eq3A : vector<64x64xi1> to vector<64x64xi32>
    %convert_element_type3A_1 = arith.sitofp %convert_element_type3A : vector<64x64xi32> to vector<64x64xf32>
    %get3A = arith.constant 0 : index
    %get3A_2 = arith.constant 0 : index
    %get3A_3 = vector.load %arg2[%get3A, %get3A_2] : memref<64x64xf32, #tpu.memory_space<vmem>>, vector<64x64xf32>
    %add3A = arith.addf %get3A_3, %convert_element_type3A_1 : vector<64x64xf32>
    %concatenate3A = tpu.concatenate %add3A, %add3A in 1 : vector<64x64xf32>, vector<64x64xf32> -> vector<64x128xf32>
    %iota3A_4 = tpu.iota {dimensions = array<i32: 0>} : vector<128x2xi32>
    %iota3A_5 = tpu.iota {dimensions = array<i32: 1>} : vector<128x2xi32>
    %lt3A = arith.constant 64 : i32
    %lt3A_6 = vector.broadcast %lt3A : i32 to vector<128x2xi32>
    %lt3A_7 = arith.cmpi slt, %iota3A_4, %lt3A_6 : vector<128x2xi32>
    %eq3A_8 = arith.constant 0 : i32
    %eq3A_9 = vector.broadcast %eq3A_8 : i32 to vector<128x2xi32>
    %eq3A_10 = arith.cmpi eq, %iota3A_5, %eq3A_9 : vector<128x2xi32>
    %eq3A_11 = arith.xori %lt3A_7, %eq3A_10 : vector<128x2xi1>
    %eq3A_12 = arith.constant dense<true> : vector<128x2xi1>
    %eq3A_13 = arith.xori %eq3A_11, %eq3A_12 : vector<128x2xi1>
    %convert_element_type3A_14 = arith.extui %eq3A_13 : vector<128x2xi1> to vector<128x2xi32>
    %convert_element_type3A_15 = arith.sitofp %convert_element_type3A_14 : vector<128x2xi32> to vector<128x2xf32>
    %iota3A_16 = tpu.iota {dimensions = array<i32: 1>} : vector<2x64xi32>
    %lt3A_17 = arith.constant 32 : i32
    %lt3A_18 = vector.broadcast %lt3A_17 : i32 to vector<2x64xi32>
    %lt3A_19 = arith.cmpi slt, %iota3A_16, %lt3A_18 : vector<2x64xi32>
    %iota3A_20 = tpu.iota {dimensions = array<i32: 0>} : vector<2x64xi32>
    %eq3A_21 = arith.constant 0 : i32
    %eq3A_22 = vector.broadcast %eq3A_21 : i32 to vector<2x64xi32>
    %eq3A_23 = arith.cmpi eq, %iota3A_20, %eq3A_22 : vector<2x64xi32>
    %eq3A_24 = arith.xori %lt3A_19, %eq3A_23 : vector<2x64xi1>
    %eq3A_25 = arith.constant dense<true> : vector<2x64xi1>
    %eq3A_26 = arith.xori %eq3A_24, %eq3A_25 : vector<2x64xi1>
    %jit3A = arith.constant 1.000000e+00 : f32
    %jit3A_27 = arith.constant 0.000000e+00 : f32
    %broadcast_in_dim3A = vector.broadcast %jit3A : f32 to vector<2x64xf32>
    %broadcast_in_dim3A_28 = vector.broadcast %jit3A_27 : f32 to vector<2x64xf32>
    %select_n3A = arith.select %eq3A_26, %broadcast_in_dim3A, %broadcast_in_dim3A_28 : vector<2x64xi1>, vector<2x64xf32>
    %iota3A_29 = tpu.iota {dimensions = array<i32: 1>} : vector<2x128xi32>
    %lt3A_30 = arith.constant 64 : i32
    %lt3A_31 = vector.broadcast %lt3A_30 : i32 to vector<2x128xi32>
    %lt3A_32 = arith.cmpi slt, %iota3A_29, %lt3A_31 : vector<2x128xi32>
    %iota3A_33 = tpu.iota {dimensions = array<i32: 0>} : vector<2x128xi32>
    %eq3A_34 = arith.constant 0 : i32
    %eq3A_35 = vector.broadcast %eq3A_34 : i32 to vector<2x128xi32>
    %eq3A_36 = arith.cmpi eq, %iota3A_33, %eq3A_35 : vector<2x128xi32>
    %eq3A_37 = arith.xori %lt3A_32, %eq3A_36 : vector<2x128xi1>
    %eq3A_38 = arith.constant dense<true> : vector<2x128xi1>
    %eq3A_39 = arith.xori %eq3A_37, %eq3A_38 : vector<2x128xi1>
    %jit3A_40 = arith.constant 1.000000e+00 : f32
    %jit3A_41 = arith.constant 0.000000e+00 : f32
    %broadcast_in_dim3A_42 = vector.broadcast %jit3A_40 : f32 to vector<2x128xf32>
    %broadcast_in_dim3A_43 = vector.broadcast %jit3A_41 : f32 to vector<2x128xf32>
    %select_n3A_44 = arith.select %eq3A_39, %broadcast_in_dim3A_42, %broadcast_in_dim3A_43 : vector<2x128xi1>, vector<2x128xf32>
    %broadcast_in_dim3A_45 = vector.shape_cast %convert_element_type3A_15 : vector<128x2xf32> to vector<1x128x2xf32>
    %broadcast_in_dim3A_46 = vector.shape_cast %broadcast_in_dim3A_45 : vector<1x128x2xf32> to vector<1x128x2xf32>
    %broadcast_in_dim3A_47 = vector.broadcast %broadcast_in_dim3A_46 : vector<1x128x2xf32> to vector<128x128x2xf32>
    %broadcast_in_dim3A_48 = vector.shape_cast %convert_element_type3A_15 : vector<128x2xf32> to vector<1x128x2xf32>
    %broadcast_in_dim3A_49 = vector.shape_cast %broadcast_in_dim3A_48 : vector<1x128x2xf32> to vector<1x128x2xf32>
    %broadcast_in_dim3A_50 = vector.broadcast %broadcast_in_dim3A_49 : vector<1x128x2xf32> to vector<64x128x2xf32>
    %broadcast_in_dim3A_51 = vector.shape_cast %select_n3A : vector<2x64xf32> to vector<1x2x64xf32>
    %broadcast_in_dim3A_52 = vector.shape_cast %broadcast_in_dim3A_51 : vector<1x2x64xf32> to vector<1x2x64xf32>
    %broadcast_in_dim3A_53 = vector.broadcast %broadcast_in_dim3A_52 : vector<1x2x64xf32> to vector<128x2x64xf32>
    %broadcast_in_dim3A_54 = vector.shape_cast %select_n3A_44 : vector<2x128xf32> to vector<1x2x128xf32>
    %broadcast_in_dim3A_55 = vector.shape_cast %broadcast_in_dim3A_54 : vector<1x2x128xf32> to vector<1x2x128xf32>
    %broadcast_in_dim3A_56 = vector.broadcast %broadcast_in_dim3A_55 : vector<1x2x128xf32> to vector<64x2x128xf32>
    %get3A_57 = arith.constant 0 : index
    %get3A_58 = arith.constant 0 : index
    %get3A_59 = arith.constant 0 : index
    %get3A_60 = vector.load %arg1[%get3A_57, %get3A_58, %get3A_59] : memref<128x64x32xf32, #tpu.memory_space<vmem>>, vector<128x64x32xf32>
    %reshape3A = vector.shape_cast %get3A_60 : vector<128x64x32xf32> to vector<8192x32xf32>
    %get3A_61 = arith.constant 0 : index
    %get3A_62 = arith.constant 0 : index
    %get3A_63 = vector.load %arg3[%get3A_61, %get3A_62] : memref<32x64xf32, #tpu.memory_space<vmem>>, vector<32x64xf32>
    %dot_general3A = arith.constant dense<0.000000e+00> : vector<8192x64xf32>
    %dot_general3A_64 = tpu.matmul %reshape3A, %get3A_63, %dot_general3A {dimension_numbers = #tpu.dot_dimension_numbers<[1], [0], [0], [1], [0, 0, 1, 1], [], []>, transpose_lhs_hint = false} : vector<8192x32xf32>, vector<32x64xf32>, vector<8192x64xf32> -> vector<8192x64xf32>
    %get3A_65 = arith.constant 0 : index
    %get3A_66 = arith.constant 0 : index
    %get3A_67 = vector.load %arg4[%get3A_65, %get3A_66] : memref<1x64xf32, #tpu.memory_space<vmem>>, vector<1x64xf32>
    %add3A_68 = vector.broadcast %get3A_67 : vector<1x64xf32> to vector<8192x64xf32>
    %add3A_69 = arith.addf %dot_general3A_64, %add3A_68 : vector<8192x64xf32>
    %mul3A = arith.constant 5.000000e-01 : f32
    %mul3A_70 = vector.broadcast %mul3A : f32 to vector<8192x64xf32>
    %mul3A_71 = arith.mulf %mul3A_70, %add3A_69 : vector<8192x64xf32>
    %mul3A_72 = arith.constant 0.707106769 : f32
    %mul3A_73 = vector.broadcast %mul3A_72 : f32 to vector<8192x64xf32>
    %mul3A_74 = arith.mulf %add3A_69, %mul3A_73 : vector<8192x64xf32>
    %erf3A = math.erf %mul3A_74 : vector<8192x64xf32>
    %add3A_75 = arith.constant 1.000000e+00 : f32
    %add3A_76 = vector.broadcast %add3A_75 : f32 to vector<8192x64xf32>
    %add3A_77 = arith.addf %add3A_76, %erf3A : vector<8192x64xf32>
    %mul3A_78 = arith.mulf %mul3A_71, %add3A_77 : vector<8192x64xf32>
    %get3A_79 = arith.constant 0 : index
    %get3A_80 = arith.constant 0 : index
    %get3A_81 = vector.load %arg5[%get3A_79, %get3A_80] : memref<64x132xf32, #tpu.memory_space<vmem>>, vector<64x132xf32>
    %dot_general3A_82 = arith.constant dense<0.000000e+00> : vector<8192x132xf32>
    %dot_general3A_83 = tpu.matmul %mul3A_78, %get3A_81, %dot_general3A_82 {dimension_numbers = #tpu.dot_dimension_numbers<[1], [0], [0], [1], [0, 0, 1, 1], [], []>, transpose_lhs_hint = false} : vector<8192x64xf32>, vector<64x132xf32>, vector<8192x132xf32> -> vector<8192x132xf32>
    %reshape3A_84 = vector.shape_cast %dot_general3A_83 : vector<8192x132xf32> to vector<128x64x132xf32>
    %slice3A = vector.extract_strided_slice %reshape3A_84 {offsets = [0, 0, 0], sizes = [128, 64, 64], strides = [1, 1, 1]} : vector<128x64x132xf32> to vector<128x64x64xf32>
    %slice3A_85 = vector.extract_strided_slice %reshape3A_84 {offsets = [0, 0, 64], sizes = [128, 64, 64], strides = [1, 1, 1]} : vector<128x64x132xf32> to vector<128x64x64xf32>
    %concatenate3A_86 = tpu.concatenate %slice3A, %slice3A_85 in 1 : vector<128x64x64xf32>, vector<128x64x64xf32> -> vector<128x128x64xf32>
    %slice3A_87 = vector.extract_strided_slice %reshape3A_84 {offsets = [0, 0, 128], sizes = [128, 64, 4], strides = [1, 1, 1]} : vector<128x64x132xf32> to vector<128x64x4xf32>
    %transpose3A = tpu.transpose %slice3A_87, [0, 2, 1] : vector<128x64x4xf32> -> vector<128x4x64xf32>
    %reduce_max3A = arith.constant dense<0xFF800000> : vector<128x4xf32>
    %reduce_max3A_88 = vector.multi_reduction <maximumf>, %transpose3A, %reduce_max3A [2] : vector<128x4x64xf32> to vector<128x4xf32>
    %broadcast_in_dim3A_89 = vector.shape_cast %reduce_max3A_88 : vector<128x4xf32> to vector<128x4x1xf32>
    %slice3A_90 = vector.extract_strided_slice %broadcast_in_dim3A_89 {offsets = [0, 0, 0], sizes = [128, 2, 1], strides = [1, 1, 1]} : vector<128x4x1xf32> to vector<128x2x1xf32>
    %reduce_max3A_91 = arith.constant dense<0xFF800000> : vector<128x1xf32>
    %reduce_max3A_92 = vector.multi_reduction <maximumf>, %slice3A_90, %reduce_max3A_91 [1] : vector<128x2x1xf32> to vector<128x1xf32>
    %broadcast_in_dim3A_93 = vector.shape_cast %reduce_max3A_92 : vector<128x1xf32> to vector<128x1x1xf32>
    %slice3A_94 = vector.extract_strided_slice %broadcast_in_dim3A_89 {offsets = [0, 2, 0], sizes = [128, 2, 1], strides = [1, 1, 1]} : vector<128x4x1xf32> to vector<128x2x1xf32>
    %reduce_max3A_95 = arith.constant dense<0xFF800000> : vector<128x1xf32>
    %reduce_max3A_96 = vector.multi_reduction <maximumf>, %slice3A_94, %reduce_max3A_95 [1] : vector<128x2x1xf32> to vector<128x1xf32>
    %broadcast_in_dim3A_97 = vector.shape_cast %reduce_max3A_96 : vector<128x1xf32> to vector<128x1x1xf32>
    %add3A_98 = arith.addf %broadcast_in_dim3A_93, %broadcast_in_dim3A_97 : vector<128x1x1xf32>
    %mul3A_99 = arith.constant 2.000000e-01 : f32
    %mul3A_100 = vector.broadcast %mul3A_99 : f32 to vector<128x1x1xf32>
    %mul3A_101 = arith.mulf %mul3A_100, %add3A_98 : vector<128x1x1xf32>
    %max3A = arith.maximumf %add3A_98, %mul3A_101 : vector<128x1x1xf32>
    %broadcast_in_dim3A_102 = arith.constant 1.000000e+00 : f32
    %broadcast_in_dim3A_103 = vector.broadcast %broadcast_in_dim3A_102 : f32 to vector<128x64x1xf32>
    %slice3A_104 = vector.extract_strided_slice %slice3A_87 {offsets = [0, 0, 2], sizes = [128, 64, 2], strides = [1, 1, 1]} : vector<128x64x4xf32> to vector<128x64x2xf32>
    %concatenate3A_105 = tpu.concatenate %broadcast_in_dim3A_103, %slice3A_104 in 2 : vector<128x64x1xf32>, vector<128x64x2xf32> -> vector<128x64x3xf32>
    %slice3A_106 = vector.extract_strided_slice %slice3A_87 {offsets = [0, 0, 0], sizes = [128, 64, 1], strides = [1, 1, 1]} : vector<128x64x4xf32> to vector<128x64x1xf32>
    %slice3A_107 = vector.extract_strided_slice %slice3A_87 {offsets = [0, 0, 1], sizes = [128, 64, 1], strides = [1, 1, 1]} : vector<128x64x4xf32> to vector<128x64x1xf32>
    %concatenate3A_108 = tpu.concatenate %slice3A_106, %slice3A_107 in 1 : vector<128x64x1xf32>, vector<128x64x1xf32> -> vector<128x128x1xf32>
    %concatenate3A_109 = tpu.concatenate %concatenate3A_108, %broadcast_in_dim3A_47 in 2 : vector<128x128x1xf32>, vector<128x128x2xf32> -> vector<128x128x3xf32>
    %dot_general3A_110 = arith.constant dense<0.000000e+00> : vector<128x64x128xf32>
    %dot_general3A_111 = tpu.matmul %concatenate3A_105, %concatenate3A_109, %dot_general3A_110 {dimension_numbers = #tpu.dot_dimension_numbers<[2], [2], [1], [1], [0, 0, 0, 1, 1, 1], [0], [0]>, transpose_lhs_hint = false} : vector<128x64x3xf32>, vector<128x128x3xf32>, vector<128x64x128xf32> -> vector<128x64x128xf32>
    %mul3A_112 = arith.constant 2.000000e-01 : f32
    %mul3A_113 = vector.broadcast %mul3A_112 : f32 to vector<128x64x128xf32>
    %mul3A_114 = arith.mulf %mul3A_113, %dot_general3A_111 : vector<128x64x128xf32>
    %max3A_115 = arith.maximumf %dot_general3A_111, %mul3A_114 : vector<128x64x128xf32>
    %sub3A = vector.broadcast %max3A : vector<128x1x1xf32> to vector<128x64x128xf32>
    %sub3A_116 = arith.subf %max3A_115, %sub3A : vector<128x64x128xf32>
    %exp3A = math.exp %sub3A_116 : vector<128x64x128xf32>
    %broadcast_in_dim3A_117 = vector.shape_cast %concatenate3A : vector<64x128xf32> to vector<1x64x128xf32>
    %mul3A_118 = vector.broadcast %broadcast_in_dim3A_117 : vector<1x64x128xf32> to vector<128x64x128xf32>
    %mul3A_119 = arith.mulf %mul3A_118, %exp3A : vector<128x64x128xf32>
    %dot_general3A_120 = arith.constant dense<0.000000e+00> : vector<128x64x2xf32>
    %dot_general3A_121 = tpu.matmul %mul3A_119, %broadcast_in_dim3A_47, %dot_general3A_120 {dimension_numbers = #tpu.dot_dimension_numbers<[2], [1], [1], [2], [0, 0, 0, 1, 1, 2], [0], [0]>, transpose_lhs_hint = false} : vector<128x64x128xf32>, vector<128x128x2xf32>, vector<128x64x2xf32> -> vector<128x64x2xf32>
    %dot_general3A_122 = arith.constant dense<0.000000e+00> : vector<128x64x64xf32>
    %dot_general3A_123 = tpu.matmul %mul3A_119, %concatenate3A_86, %dot_general3A_122 {dimension_numbers = #tpu.dot_dimension_numbers<[2], [1], [1], [2], [0, 0, 0, 1, 1, 2], [0], [0]>, transpose_lhs_hint = false} : vector<128x64x128xf32>, vector<128x128x64xf32>, vector<128x64x64xf32> -> vector<128x64x64xf32>
    %dot_general3A_124 = arith.constant dense<0.000000e+00> : vector<128x64x64xf32>
    %dot_general3A_125 = tpu.matmul %dot_general3A_121, %broadcast_in_dim3A_53, %dot_general3A_124 {dimension_numbers = #tpu.dot_dimension_numbers<[2], [1], [1], [2], [0, 0, 0, 1, 1, 2], [0], [0]>, transpose_lhs_hint = false} : vector<128x64x2xf32>, vector<128x2x64xf32>, vector<128x64x64xf32> -> vector<128x64x64xf32>
    %div3A = arith.divf %dot_general3A_123, %dot_general3A_125 : vector<128x64x64xf32>
    %reshape3A_126 = vector.shape_cast %div3A : vector<128x64x64xf32> to vector<8192x64xf32>
    %get3A_127 = arith.constant 0 : index
    %get3A_128 = arith.constant 0 : index
    %get3A_129 = vector.load %arg6[%get3A_127, %get3A_128] : memref<1x64xf32, #tpu.memory_space<vmem>>, vector<1x64xf32>
    %mul3A_130 = vector.broadcast %get3A_129 : vector<1x64xf32> to vector<8192x64xf32>
    %mul3A_131 = arith.mulf %reshape3A_126, %mul3A_130 : vector<8192x64xf32>
    %get3A_132 = arith.constant 0 : index
    %get3A_133 = arith.constant 0 : index
    %get3A_134 = vector.load %arg7[%get3A_132, %get3A_133] : memref<1x64xf32, #tpu.memory_space<vmem>>, vector<1x64xf32>
    %add3A_135 = vector.broadcast %get3A_134 : vector<1x64xf32> to vector<8192x64xf32>
    %add3A_136 = arith.addf %mul3A_131, %add3A_135 : vector<8192x64xf32>
    %mul3A_137 = arith.constant 5.000000e-01 : f32
    %mul3A_138 = vector.broadcast %mul3A_137 : f32 to vector<8192x64xf32>
    %mul3A_139 = arith.mulf %mul3A_138, %add3A_136 : vector<8192x64xf32>
    %mul3A_140 = arith.constant 0.707106769 : f32
    %mul3A_141 = vector.broadcast %mul3A_140 : f32 to vector<8192x64xf32>
    %mul3A_142 = arith.mulf %add3A_136, %mul3A_141 : vector<8192x64xf32>
    %erf3A_143 = math.erf %mul3A_142 : vector<8192x64xf32>
    %add3A_144 = arith.constant 1.000000e+00 : f32
    %add3A_145 = vector.broadcast %add3A_144 : f32 to vector<8192x64xf32>
    %add3A_146 = arith.addf %add3A_145, %erf3A_143 : vector<8192x64xf32>
    %mul3A_147 = arith.mulf %mul3A_139, %add3A_146 : vector<8192x64xf32>
    %get3A_148 = arith.constant 0 : index
    %get3A_149 = arith.constant 0 : index
    %get3A_150 = vector.load %arg8[%get3A_148, %get3A_149] : memref<64x132xf32, #tpu.memory_space<vmem>>, vector<64x132xf32>
    %dot_general3A_151 = arith.constant dense<0.000000e+00> : vector<8192x132xf32>
    %dot_general3A_152 = tpu.matmul %mul3A_147, %get3A_150, %dot_general3A_151 {dimension_numbers = #tpu.dot_dimension_numbers<[1], [0], [0], [1], [0, 0, 1, 1], [], []>, transpose_lhs_hint = false} : vector<8192x64xf32>, vector<64x132xf32>, vector<8192x132xf32> -> vector<8192x132xf32>
    %reshape3A_153 = vector.shape_cast %dot_general3A_152 : vector<8192x132xf32> to vector<128x64x132xf32>
    %slice3A_154 = vector.extract_strided_slice %reshape3A_153 {offsets = [0, 0, 0], sizes = [128, 64, 64], strides = [1, 1, 1]} : vector<128x64x132xf32> to vector<128x64x64xf32>
    %slice3A_155 = vector.extract_strided_slice %reshape3A_153 {offsets = [0, 0, 64], sizes = [128, 64, 64], strides = [1, 1, 1]} : vector<128x64x132xf32> to vector<128x64x64xf32>
    %concatenate3A_156 = tpu.concatenate %slice3A_154, %slice3A_155 in 1 : vector<128x64x64xf32>, vector<128x64x64xf32> -> vector<128x128x64xf32>
    %slice3A_157 = vector.extract_strided_slice %reshape3A_153 {offsets = [0, 0, 128], sizes = [128, 64, 4], strides = [1, 1, 1]} : vector<128x64x132xf32> to vector<128x64x4xf32>
    %transpose3A_158 = tpu.transpose %slice3A_157, [0, 2, 1] : vector<128x64x4xf32> -> vector<128x4x64xf32>
    %reduce_max3A_159 = arith.constant dense<0xFF800000> : vector<128x4xf32>
    %reduce_max3A_160 = vector.multi_reduction <maximumf>, %transpose3A_158, %reduce_max3A_159 [2] : vector<128x4x64xf32> to vector<128x4xf32>
    %broadcast_in_dim3A_161 = vector.shape_cast %reduce_max3A_160 : vector<128x4xf32> to vector<128x4x1xf32>
    %slice3A_162 = vector.extract_strided_slice %broadcast_in_dim3A_161 {offsets = [0, 0, 0], sizes = [128, 2, 1], strides = [1, 1, 1]} : vector<128x4x1xf32> to vector<128x2x1xf32>
    %reduce_max3A_163 = arith.constant dense<0xFF800000> : vector<128x1xf32>
    %reduce_max3A_164 = vector.multi_reduction <maximumf>, %slice3A_162, %reduce_max3A_163 [1] : vector<128x2x1xf32> to vector<128x1xf32>
    %broadcast_in_dim3A_165 = vector.shape_cast %reduce_max3A_164 : vector<128x1xf32> to vector<128x1x1xf32>
    %slice3A_166 = vector.extract_strided_slice %broadcast_in_dim3A_161 {offsets = [0, 2, 0], sizes = [128, 2, 1], strides = [1, 1, 1]} : vector<128x4x1xf32> to vector<128x2x1xf32>
    %reduce_max3A_167 = arith.constant dense<0xFF800000> : vector<128x1xf32>
    %reduce_max3A_168 = vector.multi_reduction <maximumf>, %slice3A_166, %reduce_max3A_167 [1] : vector<128x2x1xf32> to vector<128x1xf32>
    %broadcast_in_dim3A_169 = vector.shape_cast %reduce_max3A_168 : vector<128x1xf32> to vector<128x1x1xf32>
    %add3A_170 = arith.addf %broadcast_in_dim3A_165, %broadcast_in_dim3A_169 : vector<128x1x1xf32>
    %mul3A_171 = arith.constant 2.000000e-01 : f32
    %mul3A_172 = vector.broadcast %mul3A_171 : f32 to vector<128x1x1xf32>
    %mul3A_173 = arith.mulf %mul3A_172, %add3A_170 : vector<128x1x1xf32>
    %max3A_174 = arith.maximumf %add3A_170, %mul3A_173 : vector<128x1x1xf32>
    %broadcast_in_dim3A_175 = arith.constant 1.000000e+00 : f32
    %broadcast_in_dim3A_176 = vector.broadcast %broadcast_in_dim3A_175 : f32 to vector<128x64x1xf32>
    %slice3A_177 = vector.extract_strided_slice %slice3A_157 {offsets = [0, 0, 2], sizes = [128, 64, 2], strides = [1, 1, 1]} : vector<128x64x4xf32> to vector<128x64x2xf32>
    %concatenate3A_178 = tpu.concatenate %broadcast_in_dim3A_176, %slice3A_177 in 2 : vector<128x64x1xf32>, vector<128x64x2xf32> -> vector<128x64x3xf32>
    %slice3A_179 = vector.extract_strided_slice %slice3A_157 {offsets = [0, 0, 0], sizes = [128, 64, 1], strides = [1, 1, 1]} : vector<128x64x4xf32> to vector<128x64x1xf32>
    %slice3A_180 = vector.extract_strided_slice %slice3A_157 {offsets = [0, 0, 1], sizes = [128, 64, 1], strides = [1, 1, 1]} : vector<128x64x4xf32> to vector<128x64x1xf32>
    %concatenate3A_181 = tpu.concatenate %slice3A_179, %slice3A_180 in 1 : vector<128x64x1xf32>, vector<128x64x1xf32> -> vector<128x128x1xf32>
    %concatenate3A_182 = tpu.concatenate %concatenate3A_181, %broadcast_in_dim3A_47 in 2 : vector<128x128x1xf32>, vector<128x128x2xf32> -> vector<128x128x3xf32>
    %dot_general3A_183 = arith.constant dense<0.000000e+00> : vector<128x64x128xf32>
    %dot_general3A_184 = tpu.matmul %concatenate3A_178, %concatenate3A_182, %dot_general3A_183 {dimension_numbers = #tpu.dot_dimension_numbers<[2], [2], [1], [1], [0, 0, 0, 1, 1, 1], [0], [0]>, transpose_lhs_hint = false} : vector<128x64x3xf32>, vector<128x128x3xf32>, vector<128x64x128xf32> -> vector<128x64x128xf32>
    %mul3A_185 = arith.constant 2.000000e-01 : f32
    %mul3A_186 = vector.broadcast %mul3A_185 : f32 to vector<128x64x128xf32>
    %mul3A_187 = arith.mulf %mul3A_186, %dot_general3A_184 : vector<128x64x128xf32>
    %max3A_188 = arith.maximumf %dot_general3A_184, %mul3A_187 : vector<128x64x128xf32>
    %sub3A_189 = vector.broadcast %max3A_174 : vector<128x1x1xf32> to vector<128x64x128xf32>
    %sub3A_190 = arith.subf %max3A_188, %sub3A_189 : vector<128x64x128xf32>
    %exp3A_191 = math.exp %sub3A_190 : vector<128x64x128xf32>
    %broadcast_in_dim3A_192 = vector.shape_cast %concatenate3A : vector<64x128xf32> to vector<1x64x128xf32>
    %mul3A_193 = vector.broadcast %broadcast_in_dim3A_192 : vector<1x64x128xf32> to vector<128x64x128xf32>
    %mul3A_194 = arith.mulf %mul3A_193, %exp3A_191 : vector<128x64x128xf32>
    %dot_general3A_195 = arith.constant dense<0.000000e+00> : vector<128x64x2xf32>
    %dot_general3A_196 = tpu.matmul %mul3A_194, %broadcast_in_dim3A_47, %dot_general3A_195 {dimension_numbers = #tpu.dot_dimension_numbers<[2], [1], [1], [2], [0, 0, 0, 1, 1, 2], [0], [0]>, transpose_lhs_hint = false} : vector<128x64x128xf32>, vector<128x128x2xf32>, vector<128x64x2xf32> -> vector<128x64x2xf32>
    %dot_general3A_197 = arith.constant dense<0.000000e+00> : vector<128x64x64xf32>
    %dot_general3A_198 = tpu.matmul %mul3A_194, %concatenate3A_156, %dot_general3A_197 {dimension_numbers = #tpu.dot_dimension_numbers<[2], [1], [1], [2], [0, 0, 0, 1, 1, 2], [0], [0]>, transpose_lhs_hint = false} : vector<128x64x128xf32>, vector<128x128x64xf32>, vector<128x64x64xf32> -> vector<128x64x64xf32>
    %dot_general3A_199 = arith.constant dense<0.000000e+00> : vector<128x64x64xf32>
    %dot_general3A_200 = tpu.matmul %dot_general3A_196, %broadcast_in_dim3A_53, %dot_general3A_199 {dimension_numbers = #tpu.dot_dimension_numbers<[2], [1], [1], [2], [0, 0, 0, 1, 1, 2], [0], [0]>, transpose_lhs_hint = false} : vector<128x64x2xf32>, vector<128x2x64xf32>, vector<128x64x64xf32> -> vector<128x64x64xf32>
    %div3A_201 = arith.divf %dot_general3A_198, %dot_general3A_200 : vector<128x64x64xf32>
    %reshape3A_202 = vector.shape_cast %div3A_201 : vector<128x64x64xf32> to vector<8192x64xf32>
    %get3A_203 = arith.constant 0 : index
    %get3A_204 = arith.constant 0 : index
    %get3A_205 = vector.load %arg9[%get3A_203, %get3A_204] : memref<1x64xf32, #tpu.memory_space<vmem>>, vector<1x64xf32>
    %mul3A_206 = vector.broadcast %get3A_205 : vector<1x64xf32> to vector<8192x64xf32>
    %mul3A_207 = arith.mulf %reshape3A_202, %mul3A_206 : vector<8192x64xf32>
    %get3A_208 = arith.constant 0 : index
    %get3A_209 = arith.constant 0 : index
    %get3A_210 = vector.load %arg10[%get3A_208, %get3A_209] : memref<1x64xf32, #tpu.memory_space<vmem>>, vector<1x64xf32>
    %add3A_211 = vector.broadcast %get3A_210 : vector<1x64xf32> to vector<8192x64xf32>
    %add3A_212 = arith.addf %mul3A_207, %add3A_211 : vector<8192x64xf32>
    %mul3A_213 = arith.constant 5.000000e-01 : f32
    %mul3A_214 = vector.broadcast %mul3A_213 : f32 to vector<8192x64xf32>
    %mul3A_215 = arith.mulf %mul3A_214, %add3A_212 : vector<8192x64xf32>
    %mul3A_216 = arith.constant 0.707106769 : f32
    %mul3A_217 = vector.broadcast %mul3A_216 : f32 to vector<8192x64xf32>
    %mul3A_218 = arith.mulf %add3A_212, %mul3A_217 : vector<8192x64xf32>
    %erf3A_219 = math.erf %mul3A_218 : vector<8192x64xf32>
    %add3A_220 = arith.constant 1.000000e+00 : f32
    %add3A_221 = vector.broadcast %add3A_220 : f32 to vector<8192x64xf32>
    %add3A_222 = arith.addf %add3A_221, %erf3A_219 : vector<8192x64xf32>
    %mul3A_223 = arith.mulf %mul3A_215, %add3A_222 : vector<8192x64xf32>
    %get3A_224 = arith.constant 0 : index
    %get3A_225 = arith.constant 0 : index
    %get3A_226 = vector.load %arg11[%get3A_224, %get3A_225] : memref<64x130xf32, #tpu.memory_space<vmem>>, vector<64x130xf32>
    %dot_general3A_227 = arith.constant dense<0.000000e+00> : vector<8192x130xf32>
    %dot_general3A_228 = tpu.matmul %mul3A_223, %get3A_226, %dot_general3A_227 {dimension_numbers = #tpu.dot_dimension_numbers<[1], [0], [0], [1], [0, 0, 1, 1], [], []>, transpose_lhs_hint = false} : vector<8192x64xf32>, vector<64x130xf32>, vector<8192x130xf32> -> vector<8192x130xf32>
    %reshape3A_229 = vector.shape_cast %dot_general3A_228 : vector<8192x130xf32> to vector<128x64x130xf32>
    %slice3A_230 = vector.extract_strided_slice %reshape3A_229 {offsets = [0, 0, 0], sizes = [128, 64, 128], strides = [1, 1, 1]} : vector<128x64x130xf32> to vector<128x64x128xf32>
    %slice3A_231 = vector.extract_strided_slice %reshape3A_229 {offsets = [0, 0, 128], sizes = [128, 64, 1], strides = [1, 1, 1]} : vector<128x64x130xf32> to vector<128x64x1xf32>
    %slice3A_232 = vector.extract_strided_slice %reshape3A_229 {offsets = [0, 0, 129], sizes = [128, 64, 1], strides = [1, 1, 1]} : vector<128x64x130xf32> to vector<128x64x1xf32>
    %slice3A_233 = vector.extract_strided_slice %slice3A_231 {offsets = [0, 0, 0], sizes = [64, 64, 1], strides = [1, 1, 1]} : vector<128x64x1xf32> to vector<64x64x1xf32>
    %slice3A_234 = vector.extract_strided_slice %slice3A_231 {offsets = [64, 0, 0], sizes = [64, 64, 1], strides = [1, 1, 1]} : vector<128x64x1xf32> to vector<64x64x1xf32>
    %slice3A_235 = vector.extract_strided_slice %slice3A_232 {offsets = [0, 0, 0], sizes = [64, 64, 1], strides = [1, 1, 1]} : vector<128x64x1xf32> to vector<64x64x1xf32>
    %slice3A_236 = vector.extract_strided_slice %slice3A_232 {offsets = [64, 0, 0], sizes = [64, 64, 1], strides = [1, 1, 1]} : vector<128x64x1xf32> to vector<64x64x1xf32>
    %concatenate3A_237 = tpu.concatenate %slice3A_233, %slice3A_234, %slice3A_235, %slice3A_236 in 2 : vector<64x64x1xf32>, vector<64x64x1xf32>, vector<64x64x1xf32>, vector<64x64x1xf32> -> vector<64x64x4xf32>
    %transpose3A_238 = tpu.transpose %concatenate3A_237, [0, 2, 1] : vector<64x64x4xf32> -> vector<64x4x64xf32>
    %reduce_max3A_239 = arith.constant dense<0xFF800000> : vector<64x4xf32>
    %reduce_max3A_240 = vector.multi_reduction <maximumf>, %transpose3A_238, %reduce_max3A_239 [2] : vector<64x4x64xf32> to vector<64x4xf32>
    %broadcast_in_dim3A_241 = vector.shape_cast %reduce_max3A_240 : vector<64x4xf32> to vector<64x4x1xf32>
    %slice3A_242 = vector.extract_strided_slice %broadcast_in_dim3A_241 {offsets = [0, 0, 0], sizes = [64, 2, 1], strides = [1, 1, 1]} : vector<64x4x1xf32> to vector<64x2x1xf32>
    %reduce_max3A_243 = arith.constant dense<0xFF800000> : vector<64x1xf32>
    %reduce_max3A_244 = vector.multi_reduction <maximumf>, %slice3A_242, %reduce_max3A_243 [1] : vector<64x2x1xf32> to vector<64x1xf32>
    %broadcast_in_dim3A_245 = vector.shape_cast %reduce_max3A_244 : vector<64x1xf32> to vector<64x1x1xf32>
    %slice3A_246 = vector.extract_strided_slice %broadcast_in_dim3A_241 {offsets = [0, 2, 0], sizes = [64, 2, 1], strides = [1, 1, 1]} : vector<64x4x1xf32> to vector<64x2x1xf32>
    %reduce_max3A_247 = arith.constant dense<0xFF800000> : vector<64x1xf32>
    %reduce_max3A_248 = vector.multi_reduction <maximumf>, %slice3A_246, %reduce_max3A_247 [1] : vector<64x2x1xf32> to vector<64x1xf32>
    %broadcast_in_dim3A_249 = vector.shape_cast %reduce_max3A_248 : vector<64x1xf32> to vector<64x1x1xf32>
    %add3A_250 = arith.addf %broadcast_in_dim3A_245, %broadcast_in_dim3A_249 : vector<64x1x1xf32>
    %mul3A_251 = arith.constant 2.000000e-01 : f32
    %mul3A_252 = vector.broadcast %mul3A_251 : f32 to vector<64x1x1xf32>
    %mul3A_253 = arith.mulf %mul3A_252, %add3A_250 : vector<64x1x1xf32>
    %max3A_254 = arith.maximumf %add3A_250, %mul3A_253 : vector<64x1x1xf32>
    %broadcast_in_dim3A_255 = arith.constant 1.000000e+00 : f32
    %broadcast_in_dim3A_256 = vector.broadcast %broadcast_in_dim3A_255 : f32 to vector<64x64x1xf32>
    %slice3A_257 = vector.extract_strided_slice %concatenate3A_237 {offsets = [0, 0, 2], sizes = [64, 64, 2], strides = [1, 1, 1]} : vector<64x64x4xf32> to vector<64x64x2xf32>
    %concatenate3A_258 = tpu.concatenate %broadcast_in_dim3A_256, %slice3A_257 in 2 : vector<64x64x1xf32>, vector<64x64x2xf32> -> vector<64x64x3xf32>
    %slice3A_259 = vector.extract_strided_slice %slice3A_231 {offsets = [0, 0, 0], sizes = [64, 64, 1], strides = [1, 1, 1]} : vector<128x64x1xf32> to vector<64x64x1xf32>
    %slice3A_260 = vector.extract_strided_slice %slice3A_231 {offsets = [64, 0, 0], sizes = [64, 64, 1], strides = [1, 1, 1]} : vector<128x64x1xf32> to vector<64x64x1xf32>
    %concatenate3A_261 = tpu.concatenate %slice3A_259, %slice3A_260 in 1 : vector<64x64x1xf32>, vector<64x64x1xf32> -> vector<64x128x1xf32>
    %concatenate3A_262 = tpu.concatenate %concatenate3A_261, %broadcast_in_dim3A_50 in 2 : vector<64x128x1xf32>, vector<64x128x2xf32> -> vector<64x128x3xf32>
    %dot_general3A_263 = arith.constant dense<0.000000e+00> : vector<64x64x128xf32>
    %dot_general3A_264 = tpu.matmul %concatenate3A_258, %concatenate3A_262, %dot_general3A_263 {dimension_numbers = #tpu.dot_dimension_numbers<[2], [2], [1], [1], [0, 0, 0, 1, 1, 1], [0], [0]>, transpose_lhs_hint = false} : vector<64x64x3xf32>, vector<64x128x3xf32>, vector<64x64x128xf32> -> vector<64x64x128xf32>
    %mul3A_265 = arith.constant 2.000000e-01 : f32
    %mul3A_266 = vector.broadcast %mul3A_265 : f32 to vector<64x64x128xf32>
    %mul3A_267 = arith.mulf %mul3A_266, %dot_general3A_264 : vector<64x64x128xf32>
    %max3A_268 = arith.maximumf %dot_general3A_264, %mul3A_267 : vector<64x64x128xf32>
    %sub3A_269 = vector.broadcast %max3A_254 : vector<64x1x1xf32> to vector<64x64x128xf32>
    %sub3A_270 = arith.subf %max3A_268, %sub3A_269 : vector<64x64x128xf32>
    %exp3A_271 = math.exp %sub3A_270 : vector<64x64x128xf32>
    %broadcast_in_dim3A_272 = vector.shape_cast %concatenate3A : vector<64x128xf32> to vector<1x64x128xf32>
    %mul3A_273 = vector.broadcast %broadcast_in_dim3A_272 : vector<1x64x128xf32> to vector<64x64x128xf32>
    %mul3A_274 = arith.mulf %mul3A_273, %exp3A_271 : vector<64x64x128xf32>
    %dot_general3A_275 = arith.constant dense<0.000000e+00> : vector<64x64x2xf32>
    %dot_general3A_276 = tpu.matmul %mul3A_274, %broadcast_in_dim3A_50, %dot_general3A_275 {dimension_numbers = #tpu.dot_dimension_numbers<[2], [1], [1], [2], [0, 0, 0, 1, 1, 2], [0], [0]>, transpose_lhs_hint = false} : vector<64x64x128xf32>, vector<64x128x2xf32>, vector<64x64x2xf32> -> vector<64x64x2xf32>
    %dot_general3A_277 = arith.constant dense<0.000000e+00> : vector<64x64x128xf32>
    %dot_general3A_278 = tpu.matmul %dot_general3A_276, %broadcast_in_dim3A_56, %dot_general3A_277 {dimension_numbers = #tpu.dot_dimension_numbers<[2], [1], [1], [2], [0, 0, 0, 1, 1, 2], [0], [0]>, transpose_lhs_hint = false} : vector<64x64x2xf32>, vector<64x2x128xf32>, vector<64x64x128xf32> -> vector<64x64x128xf32>
    %div3A_279 = arith.divf %mul3A_274, %dot_general3A_278 : vector<64x64x128xf32>
    %slice3A_280 = vector.extract_strided_slice %div3A_279 {offsets = [0, 0, 0], sizes = [64, 64, 64], strides = [1, 1, 1]} : vector<64x64x128xf32> to vector<64x64x64xf32>
    %slice3A_281 = vector.extract_strided_slice %slice3A_230 {offsets = [0, 0, 0], sizes = [64, 64, 128], strides = [1, 1, 1]} : vector<128x64x128xf32> to vector<64x64x128xf32>
    %dot_general3A_282 = arith.constant dense<0.000000e+00> : vector<64x64x128xf32>
    %dot_general3A_283 = tpu.matmul %slice3A_280, %slice3A_281, %dot_general3A_282 {dimension_numbers = #tpu.dot_dimension_numbers<[2], [1], [1], [2], [0, 0, 0, 1, 1, 2], [0], [0]>, transpose_lhs_hint = false} : vector<64x64x64xf32>, vector<64x64x128xf32>, vector<64x64x128xf32> -> vector<64x64x128xf32>
    %slice3A_284 = vector.extract_strided_slice %div3A_279 {offsets = [0, 0, 64], sizes = [64, 64, 64], strides = [1, 1, 1]} : vector<64x64x128xf32> to vector<64x64x64xf32>
    %slice3A_285 = vector.extract_strided_slice %slice3A_230 {offsets = [64, 0, 0], sizes = [64, 64, 128], strides = [1, 1, 1]} : vector<128x64x128xf32> to vector<64x64x128xf32>
    %dot_general3A_286 = arith.constant dense<0.000000e+00> : vector<64x64x128xf32>
    %dot_general3A_287 = tpu.matmul %slice3A_284, %slice3A_285, %dot_general3A_286 {dimension_numbers = #tpu.dot_dimension_numbers<[2], [1], [1], [2], [0, 0, 0, 1, 1, 2], [0], [0]>, transpose_lhs_hint = false} : vector<64x64x64xf32>, vector<64x64x128xf32>, vector<64x64x128xf32> -> vector<64x64x128xf32>
    %concatenate3A_288 = tpu.concatenate %dot_general3A_283, %dot_general3A_287 in 0 : vector<64x64x128xf32>, vector<64x64x128xf32> -> vector<128x64x128xf32>
    %get3A_289 = arith.constant 0 : index
    %get3A_290 = arith.constant 0 : index
    %get3A_291 = vector.load %arg12[%get3A_289, %get3A_290] : memref<1x128xf32, #tpu.memory_space<vmem>>, vector<1x128xf32>
    %broadcast_in_dim3A_292 = vector.shape_cast %get3A_291 : vector<1x128xf32> to vector<1x1x128xf32>
    %mul3A_293 = vector.broadcast %broadcast_in_dim3A_292 : vector<1x1x128xf32> to vector<128x64x128xf32>
    %mul3A_294 = arith.mulf %concatenate3A_288, %mul3A_293 : vector<128x64x128xf32>
    %get3A_295 = arith.constant 0 : index
    %get3A_296 = arith.constant 0 : index
    %get3A_297 = vector.load %arg13[%get3A_295, %get3A_296] : memref<1x128xf32, #tpu.memory_space<vmem>>, vector<1x128xf32>
    %broadcast_in_dim3A_298 = vector.shape_cast %get3A_297 : vector<1x128xf32> to vector<1x1x128xf32>
    %add3A_299 = vector.broadcast %broadcast_in_dim3A_298 : vector<1x1x128xf32> to vector<128x64x128xf32>
    %add3A_300 = arith.addf %mul3A_294, %add3A_299 : vector<128x64x128xf32>
    %mul3A_301 = arith.constant 5.000000e-01 : f32
    %mul3A_302 = vector.broadcast %mul3A_301 : f32 to vector<128x64x128xf32>
    %mul3A_303 = arith.mulf %mul3A_302, %add3A_300 : vector<128x64x128xf32>
    %mul3A_304 = arith.constant 0.707106769 : f32
    %mul3A_305 = vector.broadcast %mul3A_304 : f32 to vector<128x64x128xf32>
    %mul3A_306 = arith.mulf %add3A_300, %mul3A_305 : vector<128x64x128xf32>
    %erf3A_307 = math.erf %mul3A_306 : vector<128x64x128xf32>
    %add3A_308 = arith.constant 1.000000e+00 : f32
    %add3A_309 = vector.broadcast %add3A_308 : f32 to vector<128x64x128xf32>
    %add3A_310 = arith.addf %add3A_309, %erf3A_307 : vector<128x64x128xf32>
    %mul3A_311 = arith.mulf %mul3A_303, %add3A_310 : vector<128x64x128xf32>
    %reduce_sum3A = arith.constant dense<0.000000e+00> : vector<128x128xf32>
    %reduce_sum3A_312 = vector.multi_reduction <add>, %mul3A_311, %reduce_sum3A [1] : vector<128x64x128xf32> to vector<128x128xf32>
    %div3A_313 = arith.constant 6.400000e+01 : f32
    %div3A_314 = vector.broadcast %div3A_313 : f32 to vector<128x128xf32>
    %div3A_315 = arith.divf %reduce_sum3A_312, %div3A_314 : vector<128x128xf32>
    %swap3A = arith.constant 0 : index
    %swap3A_316 = arith.constant 0 : index
    %swap3A_317 = vector.load %arg14[%swap3A, %swap3A_316] : memref<128x128xf32, #tpu.memory_space<vmem>>, vector<128x128xf32>
    tpu.vector_store %arg14[%swap3A, %swap3A_316], %div3A_315 {strides = array<i32>} : memref<128x128xf32, #tpu.memory_space<vmem>>, vector<128x128xf32>,
    return
  }
  func.func @transform_0(%arg0: i32) -> (i32, i32, i32) {
    %c0_i32 = arith.constant 0 : i32
    %c0_i32_0 = arith.constant 0 : i32
    %c0_i32_1 = arith.constant 0 : i32
    return %arg0, %c0_i32, %c0_i32_0 : i32, i32, i32
  }
  func.func @transform_1(%arg0: i32) -> (i32, i32) {
    %c0_i32 = arith.constant 0 : i32
    %c0_i32_0 = arith.constant 0 : i32
    %c0_i32_1 = arith.constant 0 : i32
    return %c0_i32, %c0_i32_0 : i32, i32
  }
  func.func @transform_2(%arg0: i32) -> (i32, i32) {
    %c0_i32 = arith.constant 0 : i32
    %c0_i32_0 = arith.constant 0 : i32
    %c0_i32_1 = arith.constant 0 : i32
    return %c0_i32, %c0_i32_0 : i32, i32
  }
  func.func @transform_3(%arg0: i32) -> (i32, i32) {
    %c0_i32 = arith.constant 0 : i32
    %c0_i32_0 = arith.constant 0 : i32
    %c0_i32_1 = arith.constant 0 : i32
    return %c0_i32, %c0_i32_0 : i32, i32
  }
  func.func @transform_4(%arg0: i32) -> (i32, i32) {
    %c0_i32 = arith.constant 0 : i32
    %c0_i32_0 = arith.constant 0 : i32
    %c0_i32_1 = arith.constant 0 : i32
    return %c0_i32, %c0_i32_0 : i32, i32
  }
  func.func @transform_5(%arg0: i32) -> (i32, i32) {
    %c0_i32 = arith.constant 0 : i32
    %c0_i32_0 = arith.constant 0 : i32
    %c0_i32_1 = arith.constant 0 : i32
    return %c0_i32, %c0_i32_0 : i32, i32
  }
  func.func @transform_6(%arg0: i32) -> (i32, i32) {
    %c0_i32 = arith.constant 0 : i32
    %c0_i32_0 = arith.constant 0 : i32
    %c0_i32_1 = arith.constant 0 : i32
    return %c0_i32, %c0_i32_0 : i32, i32
  }
  func.func @transform_7(%arg0: i32) -> (i32, i32) {
    %c0_i32 = arith.constant 0 : i32
    %c0_i32_0 = arith.constant 0 : i32
    %c0_i32_1 = arith.constant 0 : i32
    return %c0_i32, %c0_i32_0 : i32, i32
  }
  func.func @transform_8(%arg0: i32) -> (i32, i32) {
    %c0_i32 = arith.constant 0 : i32
    %c0_i32_0 = arith.constant 0 : i32
    %c0_i32_1 = arith.constant 0 : i32
    return %c0_i32, %c0_i32_0 : i32, i32
  }
  func.func @transform_9(%arg0: i32) -> (i32, i32) {
    %c0_i32 = arith.constant 0 : i32
    %c0_i32_0 = arith.constant 0 : i32
    %c0_i32_1 = arith.constant 0 : i32
    return %c0_i32, %c0_i32_0 : i32, i32
  }
  func.func @transform_10(%arg0: i32) -> (i32, i32) {
    %c0_i32 = arith.constant 0 : i32
    %c0_i32_0 = arith.constant 0 : i32
    %c0_i32_1 = arith.constant 0 : i32
    return %c0_i32, %c0_i32_0 : i32, i32
  }
  func.func @transform_11(%arg0: i32) -> (i32, i32) {
    %c0_i32 = arith.constant 0 : i32
    %c0_i32_0 = arith.constant 0 : i32
    %c0_i32_1 = arith.constant 0 : i32
    return %c0_i32, %c0_i32_0 : i32, i32
  }
  func.func @transform_12(%arg0: i32) -> (i32, i32) {
    %c0_i32 = arith.constant 0 : i32
    %c0_i32_0 = arith.constant 0 : i32
    %c0_i32_1 = arith.constant 0 : i32
    return %c0_i32, %c0_i32_0 : i32, i32
  }
  func.func @transform_13(%arg0: i32) -> (i32, i32) {
    %c0_i32 = arith.constant 0 : i32
    %c0_i32_0 = arith.constant 0 : i32
    return %arg0, %c0_i32 : i32, i32
  }
}

</mosaic_0001>

<sc_bundles>
// kernel: kernel.4.cloned.1.call-start
scs
__scs_entry_jumppad:
0x0: {  	(pc) =	sbr.rel $0x88, $3  }
0x1: {  	(tag) =	ssettag $0x0;
	lr =	simm.s32 $0x1  }
0x2: {  	[smem:$0x3F89] =	sst lr;
	_ =	strace $0xD0000000  }
0x3: {  	_ = 	snop  }
0x4: {  	_ = 	snop  }
0x5: {  	_ = 	snop  }
0x6: {  	_ = 	snop  }
0x7: {  	_ = 	snop  }
__scs_overlays_trampoline_lowered:
0x8: {  	[smem:$0x3F98] =	sst s0  }
0x9: {  	[smem:$0x3F99] =	sst s1  }
0xa: {  	[smem:$0x3F9A] =	sst s2  }
0xb: {  	[smem:$0x3F9B] =	sst s3  }
0xc: {  	[smem:$0x3F9C] =	sst s4  }
0xd: {  	[smem:$0x3F9D] =	sst s5  }
0xe: {  	[smem:$0x3F9E] =	sst s6  }
0xf: {  	[smem:$0x3F9F] =	sst s7  }
0x10: {  	[smem:$0x3FA0] =	sst s8  }
0x11: {  	[smem:$0x3FA1] =	sst s9;
	s0 =	simm.s32 @!p0 $0x0  }
0x12: {  	s1 =	sld [smem:$0x3F87];
	s0 =	simm.s32 @p0 $0x1  }
0x13: {  	[smem:$0x3FA2] =	sst s0;
	s0 =	simm.s32 @!p1 $0x0  }
0x14: {  	s2 =	sld [smem:$0x3F86];
	s0 =	simm.s32 @p1 $0x1  }
0x15: {  	[smem:$0x3FA3] =	sst s0;
	s0 =	simm.s32 @!p2 $0x0  }
0x16: {  	s3 =	sld [smem:$0x3FDB];
	s0 =	simm.s32 @p2 $0x1  }
0x17: {  	s4 =	simm.s32 $0x1BF5;
	[smem:$0x3FA5] =	sst s0  }
0x18: {  	s0 =	sld [smem:$0x3F88];
	_ =	swait.ge [sflag:s4], $0x0  }
0x19: {  	s7 =	sld [smem:$0x3F89]  }
0x1a: {  	s8 =	sadd.s32 $0xFFFFE003, lr  }
0x1b: {  	s9 =	sadd.s32 $0xFFFFFEF7, lr;
	s5 =	simm.s32 $0xFFFFFFFF;
	p2 =	slt.u32 s8, $0xFFFFF086  }
0x1c: {  	p1 =	slt.u32 s9, $0xF7A;
	s5 =	simm.s32 @!p2 $0x0  }
0x1d: {  	s5 =	simm.s32 @p1 $0x1;
	p0 =	seq.s32 s7, s2  }
0x1e: {  	s7 =	smul.u32 @!p0 $0xF7A, s2;
	p2 =	seq.s32 @!p0 s5, $0x0  }
0x1f: {  	s9 =	smul.u32 $0xF7A, s1;
	s8 =	simm.s32 @!p0 $0x1BF5;
	p2 =	por !p2, p0  }
0x20: {  	[sflag:s8] =	ssyncset.s32 @!p0 $0xFFFFF086;
	s6 =	sadd.s32 @!p0 s3, s7;
	s7 =	simm.s32 @!p0 $0x108  }
0x21: {  	s3 =	sadd.s32 s3, s9;
	s6 =	sadd.s32 @!p0 $0x88, s6;
	s7 =	simm.s32 @p2 $0x1082  }
0x22: {  	[simem:s7], [sflag:s8] =	dma.local @!p0 [hbm:s6], $0xF7A  }
0x23: {  	s9 =	sor.u32 $0xD0000000, s2;
	s6 =	simm.s32 $0x108;
	_ =	swait.ge @!p0 [sflag:s8], $0x0  }
0x24: {  	s3 =	sadd.s32 $0x88, s3;
	s6 =	simm.s32 @!p1 $0x1082;
	[sflag:s4] =	ssyncset.s32 $0xFFFFF086  }
0x25: {  	[simem:s6], [sflag:s4] =	dma.local [hbm:s3], $0xF7A  }
0x26: {  	[smem:$0x3F89] =	sst s1;
	(tag) =	ssettag s2;
	_ =	strace s9  }
0x27: {  	s1 =	sld [smem:$0x3F99]  }
0x28: {  	s2 =	sld [smem:$0x3F9A]  }
0x29: {  	s4 =	sld [smem:$0x3F9C]  }
0x2a: {  	p0 =	seq.s32 s5, $0x0;
	s5 =	sld [smem:$0x3F9D]  }
0x2b: {  	s6 =	sld [smem:$0x3F9E]  }
0x2c: {  	s7 =	sld [smem:$0x3F9F]  }
0x2d: {  	s3 =	simm.s32 $0x108;
	s8 =	sld [smem:$0x3FA0]  }
0x2e: {  	s3 =	simm.s32 @!p0 $0x1082;
	s9 =	sld [smem:$0x3FA1]  }
0x2f: {  	lr =	sadd.s32 s0, s3;
	s0 =	sld [smem:$0x3F98]  }
0x30: {  	s3 =	sld [smem:$0x3F9B]  }
0x31: {  	[smem:$0x3FA4] =	sst s10  }
0x32: {  	s10 =	sld [smem:$0x3FA2];
	_ =	sdelay $0x3  }
0x33: {  	p0 =	seq.s32 s10, $0x1;
	s10 =	sld [smem:$0x3FA4];
	_ =	sdelay $0x3  }
0x34: {  	[smem:$0x3FA4] =	sst s10  }
0x35: {  	s10 =	sld [smem:$0x3FA3];
	_ =	sdelay $0x3  }
0x36: {  	p1 =	seq.s32 s10, $0x1;
	s10 =	sld [smem:$0x3FA4];
	_ =	sdelay $0x3  }
0x37: {  	[smem:$0x3FA4] =	sst s10  }
0x38: {  	s10 =	sld [smem:$0x3FA5]  }
0x39: {  	_ = 	snop;
	(pc) =	sbr.ind lr, $3  }
0x3a: {  	_ = 	snop  }
0x3b: {  	_ = 	snop  }
0x3c: {  	p2 =	seq.s32 s10, $0x1;
	s10 =	sld [smem:$0x3FA4]  }
0x3d: {  	_ =	shalt  }
0x3e: {  	_ =	shalt  }
0x3f: {  	_ =	shalt  }
0x40: {  	_ =	shalt  }
0x41: {  	_ =	shalt  }
0x42: {  	_ =	shalt  }
0x43: {  	_ =	shalt  }
0x44: {  	_ =	shalt  }
0x45: {  	_ =	shalt  }
0x46: {  	_ =	shalt  }
0x47: {  	_ =	shalt  }
0x48: {  	_ =	shalt  }
0x49: {  	_ =	shalt  }
0x4a: {  	_ =	shalt  }
0x4b: {  	_ =	shalt  }
0x4c: {  	_ =	shalt  }
0x4d: {  	_ =	shalt  }
0x4e: {  	_ =	shalt  }
0x4f: {  	_ =	shalt  }
0x50: {  	_ =	shalt  }
0x51: {  	_ =	shalt  }
0x52: {  	_ =	shalt  }
0x53: {  	_ =	shalt  }
0x54: {  	_ =	shalt  }
0x55: {  	_ =	shalt  }
0x56: {  	_ =	shalt  }
0x57: {  	_ =	shalt  }
0x58: {  	_ =	shalt  }
0x59: {  	_ =	shalt  }
0x5a: {  	_ =	shalt  }
0x5b: {  	_ =	shalt  }
0x5c: {  	_ =	shalt  }
0x5d: {  	_ =	shalt  }
0x5e: {  	_ =	shalt  }
0x5f: {  	_ =	shalt  }
0x60: {  	_ =	shalt  }
0x61: {  	_ =	shalt  }
0x62: {  	_ =	shalt  }
0x63: {  	_ =	shalt  }
0x64: {  	_ =	shalt  }
0x65: {  	_ =	shalt  }
0x66: {  	_ =	shalt  }
0x67: {  	_ =	shalt  }
0x68: {  	_ =	shalt  }
0x69: {  	_ =	shalt  }
0x6a: {  	_ =	shalt  }
0x6b: {  	_ =	shalt  }
0x6c: {  	_ =	shalt  }
0x6d: {  	_ =	shalt  }
0x6e: {  	_ =	shalt  }
0x6f: {  	_ =	shalt  }
0x70: {  	_ =	shalt  }
0x71: {  	_ =	shalt  }
0x72: {  	_ =	shalt  }
0x73: {  	_ =	shalt  }
0x74: {  	_ =	shalt  }
0x75: {  	_ =	shalt  }
0x76: {  	_ =	shalt  }
0x77: {  	_ =	shalt  }
0x78: {  	_ =	shalt  }
0x79: {  	_ =	shalt  }
0x7a: {  	_ =	shalt  }
0x7b: {  	_ =	shalt  }
0x7c: {  	_ =	shalt  }
0x7d: {  	_ =	shalt  }
0x7e: {  	_ =	shalt  }
0x7f: {  	_ =	shalt  }
0x80: {  	_ =	shalt  }
0x81: {  	_ =	shalt  }
0x82: {  	_ =	shalt  }
0x83: {  	_ =	shalt  }
0x84: {  	_ =	shalt  }
0x85: {  	_ =	shalt  }
0x86: {  	_ =	shalt  }
0x87: {  	_ =	shalt  }
.Lfunc_end0:
.L_simem_size_0:
called_computation_lowered:
.L_overlay_start_0:
0x88: {  	s2 =	sld [smem:$0x3FD9]  }
0x89: {  	s3 =	sld [smem:$0x3FFE];
	_ =	sdelay $0x1  }
0x8a: {  	s1 =	srdreg.scid  }
0x8b: {  	s0 =	sand.u32 $0x1, s1  }
0x8c: {  	s18 =	sshll.u32 s0, $0xA;
	s2 =	sadd.s32 s3, s2  }
0x8d: {  	s2 =	sadd.s32 s2, s18  }
0x8e: {  	[smem:$0x3FB0] =	sst s2  }
0x8f: {  	_ = 	snop  }
0x90: {  	s2 =	sld [smem:$0x3FC8]  }
0x91: {  	s19 =	sld [smem:$0x3FD0];
	(tm) =	ssettm $0x1  }
0x92: {  	s4 =	sld [smem:$0x3FFB];
	_ =	sdelay $0x3  }
0x93: {  	_ =	strace s4  }
0x94: {  	s4 =	sld [smem:$0x3FFC];
	_ =	sdelay $0x3  }
0x95: {  	_ =	strace s4  }
0x96: {  	s4 =	sld [smem:$0x3FFD];
	_ =	sdelay $0x3  }
0x97: {  	_ =	strace s4  }
0x98: {  	_ =	strace $0x8FFFFFFF  }
0x99: {  	s20 =	sld [smem:$0x3FDB];
	_ =	sdelay $0x1  }
0x9a: {  	s5 =	simm.s32 $_scs_section_size  }
0x9b: {  	s6 =	simm.s32 $_size__tile_overlayer_lowered;
	s7 =	simm.s32 $_tile_overlayer_lowered  }
0x9c: {  	s23 =	simm.s32 $0x1BFF;
	s22 =	sshll.u32 s7, $0x1;
	s4 =	sadd.s32 s5, s20  }
0x9d: {  	s8 =	simm.s32 $0x0;
	s21 =	sshll.u32 s6, $0x1;
	s6 =	sadd.s32 s22, s4  }
0x9e: {  	[timem:s8], [sflag:s23] =	dma.local [hbm:s6], s21  }
0x9f: {  	_ =	swait.ge [sflag:s23], s21  }
0xa0: {  	s5 =	ssub.s32 $0x0, s21;
	[sflag:s23] =	ssyncset.done $0x0  }
0xa1: {  	[sflag:s23] =	ssyncadd.s32 s5;
	_ =	sdelay $0x1  }
0xa2: {  	s24 =	simm.s32 $0x1B8B  }
0xa3: {  	_ =	swait.ge [sflag:s24], $0x1  }
0xa4: {  	[sflag:s24] =	ssyncset.done $0x0  }
0xa5: {  	s25 =	simm.s32 $0x1B8E;
	[sflag:s24] =	ssyncadd.s32 $0xFFFFFFFF  }
0xa6: {  	s26 =	simm.s32 $execute0_lowered;
	[smem:$0x3FD2] =	sst s25  }
0xa7: {  	s5 =	sshll.u32 s26, $0x1;
	_ =	strace $0x80000046;
	[dreg:$0x1] =	wrdreg $0xFFFFFFFF  }
0xa8: {  	s28 =	simm.s32 $_size_execute0_lowered;
	s4 =	sadd.s32 s4, s5;
	[dreg:$0x0] =	wrdreg $0x0  }
0xa9: {  	s5 =	sshll.u32 s28, $0x1;
	[dreg:$0x2] =	wrdreg s4  }
0xaa: {  	[dreg:$0x3] =	wrdreg s5  }
0xab: {  	[dreg:$0x4] =	wrdreg $0xC0  }
0xac: {  	_ =	task [dreg:s8], $0x5FFFF  }
0xad: {  	[dreg:$0x1] =	wrdreg $0xFFFFFFFF  }
0xae: {  	[dreg:$0x0] =	wrdreg $0x60  }
0xaf: {  	[dreg:$0x2] =	wrdreg s2  }
0xb0: {  	[dreg:$0x3] =	wrdreg s19  }
0xb1: {  	[dreg:$0x4] =	wrdreg $0x18000  }
0xb2: {  	[dreg:$0x5] =	wrdreg $0x9  }
0xb3: {  	_ =	task.clear_ibuf [dreg:s8], $0x6FFFF;
	_ =	strace $0x90000046  }
0xb4: {  	s29 =	simm.s32 $0x9;
	_ =	strace $0x80000048  }
0xb5: {  	_ =	swait.ge [sflag:s29], $0x1  }
0xb6: {  	[sflag:s29] =	ssyncadd.s32 $0xFFFFFFFF  }
0xb7: {  	_ =	strace $0x90000048  }
0xb8: {  	_ =	sfence  }
0xb9: {  	s30 =	sld [smem:$0x0];
	_ =	sdelay $0x2  }
0xba: {  	s31 =	sshll.u32 s1, $0xD;
	s1 =	sshrl.u32 s1, $0x2  }
0xbb: {  	s3 =	sand.u32 $0x4000, s31;
	s1 =	sadd.s32 s1, s30  }
0xbc: {  	s0 =	sor.u32 s3, s0;
	s1 =	sshll.u32 s1, $0x11  }
0xbd: {  	s0 =	sor.u32 s1, s0  }
0xbe: {  	s0 =	sadd.s32 $0x8F2B, s0  }
0xbf: {  	[sflag:s0] =	ssyncadd.remote.s32 $0x1  }
0xc0: {  	_ =	sfence.sel $0xFFFF  }
0xc1: {  	[dreg:$0x0] =	wrdreg $0xFFFFFFFF;
	(pc) =	sbr.abs _section_cstart, $3  }
0xc2: {  	[dreg:$0x1] =	wrdreg $0xFFFFFFFF  }
0xc3: {  	_ =	task.clear_ibuf [dreg:s8], $0x2FFFF;
	_ =	strace $0x9FFFFFFF  }
0xc4: {  	(tm) =	ssettm $0x7FFFFFFF  }
0xc5: {  	_ =	shalt  }
tec
execute0_lowered:
.L_overlay_start_1:
0x0: {  	(tag) =	ssettag $0x1  }
0x1: {  	s0 =	srdreg.scid  }
0x2: {  	s5 =	sand.u32 $0x1, s0;
	s0 =	stileid.u32  }
0x3: {  	s6 =	sshll.u32 s0, $0x1;
	s7 =	ssub.s32 $0x0, s5  }
0x4: {  	p0 =	sne.s32 s6, s7  }
.Ltmp0:
0x5: {  	_ = 	snop;
	(pc) =	sbr.rel @p0 .LBB2_3-.Ltmp0, $4  }
0x6: {  	s1 =	rddreg [dreg:$0x0]  }
0x7: {  	s3 =	rddreg [dreg:$0x1]  }
0x8: {  	s4 =	rddreg [dreg:$0x2]  }
0x9: {  	s2 =	rddreg [dreg:$0x3];
	_ =	strace $0x80000047  }
0xa: {  	s5 =	ssub.s32 $0x2, s5  }
0xb: {  	s7 =	simm.s32 $0x1;
	s8 =	simm.s32 $0x800;
	s6 =	sshrl.u32 s5, $0x1  }
0xc: {  	s9 =	simm.s32 $0x200;
	s10 =	simm.s32 $0x400;
	s5 =	ssub.s32 s5, s6  }
0xd: {  	v0 =	vimm.f32 $0.0e+00;
	v1 =	vimm.f32 $1.000000000e+00;
	s11 =	simm.s32 $0x600;
	s6 =	simm.s32 $0x0;
	s5 =	smax.u32 s5, $0x1  }
.LBB2_2:
0xe: {  	[tilespmem:s6], [sflag:$0x1] =	stream.linear.gather [hbm4b:s1+s6], $0x400, $0x38;
	[tilespmem:$0x1900] =	vst v63  }
0xf: {  	_ =	swait.ge [sflag:s7], $0x400  }
0x10: {  	[sflag:s7] =	ssyncset.done $0x0  }
0x11: {  	[sflag:s7] =	ssyncadd.s32 $0xFFFFFC00  }
0x12: {  	[tilespmem:$0x800] =	vst v0  }
0x13: {  	[tilespmem:$0x810] =	vst v0  }
0x14: {  	[tilespmem:$0x820] =	vst v0  }
0x15: {  	[tilespmem:$0x830] =	vst v0  }
0x16: {  	[tilespmem:$0x840] =	vst v0  }
0x17: {  	[tilespmem:$0x850] =	vst v0  }
0x18: {  	[tilespmem:$0x860] =	vst v0  }
0x19: {  	[tilespmem:$0x870] =	vst v0  }
0x1a: {  	[tilespmem:$0x880] =	vst v0  }
0x1b: {  	[tilespmem:$0x890] =	vst v0  }
0x1c: {  	[tilespmem:$0x8A0] =	vst v0  }
0x1d: {  	[tilespmem:$0x8B0] =	vst v0  }
0x1e: {  	[tilespmem:$0x8C0] =	vst v0  }
0x1f: {  	[tilespmem:$0x8D0] =	vst v0  }
0x20: {  	[tilespmem:$0x8E0] =	vst v0  }
0x21: {  	[tilespmem:$0x8F0] =	vst v0  }
0x22: {  	[tilespmem:$0x900] =	vst v0  }
0x23: {  	[tilespmem:$0x910] =	vst v0  }
0x24: {  	[tilespmem:$0x920] =	vst v0  }
0x25: {  	[tilespmem:$0x930] =	vst v0  }
0x26: {  	[tilespmem:$0x940] =	vst v0  }
0x27: {  	[tilespmem:$0x950] =	vst v0  }
0x28: {  	[tilespmem:$0x960] =	vst v0  }
0x29: {  	[tilespmem:$0x970] =	vst v0  }
0x2a: {  	[tilespmem:$0x980] =	vst v0  }
0x2b: {  	[tilespmem:$0x990] =	vst v0  }
0x2c: {  	[tilespmem:$0x9A0] =	vst v0  }
0x2d: {  	[tilespmem:$0x9B0] =	vst v0  }
0x2e: {  	[tilespmem:$0x9C0] =	vst v0  }
0x2f: {  	[tilespmem:$0x9D0] =	vst v0  }
0x30: {  	[tilespmem:$0x9E0] =	vst v0  }
0x31: {  	[tilespmem:$0x9F0] =	vst v0  }
0x32: {  	[tilespmem:$0xA00] =	vst v0  }
0x33: {  	[tilespmem:$0xA10] =	vst v0  }
0x34: {  	[tilespmem:$0xA20] =	vst v0  }
0x35: {  	[tilespmem:$0xA30] =	vst v0  }
0x36: {  	[tilespmem:$0xA40] =	vst v0  }
0x37: {  	[tilespmem:$0xA50] =	vst v0  }
0x38: {  	[tilespmem:$0xA60] =	vst v0  }
0x39: {  	[tilespmem:$0xA70] =	vst v0  }
0x3a: {  	[tilespmem:$0xA80] =	vst v0  }
0x3b: {  	[tilespmem:$0xA90] =	vst v0  }
0x3c: {  	[tilespmem:$0xAA0] =	vst v0  }
0x3d: {  	[tilespmem:$0xAB0] =	vst v0  }
0x3e: {  	[tilespmem:$0xAC0] =	vst v0  }
0x3f: {  	[tilespmem:$0xAD0] =	vst v0  }
0x40: {  	[tilespmem:$0xAE0] =	vst v0  }
0x41: {  	[tilespmem:$0xAF0] =	vst v0  }
0x42: {  	[tilespmem:$0xB00] =	vst v0  }
0x43: {  	[tilespmem:$0xB10] =	vst v0  }
0x44: {  	[tilespmem:$0xB20] =	vst v0  }
0x45: {  	[tilespmem:$0xB30] =	vst v0  }
0x46: {  	[tilespmem:$0xB40] =	vst v0  }
0x47: {  	[tilespmem:$0xB50] =	vst v0  }
0x48: {  	[tilespmem:$0xB60] =	vst v0  }
0x49: {  	[tilespmem:$0xB70] =	vst v0  }
0x4a: {  	[tilespmem:$0xB80] =	vst v0  }
0x4b: {  	[tilespmem:$0xB90] =	vst v0  }
0x4c: {  	[tilespmem:$0xBA0] =	vst v0  }
0x4d: {  	[tilespmem:$0xBB0] =	vst v0  }
0x4e: {  	[tilespmem:$0xBC0] =	vst v0  }
0x4f: {  	[tilespmem:$0xBD0] =	vst v0  }
0x50: {  	[tilespmem:$0xBE0] =	vst v0  }
0x51: {  	[tilespmem:$0xBF0] =	vst v0  }
0x52: {  	[tilespmem:$0xC00] =	vst v0  }
0x53: {  	[tilespmem:$0xC10] =	vst v0  }
0x54: {  	[tilespmem:$0xC20] =	vst v0  }
0x55: {  	[tilespmem:$0xC30] =	vst v0  }
0x56: {  	[tilespmem:$0xC40] =	vst v0  }
0x57: {  	[tilespmem:$0xC50] =	vst v0  }
0x58: {  	[tilespmem:$0xC60] =	vst v0  }
0x59: {  	[tilespmem:$0xC70] =	vst v0  }
0x5a: {  	[tilespmem:$0xC80] =	vst v0  }
0x5b: {  	[tilespmem:$0xC90] =	vst v0  }
0x5c: {  	[tilespmem:$0xCA0] =	vst v0  }
0x5d: {  	[tilespmem:$0xCB0] =	vst v0  }
0x5e: {  	[tilespmem:$0xCC0] =	vst v0  }
0x5f: {  	[tilespmem:$0xCD0] =	vst v0  }
0x60: {  	[tilespmem:$0xCE0] =	vst v0  }
0x61: {  	[tilespmem:$0xCF0] =	vst v0  }
0x62: {  	[tilespmem:$0xD00] =	vst v0  }
0x63: {  	[tilespmem:$0xD10] =	vst v0  }
0x64: {  	[tilespmem:$0xD20] =	vst v0  }
0x65: {  	[tilespmem:$0xD30] =	vst v0  }
0x66: {  	[tilespmem:$0xD40] =	vst v0  }
0x67: {  	[tilespmem:$0xD50] =	vst v0  }
0x68: {  	[tilespmem:$0xD60] =	vst v0  }
0x69: {  	[tilespmem:$0xD70] =	vst v0  }
0x6a: {  	[tilespmem:$0xD80] =	vst v0  }
0x6b: {  	[tilespmem:$0xD90] =	vst v0  }
0x6c: {  	[tilespmem:$0xDA0] =	vst v0  }
0x6d: {  	[tilespmem:$0xDB0] =	vst v0  }
0x6e: {  	[tilespmem:$0xDC0] =	vst v0  }
0x6f: {  	[tilespmem:$0xDD0] =	vst v0  }
0x70: {  	[tilespmem:$0xDE0] =	vst v0  }
0x71: {  	[tilespmem:$0xDF0] =	vst v0  }
0x72: {  	[tilespmem:$0xE00] =	vst v0  }
0x73: {  	[tilespmem:$0xE10] =	vst v0  }
0x74: {  	[tilespmem:$0xE20] =	vst v0  }
0x75: {  	[tilespmem:$0xE30] =	vst v0  }
0x76: {  	[tilespmem:$0xE40] =	vst v0  }
0x77: {  	[tilespmem:$0xE50] =	vst v0  }
0x78: {  	[tilespmem:$0xE60] =	vst v0  }
0x79: {  	[tilespmem:$0xE70] =	vst v0  }
0x7a: {  	[tilespmem:$0xE80] =	vst v0  }
0x7b: {  	[tilespmem:$0xE90] =	vst v0  }
0x7c: {  	[tilespmem:$0xEA0] =	vst v0  }
0x7d: {  	[tilespmem:$0xEB0] =	vst v0  }
0x7e: {  	[tilespmem:$0xEC0] =	vst v0  }
0x7f: {  	[tilespmem:$0xED0] =	vst v0  }
0x80: {  	[tilespmem:$0xEE0] =	vst v0  }
0x81: {  	[tilespmem:$0xEF0] =	vst v0  }
0x82: {  	[tilespmem:$0xF00] =	vst v0  }
0x83: {  	[tilespmem:$0xF10] =	vst v0  }
0x84: {  	[tilespmem:$0xF20] =	vst v0  }
0x85: {  	[tilespmem:$0xF30] =	vst v0  }
0x86: {  	[tilespmem:$0xF40] =	vst v0  }
0x87: {  	[tilespmem:$0xF50] =	vst v0  }
0x88: {  	[tilespmem:$0xF60] =	vst v0  }
0x89: {  	[tilespmem:$0xF70] =	vst v0  }
0x8a: {  	[tilespmem:$0xF80] =	vst v0  }
0x8b: {  	[tilespmem:$0xF90] =	vst v0  }
0x8c: {  	[tilespmem:$0xFA0] =	vst v0  }
0x8d: {  	[tilespmem:$0xFB0] =	vst v0  }
0x8e: {  	[tilespmem:$0xFC0] =	vst v0  }
0x8f: {  	[tilespmem:$0xFD0] =	vst v0  }
0x90: {  	[tilespmem:$0xFE0] =	vst v0  }
0x91: {  	[tilespmem:$0xFF0] =	vst v0  }
0x92: {  	[tilespmem:$0x1000] =	vst v0  }
0x93: {  	[tilespmem:$0x1010] =	vst v0  }
0x94: {  	[tilespmem:$0x1020] =	vst v0  }
0x95: {  	[tilespmem:$0x1030] =	vst v0  }
0x96: {  	[tilespmem:$0x1040] =	vst v0  }
0x97: {  	[tilespmem:$0x1050] =	vst v0  }
0x98: {  	[tilespmem:$0x1060] =	vst v0  }
0x99: {  	[tilespmem:$0x1070] =	vst v0  }
0x9a: {  	[tilespmem:$0x1080] =	vst v0  }
0x9b: {  	[tilespmem:$0x1090] =	vst v0  }
0x9c: {  	[tilespmem:$0x10A0] =	vst v0  }
0x9d: {  	[tilespmem:$0x10B0] =	vst v0  }
0x9e: {  	[tilespmem:$0x10C0] =	vst v0  }
0x9f: {  	[tilespmem:$0x10D0] =	vst v0  }
0xa0: {  	[tilespmem:$0x10E0] =	vst v0  }
0xa1: {  	[tilespmem:$0x10F0] =	vst v0  }
0xa2: {  	[tilespmem:$0x1100] =	vst v0  }
0xa3: {  	[tilespmem:$0x1110] =	vst v0  }
0xa4: {  	[tilespmem:$0x1120] =	vst v0  }
0xa5: {  	[tilespmem:$0x1130] =	vst v0  }
0xa6: {  	[tilespmem:$0x1140] =	vst v0  }
0xa7: {  	[tilespmem:$0x1150] =	vst v0  }
0xa8: {  	[tilespmem:$0x1160] =	vst v0  }
0xa9: {  	[tilespmem:$0x1170] =	vst v0  }
0xaa: {  	[tilespmem:$0x1180] =	vst v0  }
0xab: {  	[tilespmem:$0x1190] =	vst v0  }
0xac: {  	[tilespmem:$0x11A0] =	vst v0  }
0xad: {  	[tilespmem:$0x11B0] =	vst v0  }
0xae: {  	[tilespmem:$0x11C0] =	vst v0  }
0xaf: {  	[tilespmem:$0x11D0] =	vst v0  }
0xb0: {  	[tilespmem:$0x11E0] =	vst v0  }
0xb1: {  	[tilespmem:$0x11F0] =	vst v0  }
0xb2: {  	[tilespmem:$0x1200] =	vst v0  }
0xb3: {  	[tilespmem:$0x1210] =	vst v0  }
0xb4: {  	[tilespmem:$0x1220] =	vst v0  }
0xb5: {  	[tilespmem:$0x1230] =	vst v0  }
0xb6: {  	[tilespmem:$0x1240] =	vst v0  }
0xb7: {  	[tilespmem:$0x1250] =	vst v0  }
0xb8: {  	[tilespmem:$0x1260] =	vst v0  }
0xb9: {  	[tilespmem:$0x1270] =	vst v0  }
0xba: {  	[tilespmem:$0x1280] =	vst v0  }
0xbb: {  	[tilespmem:$0x1290] =	vst v0  }
0xbc: {  	[tilespmem:$0x12A0] =	vst v0  }
0xbd: {  	[tilespmem:$0x12B0] =	vst v0  }
0xbe: {  	[tilespmem:$0x12C0] =	vst v0  }
0xbf: {  	[tilespmem:$0x12D0] =	vst v0  }
0xc0: {  	[tilespmem:$0x12E0] =	vst v0  }
0xc1: {  	[tilespmem:$0x12F0] =	vst v0  }
0xc2: {  	[tilespmem:$0x1300] =	vst v0  }
0xc3: {  	[tilespmem:$0x1310] =	vst v0  }
0xc4: {  	[tilespmem:$0x1320] =	vst v0  }
0xc5: {  	[tilespmem:$0x1330] =	vst v0  }
0xc6: {  	[tilespmem:$0x1340] =	vst v0  }
0xc7: {  	[tilespmem:$0x1350] =	vst v0  }
0xc8: {  	[tilespmem:$0x1360] =	vst v0  }
0xc9: {  	[tilespmem:$0x1370] =	vst v0  }
0xca: {  	[tilespmem:$0x1380] =	vst v0  }
0xcb: {  	[tilespmem:$0x1390] =	vst v0  }
0xcc: {  	[tilespmem:$0x13A0] =	vst v0  }
0xcd: {  	[tilespmem:$0x13B0] =	vst v0  }
0xce: {  	[tilespmem:$0x13C0] =	vst v0  }
0xcf: {  	[tilespmem:$0x13D0] =	vst v0  }
0xd0: {  	[tilespmem:$0x13E0] =	vst v0  }
0xd1: {  	[tilespmem:$0x13F0] =	vst v0  }
0xd2: {  	[tilespmem:$0x1400] =	vst v0  }
0xd3: {  	[tilespmem:$0x1410] =	vst v0  }
0xd4: {  	[tilespmem:$0x1420] =	vst v0  }
0xd5: {  	[tilespmem:$0x1430] =	vst v0  }
0xd6: {  	[tilespmem:$0x1440] =	vst v0  }
0xd7: {  	[tilespmem:$0x1450] =	vst v0  }
0xd8: {  	[tilespmem:$0x1460] =	vst v0  }
0xd9: {  	[tilespmem:$0x1470] =	vst v0  }
0xda: {  	[tilespmem:$0x1480] =	vst v0  }
0xdb: {  	[tilespmem:$0x1490] =	vst v0  }
0xdc: {  	[tilespmem:$0x14A0] =	vst v0  }
0xdd: {  	[tilespmem:$0x14B0] =	vst v0  }
0xde: {  	[tilespmem:$0x14C0] =	vst v0  }
0xdf: {  	[tilespmem:$0x14D0] =	vst v0  }
0xe0: {  	[tilespmem:$0x14E0] =	vst v0  }
0xe1: {  	[tilespmem:$0x14F0] =	vst v0  }
0xe2: {  	[tilespmem:$0x1500] =	vst v0  }
0xe3: {  	[tilespmem:$0x1510] =	vst v0  }
0xe4: {  	[tilespmem:$0x1520] =	vst v0  }
0xe5: {  	[tilespmem:$0x1530] =	vst v0  }
0xe6: {  	[tilespmem:$0x1540] =	vst v0  }
0xe7: {  	[tilespmem:$0x1550] =	vst v0  }
0xe8: {  	[tilespmem:$0x1560] =	vst v0  }
0xe9: {  	[tilespmem:$0x1570] =	vst v0  }
0xea: {  	[tilespmem:$0x1580] =	vst v0  }
0xeb: {  	[tilespmem:$0x1590] =	vst v0  }
0xec: {  	[tilespmem:$0x15A0] =	vst v0  }
0xed: {  	[tilespmem:$0x15B0] =	vst v0  }
0xee: {  	[tilespmem:$0x15C0] =	vst v0  }
0xef: {  	[tilespmem:$0x15D0] =	vst v0  }
0xf0: {  	[tilespmem:$0x15E0] =	vst v0  }
0xf1: {  	[tilespmem:$0x15F0] =	vst v0  }
0xf2: {  	[tilespmem:$0x1600] =	vst v0  }
0xf3: {  	[tilespmem:$0x1610] =	vst v0  }
0xf4: {  	[tilespmem:$0x1620] =	vst v0  }
0xf5: {  	[tilespmem:$0x1630] =	vst v0  }
0xf6: {  	[tilespmem:$0x1640] =	vst v0  }
0xf7: {  	[tilespmem:$0x1650] =	vst v0  }
0xf8: {  	[tilespmem:$0x1660] =	vst v0  }
0xf9: {  	[tilespmem:$0x1670] =	vst v0  }
0xfa: {  	[tilespmem:$0x1680] =	vst v0  }
0xfb: {  	[tilespmem:$0x1690] =	vst v0  }
0xfc: {  	[tilespmem:$0x16A0] =	vst v0  }
0xfd: {  	[tilespmem:$0x16B0] =	vst v0  }
0xfe: {  	[tilespmem:$0x16C0] =	vst v0  }
0xff: {  	[tilespmem:$0x16D0] =	vst v0  }
0x100: {  	[tilespmem:$0x16E0] =	vst v0  }
0x101: {  	[tilespmem:$0x16F0] =	vst v0  }
0x102: {  	[tilespmem:$0x1700] =	vst v0  }
0x103: {  	[tilespmem:$0x1710] =	vst v0  }
0x104: {  	[tilespmem:$0x1720] =	vst v0  }
0x105: {  	[tilespmem:$0x1730] =	vst v0  }
0x106: {  	[tilespmem:$0x1740] =	vst v0  }
0x107: {  	[tilespmem:$0x1750] =	vst v0  }
0x108: {  	[tilespmem:$0x1760] =	vst v0  }
0x109: {  	[tilespmem:$0x1770] =	vst v0  }
0x10a: {  	[tilespmem:$0x1780] =	vst v0  }
0x10b: {  	[tilespmem:$0x1790] =	vst v0  }
0x10c: {  	[tilespmem:$0x17A0] =	vst v0  }
0x10d: {  	[tilespmem:$0x17B0] =	vst v0  }
0x10e: {  	[tilespmem:$0x17C0] =	vst v0  }
0x10f: {  	[tilespmem:$0x17D0] =	vst v0  }
0x110: {  	[tilespmem:$0x17E0] =	vst v0  }
0x111: {  	[tilespmem:$0x17F0] =	vst v0  }
0x112: {  	[spmem:s4] =	stream.linear.scatter [tilespmem:s8], [sflag:$0x1], $0x1000, $0x38;
	[tilespmem:$0x1900] =	vst v63  }
0x113: {  	_ =	swait.ge [sflag:s7], $0x1000  }
0x114: {  	[sflag:s7] =	ssyncset.done $0x0  }
0x115: {  	[sflag:s7] =	ssyncadd.s32 $0xFFFFF000  }
0x116: {  	v2 =	vld [tilespmem:$0x0]  }
0x117: {  	v3 =	vld [tilespmem:$0x80]  }
0x118: {  	v4 =	vld [tilespmem:$0x10]  }
0x119: {  	v5 =	vld [tilespmem:$0x90]  }
0x11a: {  	v6 =	vld [tilespmem:$0x20]  }
0x11b: {  	v7 =	vld [tilespmem:$0xA0]  }
0x11c: {  	v8 =	vld [tilespmem:$0x30]  }
0x11d: {  	v9 =	vld [tilespmem:$0xB0]  }
0x11e: {  	v10 =	vld [tilespmem:$0x40]  }
0x11f: {  	v11 =	vld [tilespmem:$0xC0]  }
0x120: {  	v12 =	vld [tilespmem:$0x50]  }
0x121: {  	v13 =	vld [tilespmem:$0xD0]  }
0x122: {  	v14 =	vld [tilespmem:$0x60]  }
0x123: {  	v15 =	vld [tilespmem:$0xE0]  }
0x124: {  	v16 =	vld [tilespmem:$0x70]  }
0x125: {  	v17 =	vld [tilespmem:$0xF0]  }
0x126: {  	v18 =	vld [tilespmem:$0x100]  }
0x127: {  	v19 =	vld [tilespmem:$0x180]  }
0x128: {  	v20 =	vld [tilespmem:$0x110]  }
0x129: {  	v21 =	vld [tilespmem:$0x190]  }
0x12a: {  	v22 =	vld [tilespmem:$0x120]  }
0x12b: {  	v23 =	vld [tilespmem:$0x1A0]  }
0x12c: {  	v24 =	vld [tilespmem:$0x130]  }
0x12d: {  	v25 =	vld [tilespmem:$0x1B0]  }
0x12e: {  	v26 =	vld [tilespmem:$0x140]  }
0x12f: {  	v27 =	vld [tilespmem:$0x1C0]  }
0x130: {  	v28 =	vld [tilespmem:$0x150]  }
0x131: {  	v29 =	vld [tilespmem:$0x1D0]  }
0x132: {  	v30 =	vld [tilespmem:$0x160]  }
0x133: {  	v31 =	vld [tilespmem:$0x1E0];
	v3 =	vshll.u32 v3, $0x6  }
0x134: {  	v42 =	vld [tilespmem:$0x170];
	[tilespmem:$0x600] =	vst v1;
	v2 =	vadd.s32 v2, v3;
	v3 =	vshll.u32 v5, $0x6  }
0x135: {  	v43 =	vld [tilespmem:$0x1F0];
	[tilespmem:$0x400] =	vst v2;
	v2 =	vadd.s32 v4, v3;
	v3 =	vshll.u32 v7, $0x6  }
0x136: {  	v44 =	vld [tilespmem:$0x200];
	[tilespmem:$0x410] =	vst v2;
	v2 =	vadd.s32 v6, v3;
	v3 =	vshll.u32 v9, $0x6  }
0x137: {  	v45 =	vld [tilespmem:$0x280];
	[tilespmem:$0x420] =	vst v2;
	v2 =	vadd.s32 v8, v3;
	v3 =	vshll.u32 v11, $0x6  }
0x138: {  	v46 =	vld [tilespmem:$0x210];
	[tilespmem:$0x430] =	vst v2;
	v2 =	vadd.s32 v10, v3;
	v3 =	vshll.u32 v13, $0x6  }
0x139: {  	v47 =	vld [tilespmem:$0x290];
	[tilespmem:$0x440] =	vst v2;
	v2 =	vadd.s32 v12, v3;
	v3 =	vshll.u32 v15, $0x6  }
0x13a: {  	v48 =	vld [tilespmem:$0x220];
	[tilespmem:$0x450] =	vst v2;
	v2 =	vadd.s32 v14, v3;
	v3 =	vshll.u32 v17, $0x6  }
0x13b: {  	v49 =	vld [tilespmem:$0x2A0];
	[tilespmem:$0x460] =	vst v2;
	v2 =	vadd.s32 v16, v3;
	v3 =	vshll.u32 v19, $0x6  }
0x13c: {  	v50 =	vld [tilespmem:$0x230];
	[tilespmem:$0x470] =	vst v2;
	v2 =	vadd.s32 v18, v3;
	v3 =	vshll.u32 v21, $0x6  }
0x13d: {  	v51 =	vld [tilespmem:$0x2B0];
	[tilespmem:$0x480] =	vst v2;
	v2 =	vadd.s32 v20, v3;
	v3 =	vshll.u32 v23, $0x6  }
0x13e: {  	v52 =	vld [tilespmem:$0x240];
	[tilespmem:$0x490] =	vst v2;
	v2 =	vadd.s32 v22, v3;
	v3 =	vshll.u32 v25, $0x6  }
0x13f: {  	v53 =	vld [tilespmem:$0x2C0];
	[tilespmem:$0x4A0] =	vst v2;
	v2 =	vadd.s32 v24, v3;
	v3 =	vshll.u32 v27, $0x6  }
0x140: {  	v54 =	vld [tilespmem:$0x250];
	[tilespmem:$0x4B0] =	vst v2;
	v2 =	vadd.s32 v26, v3;
	v3 =	vshll.u32 v29, $0x6  }
0x141: {  	v55 =	vld [tilespmem:$0x2D0];
	[tilespmem:$0x4C0] =	vst v2;
	v2 =	vadd.s32 v28, v3;
	v3 =	vshll.u32 v31, $0x6  }
0x142: {  	v56 =	vld [tilespmem:$0x260];
	[tilespmem:$0x4D0] =	vst v2;
	v2 =	vadd.s32 v30, v3;
	v3 =	vshll.u32 v43, $0x6  }
0x143: {  	v57 =	vld [tilespmem:$0x2E0];
	[tilespmem:$0x4E0] =	vst v2;
	v2 =	vadd.s32 v42, v3;
	v3 =	vshll.u32 v45, $0x6  }
0x144: {  	v58 =	vld [tilespmem:$0x270];
	[tilespmem:$0x4F0] =	vst v2;
	v2 =	vadd.s32 v44, v3;
	v3 =	vshll.u32 v47, $0x6  }
0x145: {  	v59 =	vld [tilespmem:$0x2F0];
	[tilespmem:$0x500] =	vst v2;
	v2 =	vadd.s32 v46, v3;
	v3 =	vshll.u32 v49, $0x6  }
0x146: {  	v60 =	vld [tilespmem:$0x380];
	[tilespmem:$0x510] =	vst v2;
	v2 =	vadd.s32 v48, v3;
	v3 =	vshll.u32 v51, $0x6  }
0x147: {  	v61 =	vld [tilespmem:$0x300];
	[tilespmem:$0x520] =	vst v2;
	v2 =	vadd.s32 v50, v3;
	v3 =	vshll.u32 v53, $0x6  }
0x148: {  	v62 =	vld [tilespmem:$0x390];
	[tilespmem:$0x530] =	vst v2;
	v2 =	vadd.s32 v52, v3;
	v3 =	vshll.u32 v55, $0x6  }
0x149: {  	v63 =	vld [tilespmem:$0x310];
	[tilespmem:$0x540] =	vst v2;
	v2 =	vadd.s32 v54, v3;
	v3 =	vshll.u32 v57, $0x6  }
0x14a: {  	[tilespmem:$0x550] =	vst v2;
	v2 =	vadd.s32 v56, v3;
	v3 =	vshll.u32 v59, $0x6  }
0x14b: {  	[tilespmem:$0x560] =	vst v2;
	v2 =	vadd.s32 v58, v3;
	v3 =	vshll.u32 v60, $0x6  }
0x14c: {  	[tilespmem:$0x570] =	vst v2;
	v2 =	vadd.s32 v61, v3  }
0x14d: {  	[tilespmem:$0x580] =	vst v2;
	v2 =	vshll.u32 v62, $0x6  }
0x14e: {  	[tilespmem:$0x610] =	vst v1;
	v3 =	vld [tilespmem:$0x3A0];
	v2 =	vadd.s32 v63, v2  }
0x14f: {  	[tilespmem:$0x590] =	vst v2;
	v2 =	vld [tilespmem:$0x320]  }
0x150: {  	[tilespmem:$0x620] =	vst v1  }
0x151: {  	[tilespmem:$0x630] =	vst v1  }
0x152: {  	[tilespmem:$0x640] =	vst v1  }
0x153: {  	[tilespmem:$0x650] =	vst v1;
	v3 =	vshll.u32 v3, $0x6  }
0x154: {  	[tilespmem:$0x660] =	vst v1;
	v2 =	vadd.s32 v2, v3;
	v3 =	vld [tilespmem:$0x3B0]  }
0x155: {  	[tilespmem:$0x5A0] =	vst v2;
	v2 =	vld [tilespmem:$0x330]  }
0x156: {  	[tilespmem:$0x670] =	vst v1  }
0x157: {  	[tilespmem:$0x680] =	vst v1  }
0x158: {  	[tilespmem:$0x690] =	vst v1  }
0x159: {  	[tilespmem:$0x6A0] =	vst v1;
	v3 =	vshll.u32 v3, $0x6  }
0x15a: {  	[tilespmem:$0x6B0] =	vst v1;
	v2 =	vadd.s32 v2, v3;
	v3 =	vld [tilespmem:$0x3C0]  }
0x15b: {  	[tilespmem:$0x5B0] =	vst v2;
	v2 =	vld [tilespmem:$0x340]  }
0x15c: {  	[tilespmem:$0x6C0] =	vst v1  }
0x15d: {  	[tilespmem:$0x6D0] =	vst v1  }
0x15e: {  	[tilespmem:$0x6E0] =	vst v1  }
0x15f: {  	[tilespmem:$0x6F0] =	vst v1;
	v3 =	vshll.u32 v3, $0x6  }
0x160: {  	[tilespmem:$0x700] =	vst v1;
	v2 =	vadd.s32 v2, v3;
	v3 =	vld [tilespmem:$0x3D0]  }
0x161: {  	[tilespmem:$0x5C0] =	vst v2;
	v2 =	vld [tilespmem:$0x350]  }
0x162: {  	[tilespmem:$0x710] =	vst v1  }
0x163: {  	[tilespmem:$0x720] =	vst v1  }
0x164: {  	[tilespmem:$0x730] =	vst v1  }
0x165: {  	[tilespmem:$0x740] =	vst v1;
	v3 =	vshll.u32 v3, $0x6  }
0x166: {  	[tilespmem:$0x750] =	vst v1;
	v2 =	vadd.s32 v2, v3;
	v3 =	vld [tilespmem:$0x3E0]  }
0x167: {  	[tilespmem:$0x5D0] =	vst v2;
	v2 =	vld [tilespmem:$0x360]  }
0x168: {  	[tilespmem:$0x760] =	vst v1  }
0x169: {  	[tilespmem:$0x770] =	vst v1  }
0x16a: {  	[tilespmem:$0x780] =	vst v1  }
0x16b: {  	[tilespmem:$0x790] =	vst v1;
	v3 =	vshll.u32 v3, $0x6  }
0x16c: {  	[tilespmem:$0x7A0] =	vst v1;
	v2 =	vadd.s32 v2, v3;
	v3 =	vld [tilespmem:$0x3F0]  }
0x16d: {  	[tilespmem:$0x5E0] =	vst v2;
	v2 =	vld [tilespmem:$0x370]  }
0x16e: {  	[tilespmem:$0x7B0] =	vst v1  }
0x16f: {  	[tilespmem:$0x7C0] =	vst v1  }
0x170: {  	[tilespmem:$0x7D0] =	vst v1  }
0x171: {  	[tilespmem:$0x7E0] =	vst v1;
	v3 =	vshll.u32 v3, $0x6  }
0x172: {  	[tilespmem:$0x7F0] =	vst v1;
	v2 =	vadd.s32 v2, v3  }
0x173: {  	[tilespmem:$0x5F0] =	vst v2  }
0x174: {  	[spmem:s4] =	stream.indirect.scatter.add.f32 [tilespmem:s11], [sflag:$0x1], $0x1, s10, s9, $0xb8;
	[tilespmem:$0x1900] =	vst v63  }
0x175: {  	_ =	swait.ge [sflag:s7], $0x200  }
0x176: {  	[sflag:s7] =	ssyncset.done $0x0  }
0x177: {  	[sflag:s7] =	ssyncadd.s32 $0xFFFFFE00  }
0x178: {  	[tilespmem:s8], [sflag:$0x1] =	stream.linear.gather [spmem:s4], $0x1000, $0x38;
	[tilespmem:$0x1900] =	vst v63  }
0x179: {  	_ =	swait.ge [sflag:s7], $0x1000  }
0x17a: {  	p0 =	sne.s32 s5, $0x1;
	[sflag:s7] =	ssyncset.done $0x0  }
.Ltmp1:
0x17b: {  	[sflag:s7] =	ssyncadd.s32 $0xFFFFF000;
	(pc) =	sbr.rel @p0 .LBB2_2-.Ltmp1, $4  }
0x17c: {  	[hbm4b:s3+s6] =	stream.linear.scatter [tilespmem:s8], [sflag:$0x1], $0x1000, $0x38;
	[tilespmem:$0x1900] =	vst v63  }
0x17d: {  	_ =	swait.ge [sflag:s7], $0x1000  }
0x17e: {  	[sflag:s7] =	ssyncset.done $0x0  }
0x17f: {  	s5 =	sadd.s32 $0xFFFFFFFF, s5;
	[sflag:s7] =	ssyncadd.s32 $0xFFFFF000  }
.LBB2_3:
0x180: {  	_ =	sfence.sel $0x180000  }
0x181: {  	[bflag:$0x0] =	sbarrier.arrive $0xFFFF  }
0x182: {  	p0 =	sne.s32 s0, $0x0;
	_ =	strace $0x90000047  }
0x183: {  	s0 =	sadd.s32 @!p0 $0x100000, s2;
	[bflag:$0x2] =	sbarrier.arrive $0xFFFF  }
0x184: {  	[sflag:s0] =	ssyncadd.tile.s32 @!p0 $0x1;
	_ =	shalt  }
.Lfunc_end2:
_tile_overlayer_lowered:
.L_overlay_start_2:
0x185: {  	(tag) =	ssettag $0x2  }
0x186: {  	s0 =	rddreg [dreg:$0x0];
	s2 =	stileid.u32  }
0x187: {  	s1 =	rddreg [dreg:$0x1];
	p0 =	sne.s32 s2, $0x0  }
0x188: {  	s3 =	rddreg [dreg:$0x2];
	[bflag:$0x3] =	sbarrier.arrive $0xFFFF;
	s2 =	simm.s32 @!p0 $0x1C01  }
0x189: {  	[timem:s3], [sflag:s2] =	dma.local @!p0 [hbm:s0], s1  }
0x18a: {  	s0 =	simm.s32 @!p0 $0x1  }
0x18b: {  	_ =	swait.ge @!p0 [sflag:s0], s1  }
0x18c: {  	s1 =	ssub.s32 @!p0 $0x0, s1;
	[sflag:s0] =	ssyncset.done @!p0 $0x0  }
0x18d: {  	[sflag:s0] =	ssyncadd.s32 @!p0 s1  }
0x18e: {  	[bflag:$0x3] =	sbarrier.arrive $0xFFFF  }
0x18f: {  	_ =	shalt  }

</sc_bundles>
